<compile_context>
chip_gen: v7x
topology: tpu7x:2x2x1
jax: 0.10.2.dev20260603
libtpu: 0.0.44.dev20260713+nightly
codegen_flags: <defaults>
</compile_context>

<pallas_src>
import functools

import jax
import jax.numpy as jnp
from jax import lax
from jax.experimental import pallas as pl
from jax.experimental.pallas import tpu as pltpu
from jax.experimental.pallas import tpu_sc as plsc

N = 10000
E = 320000
NC, NS = 2, 16
CHUNK = 64
DCHUNK = 128
EP = 327680
PAD = EP - E
ACC_ROWS = 10240
TRASH = N
NB = 4
NBD = 8
IW = 32
ROWB = CHUNK * 128 * 4
MAIN_CH = EP // NS // CHUNK
DEG_CH = EP // (NC * NS) // DCHUNK
RB = 1000
NRB = N // RB
STRIPE = 624

_mesh = plsc.VectorSubcoreMesh(
    core_axis_name="c", subcore_axis_name="s", num_cores=NC, num_subcores=NS
)



@functools.partial(
    pl.kernel,
    out_type=jax.ShapeDtypeStruct((NC, N, 128), jnp.float32),
    mesh=_mesh,
    scratch_types=[
        pltpu.VMEM((DEG_CH, DCHUNK), jnp.int32),
        pltpu.VMEM((DCHUNK, 128), jnp.float32),
        pltpu.VMEM_SHARED((ACC_ROWS, 128), jnp.float32),
        pltpu.SemaphoreType.DMA,
    ],
)
def _deg_kernel(dst_hbm, ones_hbm, zeros_hbm, degp_hbm, dstv, onesv, acc, sem):
    c = lax.axis_index("c")
    s = lax.axis_index("s")
    pltpu.sync_copy(dst_hbm.at[c, s], dstv)
    pltpu.sync_copy(ones_hbm, onesv)
    pltpu.sync_copy(zeros_hbm, acc.at[pl.ds(s * (ACC_ROWS // NS), ACC_ROWS // NS)])
    plsc.subcore_barrier()

    def body(i, carry):
        hs = []
        for b in range(NBD):
            j = i * NBD + b
            hs.append(pltpu.async_copy(onesv, acc.at[dstv.at[j]], sem, add=True))
        for h in hs:
            h.wait()
        return carry

    lax.fori_loop(0, DEG_CH // NBD, body, 0)
    plsc.subcore_barrier()
    pltpu.sync_copy(
        acc.at[pl.ds(s * STRIPE, STRIPE)],
        degp_hbm.at[c, pl.ds(s * STRIPE, STRIPE)],
    )

    @pl.when(s == NS - 1)
    def _():
        pltpu.sync_copy(
            acc.at[pl.ds(NS * STRIPE, N - NS * STRIPE)],
            degp_hbm.at[c, pl.ds(NS * STRIPE, N - NS * STRIPE)],
        )


@functools.partial(
    pl.kernel,
    out_type=jax.ShapeDtypeStruct((NC, N, 128), jnp.float32),
    mesh=_mesh,
    scratch_types=[
        pltpu.VMEM((IW, CHUNK), jnp.int32),
        pltpu.VMEM((IW, CHUNK), jnp.int32),
        pltpu.VMEM((NB, CHUNK, 128), jnp.float32),
        pltpu.VMEM_SHARED((ACC_ROWS, 128), jnp.float32),
        pltpu.SemaphoreType.DMA,
    ] + [pltpu.SemaphoreType.DMA] * NB,
)
def _scatter_kernel(src_hbm, dst_hbm, hs_hbm, zeros_hbm, agg_hbm,
                    srcv, dstv, rows, acc, gsem, *ssems):
    c = lax.axis_index("c")
    s = lax.axis_index("s")
    pltpu.sync_copy(zeros_hbm, acc.at[pl.ds(s * (ACC_ROWS // NS), ACC_ROWS // NS)])
    plsc.subcore_barrier()
    nbat = IW // NB

    def window(w, carry):
        pltpu.sync_copy(src_hbm.at[c, s, pl.ds(w * IW, IW)], srcv)
        pltpu.sync_copy(dst_hbm.at[s, pl.ds(w * IW, IW)], dstv)

        def body(i, carry2):
            @pl.when(w * nbat + i > 0)
            def _():
                for b in range(NB):
                    pltpu.make_async_copy(
                        zeros_hbm.at[pl.ds(0, CHUNK)], rows.at[b], ssems[b]).wait()
            g = []
            for b in range(NB):
                j = i * NB + b
                g.append(pltpu.async_copy(hs_hbm.at[srcv.at[j]], rows.at[b], gsem))
            for b in range(NB):
                j = i * NB + b
                g[b].wait()
                pltpu.async_copy(rows.at[b], acc.at[dstv.at[j]], ssems[b], add=True)
            return carry2

        return lax.fori_loop(0, nbat, body, carry)

    lax.fori_loop(0, MAIN_CH // IW, window, 0)
    for b in range(NB):
        pltpu.make_async_copy(
            zeros_hbm.at[pl.ds(0, CHUNK)], rows.at[b], ssems[b]).wait()
    plsc.subcore_barrier()
    pltpu.sync_copy(
        acc.at[pl.ds(s * STRIPE, STRIPE)],
        agg_hbm.at[c, pl.ds(s * STRIPE, STRIPE)],
    )

    @pl.when(s == NS - 1)
    def _():
        pltpu.sync_copy(
            acc.at[pl.ds(NS * STRIPE, N - NS * STRIPE)],
            agg_hbm.at[c, pl.ds(NS * STRIPE, N - NS * STRIPE)],
        )



def _tc1_body(x_ref, w_ref, dp0_ref, dp1_ref, hs_ref, dinv_ref):
    deg = dp0_ref[:, 0:1] + dp1_ref[:, 0:1] + 1.0
    dinv = lax.rsqrt(deg)
    h = jnp.dot(x_ref[...], w_ref[0], preferred_element_type=jnp.float32)
    hs_ref[...] = dinv * h
    dinv_ref[...] = jnp.broadcast_to(dinv, (RB, 128))


def _tc1(x, w1h, degp_flat):
    return pl.pallas_call(
        _tc1_body,
        grid=(NC, NRB),
        in_specs=[
            pl.BlockSpec((RB, 128), lambda c, i: (i, 0)),
            pl.BlockSpec((1, 128, 128), lambda c, i: (c, 0, 0)),
            pl.BlockSpec((RB, 128), lambda c, i: (i, 0)),
            pl.BlockSpec((RB, 128), lambda c, i: (NRB + i, 0)),
        ],
        out_specs=[
            pl.BlockSpec((RB, 128), lambda c, i: (c * NRB + i, 0)),
            pl.BlockSpec((RB, 128), lambda c, i: (i, 0)),
        ],
        out_shape=[
            jax.ShapeDtypeStruct((NC * N, 128), jnp.float32),
            jax.ShapeDtypeStruct((N, 128), jnp.float32),
        ],
    )(x, w1h, degp_flat, degp_flat)


def _tcmid_body(aggL_ref, aggR_ref, hsL_ref, hsR_ref, dinv_ref, b_ref,
                w_ref, out_ref):
    d = dinv_ref[...]
    actL = jnp.maximum(d * (aggL_ref[...] + hsL_ref[...]) + b_ref[0], 0.0)
    actR = jnp.maximum(d * (aggR_ref[...] + hsR_ref[...]) + b_ref[1], 0.0)
    h = (jnp.dot(actL, w_ref[0, 0], preferred_element_type=jnp.float32)
         + jnp.dot(actR, w_ref[0, 1], preferred_element_type=jnp.float32))
    out_ref[...] = d * h


def _tcmid(agg_flat, hs_flat, dinv_bc, b2, w4):
    return pl.pallas_call(
        _tcmid_body,
        grid=(NC, NRB),
        in_specs=[
            pl.BlockSpec((RB, 128), lambda c, i: (i, 0)),
            pl.BlockSpec((RB, 128), lambda c, i: (NRB + i, 0)),
            pl.BlockSpec((RB, 128), lambda c, i: (i, 0)),
            pl.BlockSpec((RB, 128), lambda c, i: (NRB + i, 0)),
            pl.BlockSpec((RB, 128), lambda c, i: (i, 0)),
            pl.BlockSpec((2, 128), lambda c, i: (0, 0)),
            pl.BlockSpec((1, 2, 128, 128), lambda c, i: (c, 0, 0, 0)),
        ],
        out_specs=pl.BlockSpec((RB, 128), lambda c, i: (c * NRB + i, 0)),
        out_shape=jax.ShapeDtypeStruct((NC * N, 128), jnp.float32),
    )(agg_flat, agg_flat, hs_flat, hs_flat, dinv_bc, b2, w4)


def _tcfin_body(aggL_ref, aggR_ref, hsL_ref, hsR_ref, dinv_ref, b_ref,
                wo1_ref, bo1_ref, wo2_ref, bo2_ref, out_ref):
    d = dinv_ref[...]
    actL = jnp.maximum(d * (aggL_ref[...] + hsL_ref[...]) + b_ref[0], 0.0)
    actR = jnp.maximum(d * (aggR_ref[...] + hsR_ref[...]) + b_ref[1], 0.0)
    t = (jnp.dot(actL, wo1_ref[0:128], preferred_element_type=jnp.float32)
         + jnp.dot(actR, wo1_ref[128:256], preferred_element_type=jnp.float32)
         + bo1_ref[0])
    out_ref[...] = jnp.dot(t, wo2_ref[...], preferred_element_type=jnp.float32) + bo2_ref[0]


def _tcfin(agg_flat, hs_flat, dinv_bc, b2, wo1, bo1, wo2, bo2):
    return pl.pallas_call(
        _tcfin_body,
        grid=(NRB,),
        in_specs=[
            pl.BlockSpec((RB, 128), lambda i: (i, 0)),
            pl.BlockSpec((RB, 128), lambda i: (NRB + i, 0)),
            pl.BlockSpec((RB, 128), lambda i: (i, 0)),
            pl.BlockSpec((RB, 128), lambda i: (NRB + i, 0)),
            pl.BlockSpec((RB, 128), lambda i: (i, 0)),
            pl.BlockSpec((2, 128), lambda i: (0, 0)),
            pl.BlockSpec((256, 256), lambda i: (0, 0)),
            pl.BlockSpec((1, 256), lambda i: (0, 0)),
            pl.BlockSpec((256, 128), lambda i: (0, 0)),
            pl.BlockSpec((1, 128), lambda i: (0, 0)),
        ],
        out_specs=pl.BlockSpec((RB, 128), lambda i: (i, 0)),
        out_shape=jax.ShapeDtypeStruct((N, 128), jnp.float32),
    )(agg_flat, agg_flat, hs_flat, hs_flat, dinv_bc, b2, wo1, bo1, wo2, bo2)



def kernel(x, edge_index, W1, b1, W2, b2, W3, b3, Wo1, bo1, Wo2, bo2):
    src = edge_index[0].astype(jnp.int32)
    dst = edge_index[1].astype(jnp.int32)
    src_p = jnp.concatenate([src, jnp.zeros((PAD,), jnp.int32)])
    dst_p = jnp.concatenate([dst, jnp.full((PAD,), TRASH, jnp.int32)])
    src2 = jnp.stack([src_p, src_p + N]).reshape(NC, NS, MAIN_CH, CHUNK)
    dst_main = dst_p.reshape(NS, MAIN_CH, CHUNK)
    dst_deg = dst_p.reshape(NC, NS, DEG_CH, DCHUNK)
    ones128 = jnp.ones((DCHUNK, 128), jnp.float32)
    zeros128 = jnp.zeros((ACC_ROWS // NS, 128), jnp.float32)

    degp = _deg_kernel(dst_deg, ones128, zeros128)
    degp_flat = degp.reshape(NC * N, 128)

    w1h = W1.reshape(128, 2, 128).transpose(1, 0, 2)
    w2_4 = W2.reshape(2, 128, 2, 128).transpose(2, 0, 1, 3)
    w3_4 = W3.reshape(2, 128, 2, 128).transpose(2, 0, 1, 3)

    hs1, dinv_bc = _tc1(x, w1h, degp_flat)
    agg1 = _scatter_kernel(src2, dst_main, hs1, zeros128).reshape(NC * N, 128)
    hs2 = _tcmid(agg1, hs1, dinv_bc, b1.reshape(2, 128), w2_4)
    agg2 = _scatter_kernel(src2, dst_main, hs2, zeros128).reshape(NC * N, 128)
    hs3 = _tcmid(agg2, hs2, dinv_bc, b2.reshape(2, 128), w3_4)
    agg3 = _scatter_kernel(src2, dst_main, hs3, zeros128).reshape(NC * N, 128)
    return _tcfin(agg3, hs3, dinv_bc, b3.reshape(2, 128), Wo1,
                  bo1.reshape(1, 256), Wo2, bo2.reshape(1, 128))

# --- scband reference (transcript-rebuilt; emitter-appended) ---
"""Pipeline reference for scband-model-8014408974412 (READ-ONLY COPY).

The authoritative reference and input builder live on the scoring server;
editing this copy changes nothing except your own understanding.
"""

import jax, jax.numpy as jnp
import numpy as np

N_NODES = 10000
N_EDGES = 320000
D_IN = 128
D_HID = 256
D_OUT = 128


def setup_inputs(seed: int = 0) -> dict:
    key = jax.random.key(seed)
    ks = jax.random.split(key, 16)
    x = jax.random.normal(ks[0], (N_NODES, D_IN), dtype=jnp.float32)
    edge_index = jax.random.randint(ks[1], (2, N_EDGES), 0, N_NODES, dtype=jnp.int64 if jax.config.jax_enable_x64 else jnp.int32)
    def glorot(k, shp):
        fan_in, fan_out = shp[0], shp[1]
        lim = (6.0 / (fan_in + fan_out)) ** 0.5
        return jax.random.uniform(k, shp, dtype=jnp.float32, minval=-lim, maxval=lim)
    W1 = glorot(ks[2], (D_IN, D_HID)); b1 = jnp.zeros((D_HID,), jnp.float32)
    W2 = glorot(ks[3], (D_HID, D_HID)); b2 = jnp.zeros((D_HID,), jnp.float32)
    W3 = glorot(ks[4], (D_HID, D_HID)); b3 = jnp.zeros((D_HID,), jnp.float32)
    Wo1 = glorot(ks[5], (D_HID, D_HID)); bo1 = jnp.zeros((D_HID,), jnp.float32)
    Wo2 = glorot(ks[6], (D_HID, D_OUT)); bo2 = jnp.zeros((D_OUT,), jnp.float32)
    return {"x": x, "edge_index": edge_index, "W1": W1, "b1": b1, "W2": W2, "b2": b2, "W3": W3, "b3": b3, "Wo1": Wo1, "bo1": bo1, "Wo2": Wo2, "bo2": bo2}


def gcn_conv(x, edge_index, W, b):
    # PyG GCNConv: linear transform, add self-loops, symmetric normalization, sum-aggregate, bias
    N = x.shape[0]
    h = x @ W
    loops = jnp.arange(N, dtype=edge_index.dtype)
    src = jnp.concatenate([edge_index[0], loops])
    dst = jnp.concatenate([edge_index[1], loops])
    deg = jnp.zeros((N,), jnp.float32).at[dst].add(1.0)
    dinv = jnp.where(deg > 0, deg ** -0.5, 0.0)
    norm = dinv[src] * dinv[dst]
    msg = h[src] * norm[:, None]
    out = jnp.zeros((N, h.shape[1]), jnp.float32).at[dst].add(msg)
    return out + b


def reference(x, edge_index, W1, b1, W2, b2, W3, b3, Wo1, bo1, Wo2, bo2):
    h = jax.nn.relu(gcn_conv(x, edge_index, W1, b1))
    h = jax.nn.relu(gcn_conv(h, edge_index, W2, b2))
    h = jax.nn.relu(gcn_conv(h, edge_index, W3, b3))
    h = h @ Wo1 + bo1
    return h @ Wo2 + bo2

if __name__ == "__main__":
    import jax
    _d = setup_inputs()
    print(jax.jit(kernel)(*tuple(_d.values())))

</pallas_src>

<mosaic_0001>
#map = affine_map<(d0, d1) -> (0, 0, 0, 0)>
#map1 = affine_map<(d0, d1) -> (0, 0, 0)>
#map2 = affine_map<(d0, d1) -> (0, 0)>
module attributes {stable_mosaic.version = 14 : i64} {
  func.func @_scatter_kernel(%arg0: i32, %arg1: i32, %arg2: memref<2x16x320x64xi32, #tpu.memory_space<hbm>>, %arg3: memref<16x320x64xi32, #tpu.memory_space<hbm>>, %arg4: memref<20000x128xf32, #tpu.memory_space<hbm>>, %arg5: memref<640x128xf32, #tpu.memory_space<hbm>>, %arg6: memref<2x10000x128xf32, #tpu.memory_space<hbm>>, %arg7: memref<32x64xi32, #tpu.memory_space<vmem>>, %arg8: memref<32x64xi32, #tpu.memory_space<vmem>>, %arg9: memref<4x64x128xf32, #tpu.memory_space<vmem>>, %arg10: memref<10240x128xf32, #tpu.memory_space<vmem_shared>>, %arg11: memref<!tpu.dma_semaphore, #tpu.memory_space<semaphore_mem>>, %arg12: memref<!tpu.dma_semaphore, #tpu.memory_space<semaphore_mem>>, %arg13: memref<!tpu.dma_semaphore, #tpu.memory_space<semaphore_mem>>, %arg14: memref<!tpu.dma_semaphore, #tpu.memory_space<semaphore_mem>>, %arg15: memref<!tpu.dma_semaphore, #tpu.memory_space<semaphore_mem>>) attributes {dimension_semantics = [#tpu.dimension_semantics<core_parallel>, #tpu.dimension_semantics<subcore_parallel>], iteration_bounds = array<i64: 2, 16>, scalar_prefetch = 0 : i64, scratch_operands = 9 : i64, tpu.core_type = #tpu.core_type<sc_vector_subcore>, window_params = [{transform_indices = #map}, {transform_indices = #map1}, {transform_indices = #map2}, {transform_indices = #map2}, {transform_indices = #map1}]} {
    %mul3A = arith.constant 640 : i32
    %mul3A_0 = arith.muli %arg1, %mul3A : i32
    "tpu.region"() ({
      %run_scoped3A = tpu.sem_alloc : memref<!tpu.dma_semaphore, #tpu.memory_space<semaphore_mem>>
      %dma_start3A = arith.constant 0 : i32
      %dma_start3A_72 = tpu.memref_slice %arg10[%mul3A_0, %dma_start3A] : memref<10240x128xf32, #tpu.memory_space<vmem_shared>> -> memref<640x128xf32, #tpu.memory_space<vmem_shared>>
      tpu.enqueue_dma source(%arg5 : memref<640x128xf32, #tpu.memory_space<hbm>>) target(%dma_start3A_72 : memref<640x128xf32, #tpu.memory_space<vmem_shared>>) target_semaphore(%run_scoped3A : memref<!tpu.dma_semaphore, #tpu.memory_space<semaphore_mem>>)
      %dma_wait3A_73 = arith.constant 0 : i32
      %dma_wait3A_74 = tpu.memref_slice %arg10[%mul3A_0, %dma_wait3A_73] : memref<10240x128xf32, #tpu.memory_space<vmem_shared>> -> memref<640x128xf32, #tpu.memory_space<vmem_shared>>
      tpu.wait_dma2 semaphore(%run_scoped3A : memref<!tpu.dma_semaphore, #tpu.memory_space<semaphore_mem>>) src(%arg5 : memref<640x128xf32, #tpu.memory_space<hbm>>) dst(%dma_wait3A_74 : memref<640x128xf32, #tpu.memory_space<vmem_shared>>)
      tpu.yield
    }) : () -> ()
    %barrier3A = arith.constant 0 : index
    tpu.barrier barrier_id(%barrier3A)
    %scan3A = arith.constant 0 : i32
    %scan3A_1 = arith.constant 0 : i32
    %scan3A_2 = arith.constant 10 : i32
    %scan3A_3 = arith.addi %scan3A_1, %scan3A_2 : i32
    %scan3A_4 = arith.constant 1 : i32
    scf.for %scan3A_72 = %scan3A_1 to %scan3A_3 step %scan3A_4  : i32 {
      %mul3A_73 = arith.constant 32 : i32
      %mul3A_74 = arith.muli %scan3A_72, %mul3A_73 : i32
      "tpu.region"() ({
        %run_scoped3A = tpu.sem_alloc : memref<!tpu.dma_semaphore, #tpu.memory_space<semaphore_mem>>
        %dma_start3A = arith.constant 0 : i32
        %dma_start3A_82 = tpu.memref_slice %arg2[%arg0, %arg1, %mul3A_74, %dma_start3A] : memref<2x16x320x64xi32, #tpu.memory_space<hbm>> -> memref<1x1x32x64xi32, #tpu.memory_space<hbm>>
        %dma_start3A_83 = tpu.memref_squeeze %dma_start3A_82 : memref<1x1x32x64xi32, #tpu.memory_space<hbm>> -> memref<32x64xi32, #tpu.memory_space<hbm>>
        %dma_start3A_84 = arith.constant 0 : i32
        %dma_start3A_85 = tpu.memref_slice %arg2[%arg0, %arg1, %mul3A_74, %dma_start3A_84] : memref<2x16x320x64xi32, #tpu.memory_space<hbm>> -> memref<1x1x32x64xi32, #tpu.memory_space<hbm>>
        %dma_start3A_86 = tpu.memref_squeeze %dma_start3A_85 : memref<1x1x32x64xi32, #tpu.memory_space<hbm>> -> memref<32x64xi32, #tpu.memory_space<hbm>>
        tpu.enqueue_dma source(%dma_start3A_86 : memref<32x64xi32, #tpu.memory_space<hbm>>) target(%arg7 : memref<32x64xi32, #tpu.memory_space<vmem>>) target_semaphore(%run_scoped3A : memref<!tpu.dma_semaphore, #tpu.memory_space<semaphore_mem>>)
        %dma_wait3A_87 = arith.constant 0 : i32
        %dma_wait3A_88 = tpu.memref_slice %arg2[%arg0, %arg1, %mul3A_74, %dma_wait3A_87] : memref<2x16x320x64xi32, #tpu.memory_space<hbm>> -> memref<1x1x32x64xi32, #tpu.memory_space<hbm>>
        %dma_wait3A_89 = tpu.memref_squeeze %dma_wait3A_88 : memref<1x1x32x64xi32, #tpu.memory_space<hbm>> -> memref<32x64xi32, #tpu.memory_space<hbm>>
        %dma_wait3A_90 = arith.constant 0 : i32
        %dma_wait3A_91 = tpu.memref_slice %arg2[%arg0, %arg1, %mul3A_74, %dma_wait3A_90] : memref<2x16x320x64xi32, #tpu.memory_space<hbm>> -> memref<1x1x32x64xi32, #tpu.memory_space<hbm>>
        %dma_wait3A_92 = tpu.memref_squeeze %dma_wait3A_91 : memref<1x1x32x64xi32, #tpu.memory_space<hbm>> -> memref<32x64xi32, #tpu.memory_space<hbm>>
        tpu.wait_dma2 semaphore(%run_scoped3A : memref<!tpu.dma_semaphore, #tpu.memory_space<semaphore_mem>>) src(%dma_wait3A_92 : memref<32x64xi32, #tpu.memory_space<hbm>>) dst(%arg7 : memref<32x64xi32, #tpu.memory_space<vmem>>)
        tpu.yield
      }) : () -> ()
      %mul3A_75 = arith.constant 32 : i32
      %mul3A_76 = arith.muli %scan3A_72, %mul3A_75 : i32
      "tpu.region"() ({
        %run_scoped3A = tpu.sem_alloc : memref<!tpu.dma_semaphore, #tpu.memory_space<semaphore_mem>>
        %dma_start3A = arith.constant 0 : i32
        %dma_start3A_82 = tpu.memref_slice %arg3[%arg1, %mul3A_76, %dma_start3A] : memref<16x320x64xi32, #tpu.memory_space<hbm>> -> memref<1x32x64xi32, #tpu.memory_space<hbm>>
        %dma_start3A_83 = tpu.memref_squeeze %dma_start3A_82 : memref<1x32x64xi32, #tpu.memory_space<hbm>> -> memref<32x64xi32, #tpu.memory_space<hbm>>
        %dma_start3A_84 = arith.constant 0 : i32
        %dma_start3A_85 = tpu.memref_slice %arg3[%arg1, %mul3A_76, %dma_start3A_84] : memref<16x320x64xi32, #tpu.memory_space<hbm>> -> memref<1x32x64xi32, #tpu.memory_space<hbm>>
        %dma_start3A_86 = tpu.memref_squeeze %dma_start3A_85 : memref<1x32x64xi32, #tpu.memory_space<hbm>> -> memref<32x64xi32, #tpu.memory_space<hbm>>
        tpu.enqueue_dma source(%dma_start3A_86 : memref<32x64xi32, #tpu.memory_space<hbm>>) target(%arg8 : memref<32x64xi32, #tpu.memory_space<vmem>>) target_semaphore(%run_scoped3A : memref<!tpu.dma_semaphore, #tpu.memory_space<semaphore_mem>>)
        %dma_wait3A_87 = arith.constant 0 : i32
        %dma_wait3A_88 = tpu.memref_slice %arg3[%arg1, %mul3A_76, %dma_wait3A_87] : memref<16x320x64xi32, #tpu.memory_space<hbm>> -> memref<1x32x64xi32, #tpu.memory_space<hbm>>
        %dma_wait3A_89 = tpu.memref_squeeze %dma_wait3A_88 : memref<1x32x64xi32, #tpu.memory_space<hbm>> -> memref<32x64xi32, #tpu.memory_space<hbm>>
        %dma_wait3A_90 = arith.constant 0 : i32
        %dma_wait3A_91 = tpu.memref_slice %arg3[%arg1, %mul3A_76, %dma_wait3A_90] : memref<16x320x64xi32, #tpu.memory_space<hbm>> -> memref<1x32x64xi32, #tpu.memory_space<hbm>>
        %dma_wait3A_92 = tpu.memref_squeeze %dma_wait3A_91 : memref<1x32x64xi32, #tpu.memory_space<hbm>> -> memref<32x64xi32, #tpu.memory_space<hbm>>
        tpu.wait_dma2 semaphore(%run_scoped3A : memref<!tpu.dma_semaphore, #tpu.memory_space<semaphore_mem>>) src(%dma_wait3A_92 : memref<32x64xi32, #tpu.memory_space<hbm>>) dst(%arg8 : memref<32x64xi32, #tpu.memory_space<vmem>>)
        tpu.yield
      }) : () -> ()
      %scan3A_77 = arith.constant 0 : i32
      %scan3A_78 = arith.constant 8 : i32
      %scan3A_79 = arith.addi %scan3A_77, %scan3A_78 : i32
      %scan3A_80 = arith.constant 1 : i32
      scf.for %scan3A_82 = %scan3A_77 to %scan3A_79 step %scan3A_80  : i32 {
        %mul3A_83 = arith.constant 8 : i32
        %mul3A_84 = arith.muli %scan3A_72, %mul3A_83 : i32
        %add3A = arith.addi %mul3A_84, %scan3A_82 : i32
        %gt3A = arith.constant 0 : i32
        %gt3A_85 = arith.cmpi sgt, %add3A, %gt3A : i32
        %convert_element_type3A_86 = arith.extui %gt3A_85 : i1 to i32
        %cond3A_87 = arith.constant 0 : i32
        %cond3A_88 = arith.cmpi ne, %convert_element_type3A_86, %cond3A_87 : i32
        scf.if %cond3A_88 {
          %dma_wait3A_252 = arith.constant 0 : i32
          %dma_wait3A_253 = arith.constant 0 : i32
          %dma_wait3A_254 = arith.constant 0 : i32
          %dma_wait3A_255 = tpu.memref_slice %arg9[%dma_wait3A_252, %dma_wait3A_253, %dma_wait3A_254] : memref<4x64x128xf32, #tpu.memory_space<vmem>> -> memref<1x64x128xf32, #tpu.memory_space<vmem>>
          %dma_wait3A_256 = tpu.memref_squeeze %dma_wait3A_255 : memref<1x64x128xf32, #tpu.memory_space<vmem>> -> memref<64x128xf32, #tpu.memory_space<vmem>>
          %dma_wait3A_257 = arith.constant 0 : i32
          %dma_wait3A_258 = arith.constant 0 : i32
          %dma_wait3A_259 = tpu.memref_slice %arg5[%dma_wait3A_257, %dma_wait3A_258] : memref<640x128xf32, #tpu.memory_space<hbm>> -> memref<64x128xf32, #tpu.memory_space<hbm>>
          %dma_wait3A_260 = arith.constant 0 : i32
          %dma_wait3A_261 = arith.constant 0 : i32
          %dma_wait3A_262 = tpu.memref_slice %arg9[%dma_wait3A_252, %dma_wait3A_260, %dma_wait3A_261] : memref<4x64x128xf32, #tpu.memory_space<vmem>> -> memref<1x64x128xf32, #tpu.memory_space<vmem>>
          %dma_wait3A_263 = tpu.memref_squeeze %dma_wait3A_262 : memref<1x64x128xf32, #tpu.memory_space<vmem>> -> memref<64x128xf32, #tpu.memory_space<vmem>>
          %dma_wait3A_264 = arith.constant 0 : i32
          %dma_wait3A_265 = arith.constant 0 : i32
          %dma_wait3A_266 = tpu.memref_slice %arg5[%dma_wait3A_264, %dma_wait3A_265] : memref<640x128xf32, #tpu.memory_space<hbm>> -> memref<64x128xf32, #tpu.memory_space<hbm>>
          tpu.wait_dma2 semaphore(%arg12 : memref<!tpu.dma_semaphore, #tpu.memory_space<semaphore_mem>>) src(%dma_wait3A_266 : memref<64x128xf32, #tpu.memory_space<hbm>>) dst(%dma_wait3A_263 : memref<64x128xf32, #tpu.memory_space<vmem>>)
          %dma_wait3A_267 = arith.constant 1 : i32
          %dma_wait3A_268 = arith.constant 0 : i32
          %dma_wait3A_269 = arith.constant 0 : i32
          %dma_wait3A_270 = tpu.memref_slice %arg9[%dma_wait3A_267, %dma_wait3A_268, %dma_wait3A_269] : memref<4x64x128xf32, #tpu.memory_space<vmem>> -> memref<1x64x128xf32, #tpu.memory_space<vmem>>
          %dma_wait3A_271 = tpu.memref_squeeze %dma_wait3A_270 : memref<1x64x128xf32, #tpu.memory_space<vmem>> -> memref<64x128xf32, #tpu.memory_space<vmem>>
          %dma_wait3A_272 = arith.constant 0 : i32
          %dma_wait3A_273 = arith.constant 0 : i32
          %dma_wait3A_274 = tpu.memref_slice %arg5[%dma_wait3A_272, %dma_wait3A_273] : memref<640x128xf32, #tpu.memory_space<hbm>> -> memref<64x128xf32, #tpu.memory_space<hbm>>
          %dma_wait3A_275 = arith.constant 0 : i32
          %dma_wait3A_276 = arith.constant 0 : i32
          %dma_wait3A_277 = tpu.memref_slice %arg9[%dma_wait3A_267, %dma_wait3A_275, %dma_wait3A_276] : memref<4x64x128xf32, #tpu.memory_space<vmem>> -> memref<1x64x128xf32, #tpu.memory_space<vmem>>
          %dma_wait3A_278 = tpu.memref_squeeze %dma_wait3A_277 : memref<1x64x128xf32, #tpu.memory_space<vmem>> -> memref<64x128xf32, #tpu.memory_space<vmem>>
          %dma_wait3A_279 = arith.constant 0 : i32
          %dma_wait3A_280 = arith.constant 0 : i32
          %dma_wait3A_281 = tpu.memref_slice %arg5[%dma_wait3A_279, %dma_wait3A_280] : memref<640x128xf32, #tpu.memory_space<hbm>> -> memref<64x128xf32, #tpu.memory_space<hbm>>
          tpu.wait_dma2 semaphore(%arg13 : memref<!tpu.dma_semaphore, #tpu.memory_space<semaphore_mem>>) src(%dma_wait3A_281 : memref<64x128xf32, #tpu.memory_space<hbm>>) dst(%dma_wait3A_278 : memref<64x128xf32, #tpu.memory_space<vmem>>)
          %dma_wait3A_282 = arith.constant 2 : i32
          %dma_wait3A_283 = arith.constant 0 : i32
          %dma_wait3A_284 = arith.constant 0 : i32
          %dma_wait3A_285 = tpu.memref_slice %arg9[%dma_wait3A_282, %dma_wait3A_283, %dma_wait3A_284] : memref<4x64x128xf32, #tpu.memory_space<vmem>> -> memref<1x64x128xf32, #tpu.memory_space<vmem>>
          %dma_wait3A_286 = tpu.memref_squeeze %dma_wait3A_285 : memref<1x64x128xf32, #tpu.memory_space<vmem>> -> memref<64x128xf32, #tpu.memory_space<vmem>>
          %dma_wait3A_287 = arith.constant 0 : i32
          %dma_wait3A_288 = arith.constant 0 : i32
          %dma_wait3A_289 = tpu.memref_slice %arg5[%dma_wait3A_287, %dma_wait3A_288] : memref<640x128xf32, #tpu.memory_space<hbm>> -> memref<64x128xf32, #tpu.memory_space<hbm>>
          %dma_wait3A_290 = arith.constant 0 : i32
          %dma_wait3A_291 = arith.constant 0 : i32
          %dma_wait3A_292 = tpu.memref_slice %arg9[%dma_wait3A_282, %dma_wait3A_290, %dma_wait3A_291] : memref<4x64x128xf32, #tpu.memory_space<vmem>> -> memref<1x64x128xf32, #tpu.memory_space<vmem>>
          %dma_wait3A_293 = tpu.memref_squeeze %dma_wait3A_292 : memref<1x64x128xf32, #tpu.memory_space<vmem>> -> memref<64x128xf32, #tpu.memory_space<vmem>>
          %dma_wait3A_294 = arith.constant 0 : i32
          %dma_wait3A_295 = arith.constant 0 : i32
          %dma_wait3A_296 = tpu.memref_slice %arg5[%dma_wait3A_294, %dma_wait3A_295] : memref<640x128xf32, #tpu.memory_space<hbm>> -> memref<64x128xf32, #tpu.memory_space<hbm>>
          tpu.wait_dma2 semaphore(%arg14 : memref<!tpu.dma_semaphore, #tpu.memory_space<semaphore_mem>>) src(%dma_wait3A_296 : memref<64x128xf32, #tpu.memory_space<hbm>>) dst(%dma_wait3A_293 : memref<64x128xf32, #tpu.memory_space<vmem>>)
          %dma_wait3A_297 = arith.constant 3 : i32
          %dma_wait3A_298 = arith.constant 0 : i32
          %dma_wait3A_299 = arith.constant 0 : i32
          %dma_wait3A_300 = tpu.memref_slice %arg9[%dma_wait3A_297, %dma_wait3A_298, %dma_wait3A_299] : memref<4x64x128xf32, #tpu.memory_space<vmem>> -> memref<1x64x128xf32, #tpu.memory_space<vmem>>
          %dma_wait3A_301 = tpu.memref_squeeze %dma_wait3A_300 : memref<1x64x128xf32, #tpu.memory_space<vmem>> -> memref<64x128xf32, #tpu.memory_space<vmem>>
          %dma_wait3A_302 = arith.constant 0 : i32
          %dma_wait3A_303 = arith.constant 0 : i32
          %dma_wait3A_304 = tpu.memref_slice %arg5[%dma_wait3A_302, %dma_wait3A_303] : memref<640x128xf32, #tpu.memory_space<hbm>> -> memref<64x128xf32, #tpu.memory_space<hbm>>
          %dma_wait3A_305 = arith.constant 0 : i32
          %dma_wait3A_306 = arith.constant 0 : i32
          %dma_wait3A_307 = tpu.memref_slice %arg9[%dma_wait3A_297, %dma_wait3A_305, %dma_wait3A_306] : memref<4x64x128xf32, #tpu.memory_space<vmem>> -> memref<1x64x128xf32, #tpu.memory_space<vmem>>
          %dma_wait3A_308 = tpu.memref_squeeze %dma_wait3A_307 : memref<1x64x128xf32, #tpu.memory_space<vmem>> -> memref<64x128xf32, #tpu.memory_space<vmem>>
          %dma_wait3A_309 = arith.constant 0 : i32
          %dma_wait3A_310 = arith.constant 0 : i32
          %dma_wait3A_311 = tpu.memref_slice %arg5[%dma_wait3A_309, %dma_wait3A_310] : memref<640x128xf32, #tpu.memory_space<hbm>> -> memref<64x128xf32, #tpu.memory_space<hbm>>
          tpu.wait_dma2 semaphore(%arg15 : memref<!tpu.dma_semaphore, #tpu.memory_space<semaphore_mem>>) src(%dma_wait3A_311 : memref<64x128xf32, #tpu.memory_space<hbm>>) dst(%dma_wait3A_308 : memref<64x128xf32, #tpu.memory_space<vmem>>)
        } else {
        }
        %mul3A_89 = arith.constant 4 : i32
        %mul3A_90 = arith.muli %scan3A_82, %mul3A_89 : i32
        %add3A_91 = arith.constant 0 : i32
        %add3A_92 = arith.addi %mul3A_90, %add3A_91 : i32
        %dma_start3A = arith.constant 0 : i32
        %dma_start3A_93 = arith.constant 0 : i32
        %dma_start3A_94 = arith.constant 0 : i32
        %dma_start3A_95 = tpu.memref_slice %arg9[%dma_start3A, %dma_start3A_93, %dma_start3A_94] : memref<4x64x128xf32, #tpu.memory_space<vmem>> -> memref<1x64x128xf32, #tpu.memory_space<vmem>>
        %dma_start3A_96 = tpu.memref_squeeze %dma_start3A_95 : memref<1x64x128xf32, #tpu.memory_space<vmem>> -> memref<64x128xf32, #tpu.memory_space<vmem>>
        %dma_start3A_97 = arith.constant 0 : i32
        %dma_start3A_98 = tpu.memref_slice %arg7[%add3A_92, %dma_start3A_97] : memref<32x64xi32, #tpu.memory_space<vmem>> -> memref<1x64xi32, #tpu.memory_space<vmem>>
        %dma_start3A_99 = tpu.memref_squeeze %dma_start3A_98 : memref<1x64xi32, #tpu.memory_space<vmem>> -> memref<64xi32, #tpu.memory_space<vmem>>
        %dma_start3A_100 = arith.constant 0 : i32
        %dma_start3A_101 = arith.constant 0 : i32
        %dma_start3A_102 = tpu.memref_slice %arg4[%dma_start3A_100, %dma_start3A_101] : memref<20000x128xf32, #tpu.memory_space<hbm>> -> memref<20000x128xf32, #tpu.memory_space<hbm>>
        tpu.enqueue_indirect_dma source(%dma_start3A_102 : memref<20000x128xf32, #tpu.memory_space<hbm>>) target(%dma_start3A_96 : memref<64x128xf32, #tpu.memory_space<vmem>>) offsets(%dma_start3A_99 : memref<64xi32, #tpu.memory_space<vmem>>) semaphore(%arg11 : memref<!tpu.dma_semaphore, #tpu.memory_space<semaphore_mem>>)
        %mul3A_103 = arith.constant 4 : i32
        %mul3A_104 = arith.muli %scan3A_82, %mul3A_103 : i32
        %add3A_105 = arith.constant 1 : i32
        %add3A_106 = arith.addi %mul3A_104, %add3A_105 : i32
        %dma_start3A_107 = arith.constant 1 : i32
        %dma_start3A_108 = arith.constant 0 : i32
        %dma_start3A_109 = arith.constant 0 : i32
        %dma_start3A_110 = tpu.memref_slice %arg9[%dma_start3A_107, %dma_start3A_108, %dma_start3A_109] : memref<4x64x128xf32, #tpu.memory_space<vmem>> -> memref<1x64x128xf32, #tpu.memory_space<vmem>>
        %dma_start3A_111 = tpu.memref_squeeze %dma_start3A_110 : memref<1x64x128xf32, #tpu.memory_space<vmem>> -> memref<64x128xf32, #tpu.memory_space<vmem>>
        %dma_start3A_112 = arith.constant 0 : i32
        %dma_start3A_113 = tpu.memref_slice %arg7[%add3A_106, %dma_start3A_112] : memref<32x64xi32, #tpu.memory_space<vmem>> -> memref<1x64xi32, #tpu.memory_space<vmem>>
        %dma_start3A_114 = tpu.memref_squeeze %dma_start3A_113 : memref<1x64xi32, #tpu.memory_space<vmem>> -> memref<64xi32, #tpu.memory_space<vmem>>
        %dma_start3A_115 = arith.constant 0 : i32
        %dma_start3A_116 = arith.constant 0 : i32
        %dma_start3A_117 = tpu.memref_slice %arg4[%dma_start3A_115, %dma_start3A_116] : memref<20000x128xf32, #tpu.memory_space<hbm>> -> memref<20000x128xf32, #tpu.memory_space<hbm>>
        tpu.enqueue_indirect_dma source(%dma_start3A_117 : memref<20000x128xf32, #tpu.memory_space<hbm>>) target(%dma_start3A_111 : memref<64x128xf32, #tpu.memory_space<vmem>>) offsets(%dma_start3A_114 : memref<64xi32, #tpu.memory_space<vmem>>) semaphore(%arg11 : memref<!tpu.dma_semaphore, #tpu.memory_space<semaphore_mem>>)
        %mul3A_118 = arith.constant 4 : i32
        %mul3A_119 = arith.muli %scan3A_82, %mul3A_118 : i32
        %add3A_120 = arith.constant 2 : i32
        %add3A_121 = arith.addi %mul3A_119, %add3A_120 : i32
        %dma_start3A_122 = arith.constant 2 : i32
        %dma_start3A_123 = arith.constant 0 : i32
        %dma_start3A_124 = arith.constant 0 : i32
        %dma_start3A_125 = tpu.memref_slice %arg9[%dma_start3A_122, %dma_start3A_123, %dma_start3A_124] : memref<4x64x128xf32, #tpu.memory_space<vmem>> -> memref<1x64x128xf32, #tpu.memory_space<vmem>>
        %dma_start3A_126 = tpu.memref_squeeze %dma_start3A_125 : memref<1x64x128xf32, #tpu.memory_space<vmem>> -> memref<64x128xf32, #tpu.memory_space<vmem>>
        %dma_start3A_127 = arith.constant 0 : i32
        %dma_start3A_128 = tpu.memref_slice %arg7[%add3A_121, %dma_start3A_127] : memref<32x64xi32, #tpu.memory_space<vmem>> -> memref<1x64xi32, #tpu.memory_space<vmem>>
        %dma_start3A_129 = tpu.memref_squeeze %dma_start3A_128 : memref<1x64xi32, #tpu.memory_space<vmem>> -> memref<64xi32, #tpu.memory_space<vmem>>
        %dma_start3A_130 = arith.constant 0 : i32
        %dma_start3A_131 = arith.constant 0 : i32
        %dma_start3A_132 = tpu.memref_slice %arg4[%dma_start3A_130, %dma_start3A_131] : memref<20000x128xf32, #tpu.memory_space<hbm>> -> memref<20000x128xf32, #tpu.memory_space<hbm>>
        tpu.enqueue_indirect_dma source(%dma_start3A_132 : memref<20000x128xf32, #tpu.memory_space<hbm>>) target(%dma_start3A_126 : memref<64x128xf32, #tpu.memory_space<vmem>>) offsets(%dma_start3A_129 : memref<64xi32, #tpu.memory_space<vmem>>) semaphore(%arg11 : memref<!tpu.dma_semaphore, #tpu.memory_space<semaphore_mem>>)
        %mul3A_133 = arith.constant 4 : i32
        %mul3A_134 = arith.muli %scan3A_82, %mul3A_133 : i32
        %add3A_135 = arith.constant 3 : i32
        %add3A_136 = arith.addi %mul3A_134, %add3A_135 : i32
        %dma_start3A_137 = arith.constant 3 : i32
        %dma_start3A_138 = arith.constant 0 : i32
        %dma_start3A_139 = arith.constant 0 : i32
        %dma_start3A_140 = tpu.memref_slice %arg9[%dma_start3A_137, %dma_start3A_138, %dma_start3A_139] : memref<4x64x128xf32, #tpu.memory_space<vmem>> -> memref<1x64x128xf32, #tpu.memory_space<vmem>>
        %dma_start3A_141 = tpu.memref_squeeze %dma_start3A_140 : memref<1x64x128xf32, #tpu.memory_space<vmem>> -> memref<64x128xf32, #tpu.memory_space<vmem>>
        %dma_start3A_142 = arith.constant 0 : i32
        %dma_start3A_143 = tpu.memref_slice %arg7[%add3A_136, %dma_start3A_142] : memref<32x64xi32, #tpu.memory_space<vmem>> -> memref<1x64xi32, #tpu.memory_space<vmem>>
        %dma_start3A_144 = tpu.memref_squeeze %dma_start3A_143 : memref<1x64xi32, #tpu.memory_space<vmem>> -> memref<64xi32, #tpu.memory_space<vmem>>
        %dma_start3A_145 = arith.constant 0 : i32
        %dma_start3A_146 = arith.constant 0 : i32
        %dma_start3A_147 = tpu.memref_slice %arg4[%dma_start3A_145, %dma_start3A_146] : memref<20000x128xf32, #tpu.memory_space<hbm>> -> memref<20000x128xf32, #tpu.memory_space<hbm>>
        tpu.enqueue_indirect_dma source(%dma_start3A_147 : memref<20000x128xf32, #tpu.memory_space<hbm>>) target(%dma_start3A_141 : memref<64x128xf32, #tpu.memory_space<vmem>>) offsets(%dma_start3A_144 : memref<64xi32, #tpu.memory_space<vmem>>) semaphore(%arg11 : memref<!tpu.dma_semaphore, #tpu.memory_space<semaphore_mem>>)
        %mul3A_148 = arith.constant 4 : i32
        %mul3A_149 = arith.muli %scan3A_82, %mul3A_148 : i32
        %add3A_150 = arith.constant 0 : i32
        %add3A_151 = arith.addi %mul3A_149, %add3A_150 : i32
        %dma_wait3A_152 = arith.constant 0 : i32
        %dma_wait3A_153 = arith.constant 0 : i32
        %dma_wait3A_154 = arith.constant 0 : i32
        %dma_wait3A_155 = tpu.memref_slice %arg9[%dma_wait3A_152, %dma_wait3A_153, %dma_wait3A_154] : memref<4x64x128xf32, #tpu.memory_space<vmem>> -> memref<1x64x128xf32, #tpu.memory_space<vmem>>
        %dma_wait3A_156 = tpu.memref_squeeze %dma_wait3A_155 : memref<1x64x128xf32, #tpu.memory_space<vmem>> -> memref<64x128xf32, #tpu.memory_space<vmem>>
        %dma_wait3A_157 = arith.constant 0 : i32
        %dma_wait3A_158 = tpu.memref_slice %arg7[%add3A_92, %dma_wait3A_157] : memref<32x64xi32, #tpu.memory_space<vmem>> -> memref<1x64xi32, #tpu.memory_space<vmem>>
        %dma_wait3A_159 = tpu.memref_squeeze %dma_wait3A_158 : memref<1x64xi32, #tpu.memory_space<vmem>> -> memref<64xi32, #tpu.memory_space<vmem>>
        %dma_wait3A_160 = arith.constant 0 : i32
        %dma_wait3A_161 = arith.constant 0 : i32
        %dma_wait3A_162 = tpu.memref_slice %arg4[%dma_wait3A_160, %dma_wait3A_161] : memref<20000x128xf32, #tpu.memory_space<hbm>> -> memref<20000x128xf32, #tpu.memory_space<hbm>>
        tpu.wait_indirect_dma semaphore(%arg11 : memref<!tpu.dma_semaphore, #tpu.memory_space<semaphore_mem>>) src(%dma_wait3A_162 : memref<20000x128xf32, #tpu.memory_space<hbm>>) dst(%dma_wait3A_156 : memref<64x128xf32, #tpu.memory_space<vmem>>)
        %dma_start3A_163 = arith.constant 0 : i32
        %dma_start3A_164 = arith.constant 0 : i32
        %dma_start3A_165 = arith.constant 0 : i32
        %dma_start3A_166 = tpu.memref_slice %arg9[%dma_start3A_163, %dma_start3A_164, %dma_start3A_165] : memref<4x64x128xf32, #tpu.memory_space<vmem>> -> memref<1x64x128xf32, #tpu.memory_space<vmem>>
        %dma_start3A_167 = tpu.memref_squeeze %dma_start3A_166 : memref<1x64x128xf32, #tpu.memory_space<vmem>> -> memref<64x128xf32, #tpu.memory_space<vmem>>
        %dma_start3A_168 = arith.constant 0 : i32
        %dma_start3A_169 = tpu.memref_slice %arg8[%add3A_151, %dma_start3A_168] : memref<32x64xi32, #tpu.memory_space<vmem>> -> memref<1x64xi32, #tpu.memory_space<vmem>>
        %dma_start3A_170 = tpu.memref_squeeze %dma_start3A_169 : memref<1x64xi32, #tpu.memory_space<vmem>> -> memref<64xi32, #tpu.memory_space<vmem>>
        %dma_start3A_171 = arith.constant 0 : i32
        %dma_start3A_172 = arith.constant 0 : i32
        %dma_start3A_173 = tpu.memref_slice %arg10[%dma_start3A_171, %dma_start3A_172] : memref<10240x128xf32, #tpu.memory_space<vmem_shared>> -> memref<10240x128xf32, #tpu.memory_space<vmem_shared>>
        tpu.enqueue_indirect_dma source(%dma_start3A_167 : memref<64x128xf32, #tpu.memory_space<vmem>>) target(%dma_start3A_173 : memref<10240x128xf32, #tpu.memory_space<vmem_shared>>) offsets(%dma_start3A_170 : memref<64xi32, #tpu.memory_space<vmem>>) semaphore(%arg12 : memref<!tpu.dma_semaphore, #tpu.memory_space<semaphore_mem>>) {add = true}
        %mul3A_174 = arith.constant 4 : i32
        %mul3A_175 = arith.muli %scan3A_82, %mul3A_174 : i32
        %add3A_176 = arith.constant 1 : i32
        %add3A_177 = arith.addi %mul3A_175, %add3A_176 : i32
        %dma_wait3A_178 = arith.constant 1 : i32
        %dma_wait3A_179 = arith.constant 0 : i32
        %dma_wait3A_180 = arith.constant 0 : i32
        %dma_wait3A_181 = tpu.memref_slice %arg9[%dma_wait3A_178, %dma_wait3A_179, %dma_wait3A_180] : memref<4x64x128xf32, #tpu.memory_space<vmem>> -> memref<1x64x128xf32, #tpu.memory_space<vmem>>
        %dma_wait3A_182 = tpu.memref_squeeze %dma_wait3A_181 : memref<1x64x128xf32, #tpu.memory_space<vmem>> -> memref<64x128xf32, #tpu.memory_space<vmem>>
        %dma_wait3A_183 = arith.constant 0 : i32
        %dma_wait3A_184 = tpu.memref_slice %arg7[%add3A_106, %dma_wait3A_183] : memref<32x64xi32, #tpu.memory_space<vmem>> -> memref<1x64xi32, #tpu.memory_space<vmem>>
        %dma_wait3A_185 = tpu.memref_squeeze %dma_wait3A_184 : memref<1x64xi32, #tpu.memory_space<vmem>> -> memref<64xi32, #tpu.memory_space<vmem>>
        %dma_wait3A_186 = arith.constant 0 : i32
        %dma_wait3A_187 = arith.constant 0 : i32
        %dma_wait3A_188 = tpu.memref_slice %arg4[%dma_wait3A_186, %dma_wait3A_187] : memref<20000x128xf32, #tpu.memory_space<hbm>> -> memref<20000x128xf32, #tpu.memory_space<hbm>>
        tpu.wait_indirect_dma semaphore(%arg11 : memref<!tpu.dma_semaphore, #tpu.memory_space<semaphore_mem>>) src(%dma_wait3A_188 : memref<20000x128xf32, #tpu.memory_space<hbm>>) dst(%dma_wait3A_182 : memref<64x128xf32, #tpu.memory_space<vmem>>)
        %dma_start3A_189 = arith.constant 1 : i32
        %dma_start3A_190 = arith.constant 0 : i32
        %dma_start3A_191 = arith.constant 0 : i32
        %dma_start3A_192 = tpu.memref_slice %arg9[%dma_start3A_189, %dma_start3A_190, %dma_start3A_191] : memref<4x64x128xf32, #tpu.memory_space<vmem>> -> memref<1x64x128xf32, #tpu.memory_space<vmem>>
        %dma_start3A_193 = tpu.memref_squeeze %dma_start3A_192 : memref<1x64x128xf32, #tpu.memory_space<vmem>> -> memref<64x128xf32, #tpu.memory_space<vmem>>
        %dma_start3A_194 = arith.constant 0 : i32
        %dma_start3A_195 = tpu.memref_slice %arg8[%add3A_177, %dma_start3A_194] : memref<32x64xi32, #tpu.memory_space<vmem>> -> memref<1x64xi32, #tpu.memory_space<vmem>>
        %dma_start3A_196 = tpu.memref_squeeze %dma_start3A_195 : memref<1x64xi32, #tpu.memory_space<vmem>> -> memref<64xi32, #tpu.memory_space<vmem>>
        %dma_start3A_197 = arith.constant 0 : i32
        %dma_start3A_198 = arith.constant 0 : i32
        %dma_start3A_199 = tpu.memref_slice %arg10[%dma_start3A_197, %dma_start3A_198] : memref<10240x128xf32, #tpu.memory_space<vmem_shared>> -> memref<10240x128xf32, #tpu.memory_space<vmem_shared>>
        tpu.enqueue_indirect_dma source(%dma_start3A_193 : memref<64x128xf32, #tpu.memory_space<vmem>>) target(%dma_start3A_199 : memref<10240x128xf32, #tpu.memory_space<vmem_shared>>) offsets(%dma_start3A_196 : memref<64xi32, #tpu.memory_space<vmem>>) semaphore(%arg13 : memref<!tpu.dma_semaphore, #tpu.memory_space<semaphore_mem>>) {add = true}
        %mul3A_200 = arith.constant 4 : i32
        %mul3A_201 = arith.muli %scan3A_82, %mul3A_200 : i32
        %add3A_202 = arith.constant 2 : i32
        %add3A_203 = arith.addi %mul3A_201, %add3A_202 : i32
        %dma_wait3A_204 = arith.constant 2 : i32
        %dma_wait3A_205 = arith.constant 0 : i32
        %dma_wait3A_206 = arith.constant 0 : i32
        %dma_wait3A_207 = tpu.memref_slice %arg9[%dma_wait3A_204, %dma_wait3A_205, %dma_wait3A_206] : memref<4x64x128xf32, #tpu.memory_space<vmem>> -> memref<1x64x128xf32, #tpu.memory_space<vmem>>
        %dma_wait3A_208 = tpu.memref_squeeze %dma_wait3A_207 : memref<1x64x128xf32, #tpu.memory_space<vmem>> -> memref<64x128xf32, #tpu.memory_space<vmem>>
        %dma_wait3A_209 = arith.constant 0 : i32
        %dma_wait3A_210 = tpu.memref_slice %arg7[%add3A_121, %dma_wait3A_209] : memref<32x64xi32, #tpu.memory_space<vmem>> -> memref<1x64xi32, #tpu.memory_space<vmem>>
        %dma_wait3A_211 = tpu.memref_squeeze %dma_wait3A_210 : memref<1x64xi32, #tpu.memory_space<vmem>> -> memref<64xi32, #tpu.memory_space<vmem>>
        %dma_wait3A_212 = arith.constant 0 : i32
        %dma_wait3A_213 = arith.constant 0 : i32
        %dma_wait3A_214 = tpu.memref_slice %arg4[%dma_wait3A_212, %dma_wait3A_213] : memref<20000x128xf32, #tpu.memory_space<hbm>> -> memref<20000x128xf32, #tpu.memory_space<hbm>>
        tpu.wait_indirect_dma semaphore(%arg11 : memref<!tpu.dma_semaphore, #tpu.memory_space<semaphore_mem>>) src(%dma_wait3A_214 : memref<20000x128xf32, #tpu.memory_space<hbm>>) dst(%dma_wait3A_208 : memref<64x128xf32, #tpu.memory_space<vmem>>)
        %dma_start3A_215 = arith.constant 2 : i32
        %dma_start3A_216 = arith.constant 0 : i32
        %dma_start3A_217 = arith.constant 0 : i32
        %dma_start3A_218 = tpu.memref_slice %arg9[%dma_start3A_215, %dma_start3A_216, %dma_start3A_217] : memref<4x64x128xf32, #tpu.memory_space<vmem>> -> memref<1x64x128xf32, #tpu.memory_space<vmem>>
        %dma_start3A_219 = tpu.memref_squeeze %dma_start3A_218 : memref<1x64x128xf32, #tpu.memory_space<vmem>> -> memref<64x128xf32, #tpu.memory_space<vmem>>
        %dma_start3A_220 = arith.constant 0 : i32
        %dma_start3A_221 = tpu.memref_slice %arg8[%add3A_203, %dma_start3A_220] : memref<32x64xi32, #tpu.memory_space<vmem>> -> memref<1x64xi32, #tpu.memory_space<vmem>>
        %dma_start3A_222 = tpu.memref_squeeze %dma_start3A_221 : memref<1x64xi32, #tpu.memory_space<vmem>> -> memref<64xi32, #tpu.memory_space<vmem>>
        %dma_start3A_223 = arith.constant 0 : i32
        %dma_start3A_224 = arith.constant 0 : i32
        %dma_start3A_225 = tpu.memref_slice %arg10[%dma_start3A_223, %dma_start3A_224] : memref<10240x128xf32, #tpu.memory_space<vmem_shared>> -> memref<10240x128xf32, #tpu.memory_space<vmem_shared>>
        tpu.enqueue_indirect_dma source(%dma_start3A_219 : memref<64x128xf32, #tpu.memory_space<vmem>>) target(%dma_start3A_225 : memref<10240x128xf32, #tpu.memory_space<vmem_shared>>) offsets(%dma_start3A_222 : memref<64xi32, #tpu.memory_space<vmem>>) semaphore(%arg14 : memref<!tpu.dma_semaphore, #tpu.memory_space<semaphore_mem>>) {add = true}
        %mul3A_226 = arith.constant 4 : i32
        %mul3A_227 = arith.muli %scan3A_82, %mul3A_226 : i32
        %add3A_228 = arith.constant 3 : i32
        %add3A_229 = arith.addi %mul3A_227, %add3A_228 : i32
        %dma_wait3A_230 = arith.constant 3 : i32
        %dma_wait3A_231 = arith.constant 0 : i32
        %dma_wait3A_232 = arith.constant 0 : i32
        %dma_wait3A_233 = tpu.memref_slice %arg9[%dma_wait3A_230, %dma_wait3A_231, %dma_wait3A_232] : memref<4x64x128xf32, #tpu.memory_space<vmem>> -> memref<1x64x128xf32, #tpu.memory_space<vmem>>
        %dma_wait3A_234 = tpu.memref_squeeze %dma_wait3A_233 : memref<1x64x128xf32, #tpu.memory_space<vmem>> -> memref<64x128xf32, #tpu.memory_space<vmem>>
        %dma_wait3A_235 = arith.constant 0 : i32
        %dma_wait3A_236 = tpu.memref_slice %arg7[%add3A_136, %dma_wait3A_235] : memref<32x64xi32, #tpu.memory_space<vmem>> -> memref<1x64xi32, #tpu.memory_space<vmem>>
        %dma_wait3A_237 = tpu.memref_squeeze %dma_wait3A_236 : memref<1x64xi32, #tpu.memory_space<vmem>> -> memref<64xi32, #tpu.memory_space<vmem>>
        %dma_wait3A_238 = arith.constant 0 : i32
        %dma_wait3A_239 = arith.constant 0 : i32
        %dma_wait3A_240 = tpu.memref_slice %arg4[%dma_wait3A_238, %dma_wait3A_239] : memref<20000x128xf32, #tpu.memory_space<hbm>> -> memref<20000x128xf32, #tpu.memory_space<hbm>>
        tpu.wait_indirect_dma semaphore(%arg11 : memref<!tpu.dma_semaphore, #tpu.memory_space<semaphore_mem>>) src(%dma_wait3A_240 : memref<20000x128xf32, #tpu.memory_space<hbm>>) dst(%dma_wait3A_234 : memref<64x128xf32, #tpu.memory_space<vmem>>)
        %dma_start3A_241 = arith.constant 3 : i32
        %dma_start3A_242 = arith.constant 0 : i32
        %dma_start3A_243 = arith.constant 0 : i32
        %dma_start3A_244 = tpu.memref_slice %arg9[%dma_start3A_241, %dma_start3A_242, %dma_start3A_243] : memref<4x64x128xf32, #tpu.memory_space<vmem>> -> memref<1x64x128xf32, #tpu.memory_space<vmem>>
        %dma_start3A_245 = tpu.memref_squeeze %dma_start3A_244 : memref<1x64x128xf32, #tpu.memory_space<vmem>> -> memref<64x128xf32, #tpu.memory_space<vmem>>
        %dma_start3A_246 = arith.constant 0 : i32
        %dma_start3A_247 = tpu.memref_slice %arg8[%add3A_229, %dma_start3A_246] : memref<32x64xi32, #tpu.memory_space<vmem>> -> memref<1x64xi32, #tpu.memory_space<vmem>>
        %dma_start3A_248 = tpu.memref_squeeze %dma_start3A_247 : memref<1x64xi32, #tpu.memory_space<vmem>> -> memref<64xi32, #tpu.memory_space<vmem>>
        %dma_start3A_249 = arith.constant 0 : i32
        %dma_start3A_250 = arith.constant 0 : i32
        %dma_start3A_251 = tpu.memref_slice %arg10[%dma_start3A_249, %dma_start3A_250] : memref<10240x128xf32, #tpu.memory_space<vmem_shared>> -> memref<10240x128xf32, #tpu.memory_space<vmem_shared>>
        tpu.enqueue_indirect_dma source(%dma_start3A_245 : memref<64x128xf32, #tpu.memory_space<vmem>>) target(%dma_start3A_251 : memref<10240x128xf32, #tpu.memory_space<vmem_shared>>) offsets(%dma_start3A_248 : memref<64xi32, #tpu.memory_space<vmem>>) semaphore(%arg15 : memref<!tpu.dma_semaphore, #tpu.memory_space<semaphore_mem>>) {add = true}
      }
      %scan3A_81 = arith.constant 8 : i32
    }
    %scan3A_5 = arith.constant 10 : i32
    %dma_wait3A = arith.constant 0 : i32
    %dma_wait3A_6 = arith.constant 0 : i32
    %dma_wait3A_7 = arith.constant 0 : i32
    %dma_wait3A_8 = tpu.memref_slice %arg9[%dma_wait3A, %dma_wait3A_6, %dma_wait3A_7] : memref<4x64x128xf32, #tpu.memory_space<vmem>> -> memref<1x64x128xf32, #tpu.memory_space<vmem>>
    %dma_wait3A_9 = tpu.memref_squeeze %dma_wait3A_8 : memref<1x64x128xf32, #tpu.memory_space<vmem>> -> memref<64x128xf32, #tpu.memory_space<vmem>>
    %dma_wait3A_10 = arith.constant 0 : i32
    %dma_wait3A_11 = arith.constant 0 : i32
    %dma_wait3A_12 = tpu.memref_slice %arg5[%dma_wait3A_10, %dma_wait3A_11] : memref<640x128xf32, #tpu.memory_space<hbm>> -> memref<64x128xf32, #tpu.memory_space<hbm>>
    %dma_wait3A_13 = arith.constant 0 : i32
    %dma_wait3A_14 = arith.constant 0 : i32
    %dma_wait3A_15 = tpu.memref_slice %arg9[%dma_wait3A, %dma_wait3A_13, %dma_wait3A_14] : memref<4x64x128xf32, #tpu.memory_space<vmem>> -> memref<1x64x128xf32, #tpu.memory_space<vmem>>
    %dma_wait3A_16 = tpu.memref_squeeze %dma_wait3A_15 : memref<1x64x128xf32, #tpu.memory_space<vmem>> -> memref<64x128xf32, #tpu.memory_space<vmem>>
    %dma_wait3A_17 = arith.constant 0 : i32
    %dma_wait3A_18 = arith.constant 0 : i32
    %dma_wait3A_19 = tpu.memref_slice %arg5[%dma_wait3A_17, %dma_wait3A_18] : memref<640x128xf32, #tpu.memory_space<hbm>> -> memref<64x128xf32, #tpu.memory_space<hbm>>
    tpu.wait_dma2 semaphore(%arg12 : memref<!tpu.dma_semaphore, #tpu.memory_space<semaphore_mem>>) src(%dma_wait3A_19 : memref<64x128xf32, #tpu.memory_space<hbm>>) dst(%dma_wait3A_16 : memref<64x128xf32, #tpu.memory_space<vmem>>)
    %dma_wait3A_20 = arith.constant 1 : i32
    %dma_wait3A_21 = arith.constant 0 : i32
    %dma_wait3A_22 = arith.constant 0 : i32
    %dma_wait3A_23 = tpu.memref_slice %arg9[%dma_wait3A_20, %dma_wait3A_21, %dma_wait3A_22] : memref<4x64x128xf32, #tpu.memory_space<vmem>> -> memref<1x64x128xf32, #tpu.memory_space<vmem>>
    %dma_wait3A_24 = tpu.memref_squeeze %dma_wait3A_23 : memref<1x64x128xf32, #tpu.memory_space<vmem>> -> memref<64x128xf32, #tpu.memory_space<vmem>>
    %dma_wait3A_25 = arith.constant 0 : i32
    %dma_wait3A_26 = arith.constant 0 : i32
    %dma_wait3A_27 = tpu.memref_slice %arg5[%dma_wait3A_25, %dma_wait3A_26] : memref<640x128xf32, #tpu.memory_space<hbm>> -> memref<64x128xf32, #tpu.memory_space<hbm>>
    %dma_wait3A_28 = arith.constant 0 : i32
    %dma_wait3A_29 = arith.constant 0 : i32
    %dma_wait3A_30 = tpu.memref_slice %arg9[%dma_wait3A_20, %dma_wait3A_28, %dma_wait3A_29] : memref<4x64x128xf32, #tpu.memory_space<vmem>> -> memref<1x64x128xf32, #tpu.memory_space<vmem>>
    %dma_wait3A_31 = tpu.memref_squeeze %dma_wait3A_30 : memref<1x64x128xf32, #tpu.memory_space<vmem>> -> memref<64x128xf32, #tpu.memory_space<vmem>>
    %dma_wait3A_32 = arith.constant 0 : i32
    %dma_wait3A_33 = arith.constant 0 : i32
    %dma_wait3A_34 = tpu.memref_slice %arg5[%dma_wait3A_32, %dma_wait3A_33] : memref<640x128xf32, #tpu.memory_space<hbm>> -> memref<64x128xf32, #tpu.memory_space<hbm>>
    tpu.wait_dma2 semaphore(%arg13 : memref<!tpu.dma_semaphore, #tpu.memory_space<semaphore_mem>>) src(%dma_wait3A_34 : memref<64x128xf32, #tpu.memory_space<hbm>>) dst(%dma_wait3A_31 : memref<64x128xf32, #tpu.memory_space<vmem>>)
    %dma_wait3A_35 = arith.constant 2 : i32
    %dma_wait3A_36 = arith.constant 0 : i32
    %dma_wait3A_37 = arith.constant 0 : i32
    %dma_wait3A_38 = tpu.memref_slice %arg9[%dma_wait3A_35, %dma_wait3A_36, %dma_wait3A_37] : memref<4x64x128xf32, #tpu.memory_space<vmem>> -> memref<1x64x128xf32, #tpu.memory_space<vmem>>
    %dma_wait3A_39 = tpu.memref_squeeze %dma_wait3A_38 : memref<1x64x128xf32, #tpu.memory_space<vmem>> -> memref<64x128xf32, #tpu.memory_space<vmem>>
    %dma_wait3A_40 = arith.constant 0 : i32
    %dma_wait3A_41 = arith.constant 0 : i32
    %dma_wait3A_42 = tpu.memref_slice %arg5[%dma_wait3A_40, %dma_wait3A_41] : memref<640x128xf32, #tpu.memory_space<hbm>> -> memref<64x128xf32, #tpu.memory_space<hbm>>
    %dma_wait3A_43 = arith.constant 0 : i32
    %dma_wait3A_44 = arith.constant 0 : i32
    %dma_wait3A_45 = tpu.memref_slice %arg9[%dma_wait3A_35, %dma_wait3A_43, %dma_wait3A_44] : memref<4x64x128xf32, #tpu.memory_space<vmem>> -> memref<1x64x128xf32, #tpu.memory_space<vmem>>
    %dma_wait3A_46 = tpu.memref_squeeze %dma_wait3A_45 : memref<1x64x128xf32, #tpu.memory_space<vmem>> -> memref<64x128xf32, #tpu.memory_space<vmem>>
    %dma_wait3A_47 = arith.constant 0 : i32
    %dma_wait3A_48 = arith.constant 0 : i32
    %dma_wait3A_49 = tpu.memref_slice %arg5[%dma_wait3A_47, %dma_wait3A_48] : memref<640x128xf32, #tpu.memory_space<hbm>> -> memref<64x128xf32, #tpu.memory_space<hbm>>
    tpu.wait_dma2 semaphore(%arg14 : memref<!tpu.dma_semaphore, #tpu.memory_space<semaphore_mem>>) src(%dma_wait3A_49 : memref<64x128xf32, #tpu.memory_space<hbm>>) dst(%dma_wait3A_46 : memref<64x128xf32, #tpu.memory_space<vmem>>)
    %dma_wait3A_50 = arith.constant 3 : i32
    %dma_wait3A_51 = arith.constant 0 : i32
    %dma_wait3A_52 = arith.constant 0 : i32
    %dma_wait3A_53 = tpu.memref_slice %arg9[%dma_wait3A_50, %dma_wait3A_51, %dma_wait3A_52] : memref<4x64x128xf32, #tpu.memory_space<vmem>> -> memref<1x64x128xf32, #tpu.memory_space<vmem>>
    %dma_wait3A_54 = tpu.memref_squeeze %dma_wait3A_53 : memref<1x64x128xf32, #tpu.memory_space<vmem>> -> memref<64x128xf32, #tpu.memory_space<vmem>>
    %dma_wait3A_55 = arith.constant 0 : i32
    %dma_wait3A_56 = arith.constant 0 : i32
    %dma_wait3A_57 = tpu.memref_slice %arg5[%dma_wait3A_55, %dma_wait3A_56] : memref<640x128xf32, #tpu.memory_space<hbm>> -> memref<64x128xf32, #tpu.memory_space<hbm>>
    %dma_wait3A_58 = arith.constant 0 : i32
    %dma_wait3A_59 = arith.constant 0 : i32
    %dma_wait3A_60 = tpu.memref_slice %arg9[%dma_wait3A_50, %dma_wait3A_58, %dma_wait3A_59] : memref<4x64x128xf32, #tpu.memory_space<vmem>> -> memref<1x64x128xf32, #tpu.memory_space<vmem>>
    %dma_wait3A_61 = tpu.memref_squeeze %dma_wait3A_60 : memref<1x64x128xf32, #tpu.memory_space<vmem>> -> memref<64x128xf32, #tpu.memory_space<vmem>>
    %dma_wait3A_62 = arith.constant 0 : i32
    %dma_wait3A_63 = arith.constant 0 : i32
    %dma_wait3A_64 = tpu.memref_slice %arg5[%dma_wait3A_62, %dma_wait3A_63] : memref<640x128xf32, #tpu.memory_space<hbm>> -> memref<64x128xf32, #tpu.memory_space<hbm>>
    tpu.wait_dma2 semaphore(%arg15 : memref<!tpu.dma_semaphore, #tpu.memory_space<semaphore_mem>>) src(%dma_wait3A_64 : memref<64x128xf32, #tpu.memory_space<hbm>>) dst(%dma_wait3A_61 : memref<64x128xf32, #tpu.memory_space<vmem>>)
    %barrier3A_65 = arith.constant 0 : index
    tpu.barrier barrier_id(%barrier3A_65)
    %mul3A_66 = arith.constant 624 : i32
    %mul3A_67 = arith.muli %arg1, %mul3A_66 : i32
    %mul3A_68 = arith.constant 624 : i32
    %mul3A_69 = arith.muli %arg1, %mul3A_68 : i32
    "tpu.region"() ({
      %run_scoped3A = tpu.sem_alloc : memref<!tpu.dma_semaphore, #tpu.memory_space<semaphore_mem>>
      %dma_start3A = arith.constant 0 : i32
      %dma_start3A_72 = tpu.memref_slice %arg6[%arg0, %mul3A_69, %dma_start3A] : memref<2x10000x128xf32, #tpu.memory_space<hbm>> -> memref<1x624x128xf32, #tpu.memory_space<hbm>>
      %dma_start3A_73 = tpu.memref_squeeze %dma_start3A_72 : memref<1x624x128xf32, #tpu.memory_space<hbm>> -> memref<624x128xf32, #tpu.memory_space<hbm>>
      %dma_start3A_74 = arith.constant 0 : i32
      %dma_start3A_75 = tpu.memref_slice %arg10[%mul3A_67, %dma_start3A_74] : memref<10240x128xf32, #tpu.memory_space<vmem_shared>> -> memref<624x128xf32, #tpu.memory_space<vmem_shared>>
      tpu.enqueue_dma source(%dma_start3A_75 : memref<624x128xf32, #tpu.memory_space<vmem_shared>>) target(%dma_start3A_73 : memref<624x128xf32, #tpu.memory_space<hbm>>) target_semaphore(%run_scoped3A : memref<!tpu.dma_semaphore, #tpu.memory_space<semaphore_mem>>)
      %dma_wait3A_76 = arith.constant 0 : i32
      %dma_wait3A_77 = tpu.memref_slice %arg6[%arg0, %mul3A_69, %dma_wait3A_76] : memref<2x10000x128xf32, #tpu.memory_space<hbm>> -> memref<1x624x128xf32, #tpu.memory_space<hbm>>
      %dma_wait3A_78 = tpu.memref_squeeze %dma_wait3A_77 : memref<1x624x128xf32, #tpu.memory_space<hbm>> -> memref<624x128xf32, #tpu.memory_space<hbm>>
      %dma_wait3A_79 = arith.constant 0 : i32
      %dma_wait3A_80 = tpu.memref_slice %arg10[%mul3A_67, %dma_wait3A_79] : memref<10240x128xf32, #tpu.memory_space<vmem_shared>> -> memref<624x128xf32, #tpu.memory_space<vmem_shared>>
      tpu.wait_dma2 semaphore(%run_scoped3A : memref<!tpu.dma_semaphore, #tpu.memory_space<semaphore_mem>>) src(%dma_wait3A_80 : memref<624x128xf32, #tpu.memory_space<vmem_shared>>) dst(%dma_wait3A_78 : memref<624x128xf32, #tpu.memory_space<hbm>>)
      tpu.yield
    }) : () -> ()
    %eq3A = arith.constant 15 : i32
    %eq3A_70 = arith.cmpi eq, %arg1, %eq3A : i32
    %convert_element_type3A = arith.extui %eq3A_70 : i1 to i32
    %cond3A = arith.constant 0 : i32
    %cond3A_71 = arith.cmpi ne, %convert_element_type3A, %cond3A : i32
    scf.if %cond3A_71 {
      "tpu.region"() ({
        %run_scoped3A = tpu.sem_alloc : memref<!tpu.dma_semaphore, #tpu.memory_space<semaphore_mem>>
        %dma_start3A = arith.constant 9984 : i32
        %dma_start3A_72 = arith.constant 0 : i32
        %dma_start3A_73 = tpu.memref_slice %arg6[%arg0, %dma_start3A, %dma_start3A_72] : memref<2x10000x128xf32, #tpu.memory_space<hbm>> -> memref<1x16x128xf32, #tpu.memory_space<hbm>>
        %dma_start3A_74 = tpu.memref_squeeze %dma_start3A_73 : memref<1x16x128xf32, #tpu.memory_space<hbm>> -> memref<16x128xf32, #tpu.memory_space<hbm>>
        %dma_start3A_75 = arith.constant 9984 : i32
        %dma_start3A_76 = arith.constant 0 : i32
        %dma_start3A_77 = tpu.memref_slice %arg10[%dma_start3A_75, %dma_start3A_76] : memref<10240x128xf32, #tpu.memory_space<vmem_shared>> -> memref<16x128xf32, #tpu.memory_space<vmem_shared>>
        tpu.enqueue_dma source(%dma_start3A_77 : memref<16x128xf32, #tpu.memory_space<vmem_shared>>) target(%dma_start3A_74 : memref<16x128xf32, #tpu.memory_space<hbm>>) target_semaphore(%run_scoped3A : memref<!tpu.dma_semaphore, #tpu.memory_space<semaphore_mem>>)
        %dma_wait3A_78 = arith.constant 9984 : i32
        %dma_wait3A_79 = arith.constant 0 : i32
        %dma_wait3A_80 = tpu.memref_slice %arg6[%arg0, %dma_wait3A_78, %dma_wait3A_79] : memref<2x10000x128xf32, #tpu.memory_space<hbm>> -> memref<1x16x128xf32, #tpu.memory_space<hbm>>
        %dma_wait3A_81 = tpu.memref_squeeze %dma_wait3A_80 : memref<1x16x128xf32, #tpu.memory_space<hbm>> -> memref<16x128xf32, #tpu.memory_space<hbm>>
        %dma_wait3A_82 = arith.constant 9984 : i32
        %dma_wait3A_83 = arith.constant 0 : i32
        %dma_wait3A_84 = tpu.memref_slice %arg10[%dma_wait3A_82, %dma_wait3A_83] : memref<10240x128xf32, #tpu.memory_space<vmem_shared>> -> memref<16x128xf32, #tpu.memory_space<vmem_shared>>
        tpu.wait_dma2 semaphore(%run_scoped3A : memref<!tpu.dma_semaphore, #tpu.memory_space<semaphore_mem>>) src(%dma_wait3A_84 : memref<16x128xf32, #tpu.memory_space<vmem_shared>>) dst(%dma_wait3A_81 : memref<16x128xf32, #tpu.memory_space<hbm>>)
        tpu.yield
      }) : () -> ()
    } else {
    }
    return
  }
}

#map = affine_map<(d0, d1) -> (0, 0, 0, 0)>
#map1 = affine_map<(d0, d1) -> (0, 0)>
#map2 = affine_map<(d0, d1) -> (0, 0, 0)>
module attributes {stable_mosaic.version = 14 : i64} {
  func.func @_deg_kernel(%arg0: i32, %arg1: i32, %arg2: memref<2x16x80x128xi32, #tpu.memory_space<hbm>>, %arg3: memref<128x128xf32, #tpu.memory_space<hbm>>, %arg4: memref<640x128xf32, #tpu.memory_space<hbm>>, %arg5: memref<2x10000x128xf32, #tpu.memory_space<hbm>>, %arg6: memref<80x128xi32, #tpu.memory_space<vmem>>, %arg7: memref<128x128xf32, #tpu.memory_space<vmem>>, %arg8: memref<10240x128xf32, #tpu.memory_space<vmem_shared>>, %arg9: memref<!tpu.dma_semaphore, #tpu.memory_space<semaphore_mem>>) attributes {dimension_semantics = [#tpu.dimension_semantics<core_parallel>, #tpu.dimension_semantics<subcore_parallel>], iteration_bounds = array<i64: 2, 16>, scalar_prefetch = 0 : i64, scratch_operands = 4 : i64, tpu.core_type = #tpu.core_type<sc_vector_subcore>, window_params = [{transform_indices = #map}, {transform_indices = #map1}, {transform_indices = #map1}, {transform_indices = #map2}]} {
    "tpu.region"() ({
      %run_scoped3A = tpu.sem_alloc : memref<!tpu.dma_semaphore, #tpu.memory_space<semaphore_mem>>
      %dma_start3A = arith.constant 0 : i32
      %dma_start3A_13 = arith.constant 0 : i32
      %dma_start3A_14 = tpu.memref_slice %arg2[%arg0, %arg1, %dma_start3A, %dma_start3A_13] : memref<2x16x80x128xi32, #tpu.memory_space<hbm>> -> memref<1x1x80x128xi32, #tpu.memory_space<hbm>>
      %dma_start3A_15 = tpu.memref_squeeze %dma_start3A_14 : memref<1x1x80x128xi32, #tpu.memory_space<hbm>> -> memref<80x128xi32, #tpu.memory_space<hbm>>
      %dma_start3A_16 = arith.constant 0 : i32
      %dma_start3A_17 = arith.constant 0 : i32
      %dma_start3A_18 = tpu.memref_slice %arg2[%arg0, %arg1, %dma_start3A_16, %dma_start3A_17] : memref<2x16x80x128xi32, #tpu.memory_space<hbm>> -> memref<1x1x80x128xi32, #tpu.memory_space<hbm>>
      %dma_start3A_19 = tpu.memref_squeeze %dma_start3A_18 : memref<1x1x80x128xi32, #tpu.memory_space<hbm>> -> memref<80x128xi32, #tpu.memory_space<hbm>>
      tpu.enqueue_dma source(%dma_start3A_19 : memref<80x128xi32, #tpu.memory_space<hbm>>) target(%arg6 : memref<80x128xi32, #tpu.memory_space<vmem>>) target_semaphore(%run_scoped3A : memref<!tpu.dma_semaphore, #tpu.memory_space<semaphore_mem>>)
      %dma_wait3A = arith.constant 0 : i32
      %dma_wait3A_20 = arith.constant 0 : i32
      %dma_wait3A_21 = tpu.memref_slice %arg2[%arg0, %arg1, %dma_wait3A, %dma_wait3A_20] : memref<2x16x80x128xi32, #tpu.memory_space<hbm>> -> memref<1x1x80x128xi32, #tpu.memory_space<hbm>>
      %dma_wait3A_22 = tpu.memref_squeeze %dma_wait3A_21 : memref<1x1x80x128xi32, #tpu.memory_space<hbm>> -> memref<80x128xi32, #tpu.memory_space<hbm>>
      %dma_wait3A_23 = arith.constant 0 : i32
      %dma_wait3A_24 = arith.constant 0 : i32
      %dma_wait3A_25 = tpu.memref_slice %arg2[%arg0, %arg1, %dma_wait3A_23, %dma_wait3A_24] : memref<2x16x80x128xi32, #tpu.memory_space<hbm>> -> memref<1x1x80x128xi32, #tpu.memory_space<hbm>>
      %dma_wait3A_26 = tpu.memref_squeeze %dma_wait3A_25 : memref<1x1x80x128xi32, #tpu.memory_space<hbm>> -> memref<80x128xi32, #tpu.memory_space<hbm>>
      tpu.wait_dma2 semaphore(%run_scoped3A : memref<!tpu.dma_semaphore, #tpu.memory_space<semaphore_mem>>) src(%dma_wait3A_26 : memref<80x128xi32, #tpu.memory_space<hbm>>) dst(%arg6 : memref<80x128xi32, #tpu.memory_space<vmem>>)
      tpu.yield
    }) : () -> ()
    "tpu.region"() ({
      %run_scoped3A = tpu.sem_alloc : memref<!tpu.dma_semaphore, #tpu.memory_space<semaphore_mem>>
      tpu.enqueue_dma source(%arg3 : memref<128x128xf32, #tpu.memory_space<hbm>>) target(%arg7 : memref<128x128xf32, #tpu.memory_space<vmem>>) target_semaphore(%run_scoped3A : memref<!tpu.dma_semaphore, #tpu.memory_space<semaphore_mem>>)
      tpu.wait_dma2 semaphore(%run_scoped3A : memref<!tpu.dma_semaphore, #tpu.memory_space<semaphore_mem>>) src(%arg3 : memref<128x128xf32, #tpu.memory_space<hbm>>) dst(%arg7 : memref<128x128xf32, #tpu.memory_space<vmem>>)
      tpu.yield
    }) : () -> ()
    %mul3A = arith.constant 640 : i32
    %mul3A_0 = arith.muli %arg1, %mul3A : i32
    "tpu.region"() ({
      %run_scoped3A = tpu.sem_alloc : memref<!tpu.dma_semaphore, #tpu.memory_space<semaphore_mem>>
      %dma_start3A = arith.constant 0 : i32
      %dma_start3A_13 = tpu.memref_slice %arg8[%mul3A_0, %dma_start3A] : memref<10240x128xf32, #tpu.memory_space<vmem_shared>> -> memref<640x128xf32, #tpu.memory_space<vmem_shared>>
      tpu.enqueue_dma source(%arg4 : memref<640x128xf32, #tpu.memory_space<hbm>>) target(%dma_start3A_13 : memref<640x128xf32, #tpu.memory_space<vmem_shared>>) target_semaphore(%run_scoped3A : memref<!tpu.dma_semaphore, #tpu.memory_space<semaphore_mem>>)
      %dma_wait3A = arith.constant 0 : i32
      %dma_wait3A_14 = tpu.memref_slice %arg8[%mul3A_0, %dma_wait3A] : memref<10240x128xf32, #tpu.memory_space<vmem_shared>> -> memref<640x128xf32, #tpu.memory_space<vmem_shared>>
      tpu.wait_dma2 semaphore(%run_scoped3A : memref<!tpu.dma_semaphore, #tpu.memory_space<semaphore_mem>>) src(%arg4 : memref<640x128xf32, #tpu.memory_space<hbm>>) dst(%dma_wait3A_14 : memref<640x128xf32, #tpu.memory_space<vmem_shared>>)
      tpu.yield
    }) : () -> ()
    %barrier3A = arith.constant 0 : index
    tpu.barrier barrier_id(%barrier3A)
    %scan3A = arith.constant 0 : i32
    %scan3A_1 = arith.constant 0 : i32
    %scan3A_2 = arith.constant 10 : i32
    %scan3A_3 = arith.addi %scan3A_1, %scan3A_2 : i32
    %scan3A_4 = arith.constant 1 : i32
    scf.for %scan3A_13 = %scan3A_1 to %scan3A_3 step %scan3A_4  : i32 {
      %mul3A_14 = arith.constant 8 : i32
      %mul3A_15 = arith.muli %scan3A_13, %mul3A_14 : i32
      %add3A = arith.constant 0 : i32
      %add3A_16 = arith.addi %mul3A_15, %add3A : i32
      %dma_start3A = arith.constant 0 : i32
      %dma_start3A_17 = tpu.memref_slice %arg6[%add3A_16, %dma_start3A] : memref<80x128xi32, #tpu.memory_space<vmem>> -> memref<1x128xi32, #tpu.memory_space<vmem>>
      %dma_start3A_18 = tpu.memref_squeeze %dma_start3A_17 : memref<1x128xi32, #tpu.memory_space<vmem>> -> memref<128xi32, #tpu.memory_space<vmem>>
      %dma_start3A_19 = arith.constant 0 : i32
      %dma_start3A_20 = arith.constant 0 : i32
      %dma_start3A_21 = tpu.memref_slice %arg8[%dma_start3A_19, %dma_start3A_20] : memref<10240x128xf32, #tpu.memory_space<vmem_shared>> -> memref<10240x128xf32, #tpu.memory_space<vmem_shared>>
      tpu.enqueue_indirect_dma source(%arg7 : memref<128x128xf32, #tpu.memory_space<vmem>>) target(%dma_start3A_21 : memref<10240x128xf32, #tpu.memory_space<vmem_shared>>) offsets(%dma_start3A_18 : memref<128xi32, #tpu.memory_space<vmem>>) semaphore(%arg9 : memref<!tpu.dma_semaphore, #tpu.memory_space<semaphore_mem>>) {add = true}
      %mul3A_22 = arith.constant 8 : i32
      %mul3A_23 = arith.muli %scan3A_13, %mul3A_22 : i32
      %add3A_24 = arith.constant 1 : i32
      %add3A_25 = arith.addi %mul3A_23, %add3A_24 : i32
      %dma_start3A_26 = arith.constant 0 : i32
      %dma_start3A_27 = tpu.memref_slice %arg6[%add3A_25, %dma_start3A_26] : memref<80x128xi32, #tpu.memory_space<vmem>> -> memref<1x128xi32, #tpu.memory_space<vmem>>
      %dma_start3A_28 = tpu.memref_squeeze %dma_start3A_27 : memref<1x128xi32, #tpu.memory_space<vmem>> -> memref<128xi32, #tpu.memory_space<vmem>>
      %dma_start3A_29 = arith.constant 0 : i32
      %dma_start3A_30 = arith.constant 0 : i32
      %dma_start3A_31 = tpu.memref_slice %arg8[%dma_start3A_29, %dma_start3A_30] : memref<10240x128xf32, #tpu.memory_space<vmem_shared>> -> memref<10240x128xf32, #tpu.memory_space<vmem_shared>>
      tpu.enqueue_indirect_dma source(%arg7 : memref<128x128xf32, #tpu.memory_space<vmem>>) target(%dma_start3A_31 : memref<10240x128xf32, #tpu.memory_space<vmem_shared>>) offsets(%dma_start3A_28 : memref<128xi32, #tpu.memory_space<vmem>>) semaphore(%arg9 : memref<!tpu.dma_semaphore, #tpu.memory_space<semaphore_mem>>) {add = true}
      %mul3A_32 = arith.constant 8 : i32
      %mul3A_33 = arith.muli %scan3A_13, %mul3A_32 : i32
      %add3A_34 = arith.constant 2 : i32
      %add3A_35 = arith.addi %mul3A_33, %add3A_34 : i32
      %dma_start3A_36 = arith.constant 0 : i32
      %dma_start3A_37 = tpu.memref_slice %arg6[%add3A_35, %dma_start3A_36] : memref<80x128xi32, #tpu.memory_space<vmem>> -> memref<1x128xi32, #tpu.memory_space<vmem>>
      %dma_start3A_38 = tpu.memref_squeeze %dma_start3A_37 : memref<1x128xi32, #tpu.memory_space<vmem>> -> memref<128xi32, #tpu.memory_space<vmem>>
      %dma_start3A_39 = arith.constant 0 : i32
      %dma_start3A_40 = arith.constant 0 : i32
      %dma_start3A_41 = tpu.memref_slice %arg8[%dma_start3A_39, %dma_start3A_40] : memref<10240x128xf32, #tpu.memory_space<vmem_shared>> -> memref<10240x128xf32, #tpu.memory_space<vmem_shared>>
      tpu.enqueue_indirect_dma source(%arg7 : memref<128x128xf32, #tpu.memory_space<vmem>>) target(%dma_start3A_41 : memref<10240x128xf32, #tpu.memory_space<vmem_shared>>) offsets(%dma_start3A_38 : memref<128xi32, #tpu.memory_space<vmem>>) semaphore(%arg9 : memref<!tpu.dma_semaphore, #tpu.memory_space<semaphore_mem>>) {add = true}
      %mul3A_42 = arith.constant 8 : i32
      %mul3A_43 = arith.muli %scan3A_13, %mul3A_42 : i32
      %add3A_44 = arith.constant 3 : i32
      %add3A_45 = arith.addi %mul3A_43, %add3A_44 : i32
      %dma_start3A_46 = arith.constant 0 : i32
      %dma_start3A_47 = tpu.memref_slice %arg6[%add3A_45, %dma_start3A_46] : memref<80x128xi32, #tpu.memory_space<vmem>> -> memref<1x128xi32, #tpu.memory_space<vmem>>
      %dma_start3A_48 = tpu.memref_squeeze %dma_start3A_47 : memref<1x128xi32, #tpu.memory_space<vmem>> -> memref<128xi32, #tpu.memory_space<vmem>>
      %dma_start3A_49 = arith.constant 0 : i32
      %dma_start3A_50 = arith.constant 0 : i32
      %dma_start3A_51 = tpu.memref_slice %arg8[%dma_start3A_49, %dma_start3A_50] : memref<10240x128xf32, #tpu.memory_space<vmem_shared>> -> memref<10240x128xf32, #tpu.memory_space<vmem_shared>>
      tpu.enqueue_indirect_dma source(%arg7 : memref<128x128xf32, #tpu.memory_space<vmem>>) target(%dma_start3A_51 : memref<10240x128xf32, #tpu.memory_space<vmem_shared>>) offsets(%dma_start3A_48 : memref<128xi32, #tpu.memory_space<vmem>>) semaphore(%arg9 : memref<!tpu.dma_semaphore, #tpu.memory_space<semaphore_mem>>) {add = true}
      %mul3A_52 = arith.constant 8 : i32
      %mul3A_53 = arith.muli %scan3A_13, %mul3A_52 : i32
      %add3A_54 = arith.constant 4 : i32
      %add3A_55 = arith.addi %mul3A_53, %add3A_54 : i32
      %dma_start3A_56 = arith.constant 0 : i32
      %dma_start3A_57 = tpu.memref_slice %arg6[%add3A_55, %dma_start3A_56] : memref<80x128xi32, #tpu.memory_space<vmem>> -> memref<1x128xi32, #tpu.memory_space<vmem>>
      %dma_start3A_58 = tpu.memref_squeeze %dma_start3A_57 : memref<1x128xi32, #tpu.memory_space<vmem>> -> memref<128xi32, #tpu.memory_space<vmem>>
      %dma_start3A_59 = arith.constant 0 : i32
      %dma_start3A_60 = arith.constant 0 : i32
      %dma_start3A_61 = tpu.memref_slice %arg8[%dma_start3A_59, %dma_start3A_60] : memref<10240x128xf32, #tpu.memory_space<vmem_shared>> -> memref<10240x128xf32, #tpu.memory_space<vmem_shared>>
      tpu.enqueue_indirect_dma source(%arg7 : memref<128x128xf32, #tpu.memory_space<vmem>>) target(%dma_start3A_61 : memref<10240x128xf32, #tpu.memory_space<vmem_shared>>) offsets(%dma_start3A_58 : memref<128xi32, #tpu.memory_space<vmem>>) semaphore(%arg9 : memref<!tpu.dma_semaphore, #tpu.memory_space<semaphore_mem>>) {add = true}
      %mul3A_62 = arith.constant 8 : i32
      %mul3A_63 = arith.muli %scan3A_13, %mul3A_62 : i32
      %add3A_64 = arith.constant 5 : i32
      %add3A_65 = arith.addi %mul3A_63, %add3A_64 : i32
      %dma_start3A_66 = arith.constant 0 : i32
      %dma_start3A_67 = tpu.memref_slice %arg6[%add3A_65, %dma_start3A_66] : memref<80x128xi32, #tpu.memory_space<vmem>> -> memref<1x128xi32, #tpu.memory_space<vmem>>
      %dma_start3A_68 = tpu.memref_squeeze %dma_start3A_67 : memref<1x128xi32, #tpu.memory_space<vmem>> -> memref<128xi32, #tpu.memory_space<vmem>>
      %dma_start3A_69 = arith.constant 0 : i32
      %dma_start3A_70 = arith.constant 0 : i32
      %dma_start3A_71 = tpu.memref_slice %arg8[%dma_start3A_69, %dma_start3A_70] : memref<10240x128xf32, #tpu.memory_space<vmem_shared>> -> memref<10240x128xf32, #tpu.memory_space<vmem_shared>>
      tpu.enqueue_indirect_dma source(%arg7 : memref<128x128xf32, #tpu.memory_space<vmem>>) target(%dma_start3A_71 : memref<10240x128xf32, #tpu.memory_space<vmem_shared>>) offsets(%dma_start3A_68 : memref<128xi32, #tpu.memory_space<vmem>>) semaphore(%arg9 : memref<!tpu.dma_semaphore, #tpu.memory_space<semaphore_mem>>) {add = true}
      %mul3A_72 = arith.constant 8 : i32
      %mul3A_73 = arith.muli %scan3A_13, %mul3A_72 : i32
      %add3A_74 = arith.constant 6 : i32
      %add3A_75 = arith.addi %mul3A_73, %add3A_74 : i32
      %dma_start3A_76 = arith.constant 0 : i32
      %dma_start3A_77 = tpu.memref_slice %arg6[%add3A_75, %dma_start3A_76] : memref<80x128xi32, #tpu.memory_space<vmem>> -> memref<1x128xi32, #tpu.memory_space<vmem>>
      %dma_start3A_78 = tpu.memref_squeeze %dma_start3A_77 : memref<1x128xi32, #tpu.memory_space<vmem>> -> memref<128xi32, #tpu.memory_space<vmem>>
      %dma_start3A_79 = arith.constant 0 : i32
      %dma_start3A_80 = arith.constant 0 : i32
      %dma_start3A_81 = tpu.memref_slice %arg8[%dma_start3A_79, %dma_start3A_80] : memref<10240x128xf32, #tpu.memory_space<vmem_shared>> -> memref<10240x128xf32, #tpu.memory_space<vmem_shared>>
      tpu.enqueue_indirect_dma source(%arg7 : memref<128x128xf32, #tpu.memory_space<vmem>>) target(%dma_start3A_81 : memref<10240x128xf32, #tpu.memory_space<vmem_shared>>) offsets(%dma_start3A_78 : memref<128xi32, #tpu.memory_space<vmem>>) semaphore(%arg9 : memref<!tpu.dma_semaphore, #tpu.memory_space<semaphore_mem>>) {add = true}
      %mul3A_82 = arith.constant 8 : i32
      %mul3A_83 = arith.muli %scan3A_13, %mul3A_82 : i32
      %add3A_84 = arith.constant 7 : i32
      %add3A_85 = arith.addi %mul3A_83, %add3A_84 : i32
      %dma_start3A_86 = arith.constant 0 : i32
      %dma_start3A_87 = tpu.memref_slice %arg6[%add3A_85, %dma_start3A_86] : memref<80x128xi32, #tpu.memory_space<vmem>> -> memref<1x128xi32, #tpu.memory_space<vmem>>
      %dma_start3A_88 = tpu.memref_squeeze %dma_start3A_87 : memref<1x128xi32, #tpu.memory_space<vmem>> -> memref<128xi32, #tpu.memory_space<vmem>>
      %dma_start3A_89 = arith.constant 0 : i32
      %dma_start3A_90 = arith.constant 0 : i32
      %dma_start3A_91 = tpu.memref_slice %arg8[%dma_start3A_89, %dma_start3A_90] : memref<10240x128xf32, #tpu.memory_space<vmem_shared>> -> memref<10240x128xf32, #tpu.memory_space<vmem_shared>>
      tpu.enqueue_indirect_dma source(%arg7 : memref<128x128xf32, #tpu.memory_space<vmem>>) target(%dma_start3A_91 : memref<10240x128xf32, #tpu.memory_space<vmem_shared>>) offsets(%dma_start3A_88 : memref<128xi32, #tpu.memory_space<vmem>>) semaphore(%arg9 : memref<!tpu.dma_semaphore, #tpu.memory_space<semaphore_mem>>) {add = true}
      %dma_wait3A = arith.constant 0 : i32
      %dma_wait3A_92 = tpu.memref_slice %arg6[%add3A_16, %dma_wait3A] : memref<80x128xi32, #tpu.memory_space<vmem>> -> memref<1x128xi32, #tpu.memory_space<vmem>>
      %dma_wait3A_93 = tpu.memref_squeeze %dma_wait3A_92 : memref<1x128xi32, #tpu.memory_space<vmem>> -> memref<128xi32, #tpu.memory_space<vmem>>
      %dma_wait3A_94 = arith.constant 0 : i32
      %dma_wait3A_95 = arith.constant 0 : i32
      %dma_wait3A_96 = tpu.memref_slice %arg8[%dma_wait3A_94, %dma_wait3A_95] : memref<10240x128xf32, #tpu.memory_space<vmem_shared>> -> memref<10240x128xf32, #tpu.memory_space<vmem_shared>>
      tpu.wait_indirect_dma semaphore(%arg9 : memref<!tpu.dma_semaphore, #tpu.memory_space<semaphore_mem>>) src(%arg7 : memref<128x128xf32, #tpu.memory_space<vmem>>) dst(%dma_wait3A_96 : memref<10240x128xf32, #tpu.memory_space<vmem_shared>>)
      %dma_wait3A_97 = arith.constant 0 : i32
      %dma_wait3A_98 = tpu.memref_slice %arg6[%add3A_25, %dma_wait3A_97] : memref<80x128xi32, #tpu.memory_space<vmem>> -> memref<1x128xi32, #tpu.memory_space<vmem>>
      %dma_wait3A_99 = tpu.memref_squeeze %dma_wait3A_98 : memref<1x128xi32, #tpu.memory_space<vmem>> -> memref<128xi32, #tpu.memory_space<vmem>>
      %dma_wait3A_100 = arith.constant 0 : i32
      %dma_wait3A_101 = arith.constant 0 : i32
      %dma_wait3A_102 = tpu.memref_slice %arg8[%dma_wait3A_100, %dma_wait3A_101] : memref<10240x128xf32, #tpu.memory_space<vmem_shared>> -> memref<10240x128xf32, #tpu.memory_space<vmem_shared>>
      tpu.wait_indirect_dma semaphore(%arg9 : memref<!tpu.dma_semaphore, #tpu.memory_space<semaphore_mem>>) src(%arg7 : memref<128x128xf32, #tpu.memory_space<vmem>>) dst(%dma_wait3A_102 : memref<10240x128xf32, #tpu.memory_space<vmem_shared>>)
      %dma_wait3A_103 = arith.constant 0 : i32
      %dma_wait3A_104 = tpu.memref_slice %arg6[%add3A_35, %dma_wait3A_103] : memref<80x128xi32, #tpu.memory_space<vmem>> -> memref<1x128xi32, #tpu.memory_space<vmem>>
      %dma_wait3A_105 = tpu.memref_squeeze %dma_wait3A_104 : memref<1x128xi32, #tpu.memory_space<vmem>> -> memref<128xi32, #tpu.memory_space<vmem>>
      %dma_wait3A_106 = arith.constant 0 : i32
      %dma_wait3A_107 = arith.constant 0 : i32
      %dma_wait3A_108 = tpu.memref_slice %arg8[%dma_wait3A_106, %dma_wait3A_107] : memref<10240x128xf32, #tpu.memory_space<vmem_shared>> -> memref<10240x128xf32, #tpu.memory_space<vmem_shared>>
      tpu.wait_indirect_dma semaphore(%arg9 : memref<!tpu.dma_semaphore, #tpu.memory_space<semaphore_mem>>) src(%arg7 : memref<128x128xf32, #tpu.memory_space<vmem>>) dst(%dma_wait3A_108 : memref<10240x128xf32, #tpu.memory_space<vmem_shared>>)
      %dma_wait3A_109 = arith.constant 0 : i32
      %dma_wait3A_110 = tpu.memref_slice %arg6[%add3A_45, %dma_wait3A_109] : memref<80x128xi32, #tpu.memory_space<vmem>> -> memref<1x128xi32, #tpu.memory_space<vmem>>
      %dma_wait3A_111 = tpu.memref_squeeze %dma_wait3A_110 : memref<1x128xi32, #tpu.memory_space<vmem>> -> memref<128xi32, #tpu.memory_space<vmem>>
      %dma_wait3A_112 = arith.constant 0 : i32
      %dma_wait3A_113 = arith.constant 0 : i32
      %dma_wait3A_114 = tpu.memref_slice %arg8[%dma_wait3A_112, %dma_wait3A_113] : memref<10240x128xf32, #tpu.memory_space<vmem_shared>> -> memref<10240x128xf32, #tpu.memory_space<vmem_shared>>
      tpu.wait_indirect_dma semaphore(%arg9 : memref<!tpu.dma_semaphore, #tpu.memory_space<semaphore_mem>>) src(%arg7 : memref<128x128xf32, #tpu.memory_space<vmem>>) dst(%dma_wait3A_114 : memref<10240x128xf32, #tpu.memory_space<vmem_shared>>)
      %dma_wait3A_115 = arith.constant 0 : i32
      %dma_wait3A_116 = tpu.memref_slice %arg6[%add3A_55, %dma_wait3A_115] : memref<80x128xi32, #tpu.memory_space<vmem>> -> memref<1x128xi32, #tpu.memory_space<vmem>>
      %dma_wait3A_117 = tpu.memref_squeeze %dma_wait3A_116 : memref<1x128xi32, #tpu.memory_space<vmem>> -> memref<128xi32, #tpu.memory_space<vmem>>
      %dma_wait3A_118 = arith.constant 0 : i32
      %dma_wait3A_119 = arith.constant 0 : i32
      %dma_wait3A_120 = tpu.memref_slice %arg8[%dma_wait3A_118, %dma_wait3A_119] : memref<10240x128xf32, #tpu.memory_space<vmem_shared>> -> memref<10240x128xf32, #tpu.memory_space<vmem_shared>>
      tpu.wait_indirect_dma semaphore(%arg9 : memref<!tpu.dma_semaphore, #tpu.memory_space<semaphore_mem>>) src(%arg7 : memref<128x128xf32, #tpu.memory_space<vmem>>) dst(%dma_wait3A_120 : memref<10240x128xf32, #tpu.memory_space<vmem_shared>>)
      %dma_wait3A_121 = arith.constant 0 : i32
      %dma_wait3A_122 = tpu.memref_slice %arg6[%add3A_65, %dma_wait3A_121] : memref<80x128xi32, #tpu.memory_space<vmem>> -> memref<1x128xi32, #tpu.memory_space<vmem>>
      %dma_wait3A_123 = tpu.memref_squeeze %dma_wait3A_122 : memref<1x128xi32, #tpu.memory_space<vmem>> -> memref<128xi32, #tpu.memory_space<vmem>>
      %dma_wait3A_124 = arith.constant 0 : i32
      %dma_wait3A_125 = arith.constant 0 : i32
      %dma_wait3A_126 = tpu.memref_slice %arg8[%dma_wait3A_124, %dma_wait3A_125] : memref<10240x128xf32, #tpu.memory_space<vmem_shared>> -> memref<10240x128xf32, #tpu.memory_space<vmem_shared>>
      tpu.wait_indirect_dma semaphore(%arg9 : memref<!tpu.dma_semaphore, #tpu.memory_space<semaphore_mem>>) src(%arg7 : memref<128x128xf32, #tpu.memory_space<vmem>>) dst(%dma_wait3A_126 : memref<10240x128xf32, #tpu.memory_space<vmem_shared>>)
      %dma_wait3A_127 = arith.constant 0 : i32
      %dma_wait3A_128 = tpu.memref_slice %arg6[%add3A_75, %dma_wait3A_127] : memref<80x128xi32, #tpu.memory_space<vmem>> -> memref<1x128xi32, #tpu.memory_space<vmem>>
      %dma_wait3A_129 = tpu.memref_squeeze %dma_wait3A_128 : memref<1x128xi32, #tpu.memory_space<vmem>> -> memref<128xi32, #tpu.memory_space<vmem>>
      %dma_wait3A_130 = arith.constant 0 : i32
      %dma_wait3A_131 = arith.constant 0 : i32
      %dma_wait3A_132 = tpu.memref_slice %arg8[%dma_wait3A_130, %dma_wait3A_131] : memref<10240x128xf32, #tpu.memory_space<vmem_shared>> -> memref<10240x128xf32, #tpu.memory_space<vmem_shared>>
      tpu.wait_indirect_dma semaphore(%arg9 : memref<!tpu.dma_semaphore, #tpu.memory_space<semaphore_mem>>) src(%arg7 : memref<128x128xf32, #tpu.memory_space<vmem>>) dst(%dma_wait3A_132 : memref<10240x128xf32, #tpu.memory_space<vmem_shared>>)
      %dma_wait3A_133 = arith.constant 0 : i32
      %dma_wait3A_134 = tpu.memref_slice %arg6[%add3A_85, %dma_wait3A_133] : memref<80x128xi32, #tpu.memory_space<vmem>> -> memref<1x128xi32, #tpu.memory_space<vmem>>
      %dma_wait3A_135 = tpu.memref_squeeze %dma_wait3A_134 : memref<1x128xi32, #tpu.memory_space<vmem>> -> memref<128xi32, #tpu.memory_space<vmem>>
      %dma_wait3A_136 = arith.constant 0 : i32
      %dma_wait3A_137 = arith.constant 0 : i32
      %dma_wait3A_138 = tpu.memref_slice %arg8[%dma_wait3A_136, %dma_wait3A_137] : memref<10240x128xf32, #tpu.memory_space<vmem_shared>> -> memref<10240x128xf32, #tpu.memory_space<vmem_shared>>
      tpu.wait_indirect_dma semaphore(%arg9 : memref<!tpu.dma_semaphore, #tpu.memory_space<semaphore_mem>>) src(%arg7 : memref<128x128xf32, #tpu.memory_space<vmem>>) dst(%dma_wait3A_138 : memref<10240x128xf32, #tpu.memory_space<vmem_shared>>)
    }
    %scan3A_5 = arith.constant 10 : i32
    %barrier3A_6 = arith.constant 0 : index
    tpu.barrier barrier_id(%barrier3A_6)
    %mul3A_7 = arith.constant 624 : i32
    %mul3A_8 = arith.muli %arg1, %mul3A_7 : i32
    %mul3A_9 = arith.constant 624 : i32
    %mul3A_10 = arith.muli %arg1, %mul3A_9 : i32
    "tpu.region"() ({
      %run_scoped3A = tpu.sem_alloc : memref<!tpu.dma_semaphore, #tpu.memory_space<semaphore_mem>>
      %dma_start3A = arith.constant 0 : i32
      %dma_start3A_13 = tpu.memref_slice %arg5[%arg0, %mul3A_10, %dma_start3A] : memref<2x10000x128xf32, #tpu.memory_space<hbm>> -> memref<1x624x128xf32, #tpu.memory_space<hbm>>
      %dma_start3A_14 = tpu.memref_squeeze %dma_start3A_13 : memref<1x624x128xf32, #tpu.memory_space<hbm>> -> memref<624x128xf32, #tpu.memory_space<hbm>>
      %dma_start3A_15 = arith.constant 0 : i32
      %dma_start3A_16 = tpu.memref_slice %arg8[%mul3A_8, %dma_start3A_15] : memref<10240x128xf32, #tpu.memory_space<vmem_shared>> -> memref<624x128xf32, #tpu.memory_space<vmem_shared>>
      tpu.enqueue_dma source(%dma_start3A_16 : memref<624x128xf32, #tpu.memory_space<vmem_shared>>) target(%dma_start3A_14 : memref<624x128xf32, #tpu.memory_space<hbm>>) target_semaphore(%run_scoped3A : memref<!tpu.dma_semaphore, #tpu.memory_space<semaphore_mem>>)
      %dma_wait3A = arith.constant 0 : i32
      %dma_wait3A_17 = tpu.memref_slice %arg5[%arg0, %mul3A_10, %dma_wait3A] : memref<2x10000x128xf32, #tpu.memory_space<hbm>> -> memref<1x624x128xf32, #tpu.memory_space<hbm>>
      %dma_wait3A_18 = tpu.memref_squeeze %dma_wait3A_17 : memref<1x624x128xf32, #tpu.memory_space<hbm>> -> memref<624x128xf32, #tpu.memory_space<hbm>>
      %dma_wait3A_19 = arith.constant 0 : i32
      %dma_wait3A_20 = tpu.memref_slice %arg8[%mul3A_8, %dma_wait3A_19] : memref<10240x128xf32, #tpu.memory_space<vmem_shared>> -> memref<624x128xf32, #tpu.memory_space<vmem_shared>>
      tpu.wait_dma2 semaphore(%run_scoped3A : memref<!tpu.dma_semaphore, #tpu.memory_space<semaphore_mem>>) src(%dma_wait3A_20 : memref<624x128xf32, #tpu.memory_space<vmem_shared>>) dst(%dma_wait3A_18 : memref<624x128xf32, #tpu.memory_space<hbm>>)
      tpu.yield
    }) : () -> ()
    %eq3A = arith.constant 15 : i32
    %eq3A_11 = arith.cmpi eq, %arg1, %eq3A : i32
    %convert_element_type3A = arith.extui %eq3A_11 : i1 to i32
    %cond3A = arith.constant 0 : i32
    %cond3A_12 = arith.cmpi ne, %convert_element_type3A, %cond3A : i32
    scf.if %cond3A_12 {
      "tpu.region"() ({
        %run_scoped3A = tpu.sem_alloc : memref<!tpu.dma_semaphore, #tpu.memory_space<semaphore_mem>>
        %dma_start3A = arith.constant 9984 : i32
        %dma_start3A_13 = arith.constant 0 : i32
        %dma_start3A_14 = tpu.memref_slice %arg5[%arg0, %dma_start3A, %dma_start3A_13] : memref<2x10000x128xf32, #tpu.memory_space<hbm>> -> memref<1x16x128xf32, #tpu.memory_space<hbm>>
        %dma_start3A_15 = tpu.memref_squeeze %dma_start3A_14 : memref<1x16x128xf32, #tpu.memory_space<hbm>> -> memref<16x128xf32, #tpu.memory_space<hbm>>
        %dma_start3A_16 = arith.constant 9984 : i32
        %dma_start3A_17 = arith.constant 0 : i32
        %dma_start3A_18 = tpu.memref_slice %arg8[%dma_start3A_16, %dma_start3A_17] : memref<10240x128xf32, #tpu.memory_space<vmem_shared>> -> memref<16x128xf32, #tpu.memory_space<vmem_shared>>
        tpu.enqueue_dma source(%dma_start3A_18 : memref<16x128xf32, #tpu.memory_space<vmem_shared>>) target(%dma_start3A_15 : memref<16x128xf32, #tpu.memory_space<hbm>>) target_semaphore(%run_scoped3A : memref<!tpu.dma_semaphore, #tpu.memory_space<semaphore_mem>>)
        %dma_wait3A = arith.constant 9984 : i32
        %dma_wait3A_19 = arith.constant 0 : i32
        %dma_wait3A_20 = tpu.memref_slice %arg5[%arg0, %dma_wait3A, %dma_wait3A_19] : memref<2x10000x128xf32, #tpu.memory_space<hbm>> -> memref<1x16x128xf32, #tpu.memory_space<hbm>>
        %dma_wait3A_21 = tpu.memref_squeeze %dma_wait3A_20 : memref<1x16x128xf32, #tpu.memory_space<hbm>> -> memref<16x128xf32, #tpu.memory_space<hbm>>
        %dma_wait3A_22 = arith.constant 9984 : i32
        %dma_wait3A_23 = arith.constant 0 : i32
        %dma_wait3A_24 = tpu.memref_slice %arg8[%dma_wait3A_22, %dma_wait3A_23] : memref<10240x128xf32, #tpu.memory_space<vmem_shared>> -> memref<16x128xf32, #tpu.memory_space<vmem_shared>>
        tpu.wait_dma2 semaphore(%run_scoped3A : memref<!tpu.dma_semaphore, #tpu.memory_space<semaphore_mem>>) src(%dma_wait3A_24 : memref<16x128xf32, #tpu.memory_space<vmem_shared>>) dst(%dma_wait3A_21 : memref<16x128xf32, #tpu.memory_space<hbm>>)
        tpu.yield
      }) : () -> ()
    } else {
    }
    return
  }
}

#map = affine_map<(d0, d1) -> (0, 0, 0, 0)>
#map1 = affine_map<(d0, d1) -> (0, 0, 0)>
#map2 = affine_map<(d0, d1) -> (0, 0)>
module attributes {stable_mosaic.version = 14 : i64} {
  func.func @_scatter_kernel(%arg0: i32, %arg1: i32, %arg2: memref<2x16x320x64xi32, #tpu.memory_space<hbm>>, %arg3: memref<16x320x64xi32, #tpu.memory_space<hbm>>, %arg4: memref<20000x128xf32, #tpu.memory_space<hbm>>, %arg5: memref<640x128xf32, #tpu.memory_space<hbm>>, %arg6: memref<2x10000x128xf32, #tpu.memory_space<hbm>>, %arg7: memref<32x64xi32, #tpu.memory_space<vmem>>, %arg8: memref<32x64xi32, #tpu.memory_space<vmem>>, %arg9: memref<4x64x128xf32, #tpu.memory_space<vmem>>, %arg10: memref<10240x128xf32, #tpu.memory_space<vmem_shared>>, %arg11: memref<!tpu.dma_semaphore, #tpu.memory_space<semaphore_mem>>, %arg12: memref<!tpu.dma_semaphore, #tpu.memory_space<semaphore_mem>>, %arg13: memref<!tpu.dma_semaphore, #tpu.memory_space<semaphore_mem>>, %arg14: memref<!tpu.dma_semaphore, #tpu.memory_space<semaphore_mem>>, %arg15: memref<!tpu.dma_semaphore, #tpu.memory_space<semaphore_mem>>) attributes {dimension_semantics = [#tpu.dimension_semantics<core_parallel>, #tpu.dimension_semantics<subcore_parallel>], iteration_bounds = array<i64: 2, 16>, scalar_prefetch = 0 : i64, scratch_operands = 9 : i64, tpu.core_type = #tpu.core_type<sc_vector_subcore>, window_params = [{transform_indices = #map}, {transform_indices = #map1}, {transform_indices = #map2}, {transform_indices = #map2}, {transform_indices = #map1}]} {
    %mul3A = arith.constant 640 : i32
    %mul3A_0 = arith.muli %arg1, %mul3A : i32
    "tpu.region"() ({
      %run_scoped3A = tpu.sem_alloc : memref<!tpu.dma_semaphore, #tpu.memory_space<semaphore_mem>>
      %dma_start3A = arith.constant 0 : i32
      %dma_start3A_72 = tpu.memref_slice %arg10[%mul3A_0, %dma_start3A] : memref<10240x128xf32, #tpu.memory_space<vmem_shared>> -> memref<640x128xf32, #tpu.memory_space<vmem_shared>>
      tpu.enqueue_dma source(%arg5 : memref<640x128xf32, #tpu.memory_space<hbm>>) target(%dma_start3A_72 : memref<640x128xf32, #tpu.memory_space<vmem_shared>>) target_semaphore(%run_scoped3A : memref<!tpu.dma_semaphore, #tpu.memory_space<semaphore_mem>>)
      %dma_wait3A_73 = arith.constant 0 : i32
      %dma_wait3A_74 = tpu.memref_slice %arg10[%mul3A_0, %dma_wait3A_73] : memref<10240x128xf32, #tpu.memory_space<vmem_shared>> -> memref<640x128xf32, #tpu.memory_space<vmem_shared>>
      tpu.wait_dma2 semaphore(%run_scoped3A : memref<!tpu.dma_semaphore, #tpu.memory_space<semaphore_mem>>) src(%arg5 : memref<640x128xf32, #tpu.memory_space<hbm>>) dst(%dma_wait3A_74 : memref<640x128xf32, #tpu.memory_space<vmem_shared>>)
      tpu.yield
    }) : () -> ()
    %barrier3A = arith.constant 0 : index
    tpu.barrier barrier_id(%barrier3A)
    %scan3A = arith.constant 0 : i32
    %scan3A_1 = arith.constant 0 : i32
    %scan3A_2 = arith.constant 10 : i32
    %scan3A_3 = arith.addi %scan3A_1, %scan3A_2 : i32
    %scan3A_4 = arith.constant 1 : i32
    scf.for %scan3A_72 = %scan3A_1 to %scan3A_3 step %scan3A_4  : i32 {
      %mul3A_73 = arith.constant 32 : i32
      %mul3A_74 = arith.muli %scan3A_72, %mul3A_73 : i32
      "tpu.region"() ({
        %run_scoped3A = tpu.sem_alloc : memref<!tpu.dma_semaphore, #tpu.memory_space<semaphore_mem>>
        %dma_start3A = arith.constant 0 : i32
        %dma_start3A_82 = tpu.memref_slice %arg2[%arg0, %arg1, %mul3A_74, %dma_start3A] : memref<2x16x320x64xi32, #tpu.memory_space<hbm>> -> memref<1x1x32x64xi32, #tpu.memory_space<hbm>>
        %dma_start3A_83 = tpu.memref_squeeze %dma_start3A_82 : memref<1x1x32x64xi32, #tpu.memory_space<hbm>> -> memref<32x64xi32, #tpu.memory_space<hbm>>
        %dma_start3A_84 = arith.constant 0 : i32
        %dma_start3A_85 = tpu.memref_slice %arg2[%arg0, %arg1, %mul3A_74, %dma_start3A_84] : memref<2x16x320x64xi32, #tpu.memory_space<hbm>> -> memref<1x1x32x64xi32, #tpu.memory_space<hbm>>
        %dma_start3A_86 = tpu.memref_squeeze %dma_start3A_85 : memref<1x1x32x64xi32, #tpu.memory_space<hbm>> -> memref<32x64xi32, #tpu.memory_space<hbm>>
        tpu.enqueue_dma source(%dma_start3A_86 : memref<32x64xi32, #tpu.memory_space<hbm>>) target(%arg7 : memref<32x64xi32, #tpu.memory_space<vmem>>) target_semaphore(%run_scoped3A : memref<!tpu.dma_semaphore, #tpu.memory_space<semaphore_mem>>)
        %dma_wait3A_87 = arith.constant 0 : i32
        %dma_wait3A_88 = tpu.memref_slice %arg2[%arg0, %arg1, %mul3A_74, %dma_wait3A_87] : memref<2x16x320x64xi32, #tpu.memory_space<hbm>> -> memref<1x1x32x64xi32, #tpu.memory_space<hbm>>
        %dma_wait3A_89 = tpu.memref_squeeze %dma_wait3A_88 : memref<1x1x32x64xi32, #tpu.memory_space<hbm>> -> memref<32x64xi32, #tpu.memory_space<hbm>>
        %dma_wait3A_90 = arith.constant 0 : i32
        %dma_wait3A_91 = tpu.memref_slice %arg2[%arg0, %arg1, %mul3A_74, %dma_wait3A_90] : memref<2x16x320x64xi32, #tpu.memory_space<hbm>> -> memref<1x1x32x64xi32, #tpu.memory_space<hbm>>
        %dma_wait3A_92 = tpu.memref_squeeze %dma_wait3A_91 : memref<1x1x32x64xi32, #tpu.memory_space<hbm>> -> memref<32x64xi32, #tpu.memory_space<hbm>>
        tpu.wait_dma2 semaphore(%run_scoped3A : memref<!tpu.dma_semaphore, #tpu.memory_space<semaphore_mem>>) src(%dma_wait3A_92 : memref<32x64xi32, #tpu.memory_space<hbm>>) dst(%arg7 : memref<32x64xi32, #tpu.memory_space<vmem>>)
        tpu.yield
      }) : () -> ()
      %mul3A_75 = arith.constant 32 : i32
      %mul3A_76 = arith.muli %scan3A_72, %mul3A_75 : i32
      "tpu.region"() ({
        %run_scoped3A = tpu.sem_alloc : memref<!tpu.dma_semaphore, #tpu.memory_space<semaphore_mem>>
        %dma_start3A = arith.constant 0 : i32
        %dma_start3A_82 = tpu.memref_slice %arg3[%arg1, %mul3A_76, %dma_start3A] : memref<16x320x64xi32, #tpu.memory_space<hbm>> -> memref<1x32x64xi32, #tpu.memory_space<hbm>>
        %dma_start3A_83 = tpu.memref_squeeze %dma_start3A_82 : memref<1x32x64xi32, #tpu.memory_space<hbm>> -> memref<32x64xi32, #tpu.memory_space<hbm>>
        %dma_start3A_84 = arith.constant 0 : i32
        %dma_start3A_85 = tpu.memref_slice %arg3[%arg1, %mul3A_76, %dma_start3A_84] : memref<16x320x64xi32, #tpu.memory_space<hbm>> -> memref<1x32x64xi32, #tpu.memory_space<hbm>>
        %dma_start3A_86 = tpu.memref_squeeze %dma_start3A_85 : memref<1x32x64xi32, #tpu.memory_space<hbm>> -> memref<32x64xi32, #tpu.memory_space<hbm>>
        tpu.enqueue_dma source(%dma_start3A_86 : memref<32x64xi32, #tpu.memory_space<hbm>>) target(%arg8 : memref<32x64xi32, #tpu.memory_space<vmem>>) target_semaphore(%run_scoped3A : memref<!tpu.dma_semaphore, #tpu.memory_space<semaphore_mem>>)
        %dma_wait3A_87 = arith.constant 0 : i32
        %dma_wait3A_88 = tpu.memref_slice %arg3[%arg1, %mul3A_76, %dma_wait3A_87] : memref<16x320x64xi32, #tpu.memory_space<hbm>> -> memref<1x32x64xi32, #tpu.memory_space<hbm>>
        %dma_wait3A_89 = tpu.memref_squeeze %dma_wait3A_88 : memref<1x32x64xi32, #tpu.memory_space<hbm>> -> memref<32x64xi32, #tpu.memory_space<hbm>>
        %dma_wait3A_90 = arith.constant 0 : i32
        %dma_wait3A_91 = tpu.memref_slice %arg3[%arg1, %mul3A_76, %dma_wait3A_90] : memref<16x320x64xi32, #tpu.memory_space<hbm>> -> memref<1x32x64xi32, #tpu.memory_space<hbm>>
        %dma_wait3A_92 = tpu.memref_squeeze %dma_wait3A_91 : memref<1x32x64xi32, #tpu.memory_space<hbm>> -> memref<32x64xi32, #tpu.memory_space<hbm>>
        tpu.wait_dma2 semaphore(%run_scoped3A : memref<!tpu.dma_semaphore, #tpu.memory_space<semaphore_mem>>) src(%dma_wait3A_92 : memref<32x64xi32, #tpu.memory_space<hbm>>) dst(%arg8 : memref<32x64xi32, #tpu.memory_space<vmem>>)
        tpu.yield
      }) : () -> ()
      %scan3A_77 = arith.constant 0 : i32
      %scan3A_78 = arith.constant 8 : i32
      %scan3A_79 = arith.addi %scan3A_77, %scan3A_78 : i32
      %scan3A_80 = arith.constant 1 : i32
      scf.for %scan3A_82 = %scan3A_77 to %scan3A_79 step %scan3A_80  : i32 {
        %mul3A_83 = arith.constant 8 : i32
        %mul3A_84 = arith.muli %scan3A_72, %mul3A_83 : i32
        %add3A = arith.addi %mul3A_84, %scan3A_82 : i32
        %gt3A = arith.constant 0 : i32
        %gt3A_85 = arith.cmpi sgt, %add3A, %gt3A : i32
        %convert_element_type3A_86 = arith.extui %gt3A_85 : i1 to i32
        %cond3A_87 = arith.constant 0 : i32
        %cond3A_88 = arith.cmpi ne, %convert_element_type3A_86, %cond3A_87 : i32
        scf.if %cond3A_88 {
          %dma_wait3A_252 = arith.constant 0 : i32
          %dma_wait3A_253 = arith.constant 0 : i32
          %dma_wait3A_254 = arith.constant 0 : i32
          %dma_wait3A_255 = tpu.memref_slice %arg9[%dma_wait3A_252, %dma_wait3A_253, %dma_wait3A_254] : memref<4x64x128xf32, #tpu.memory_space<vmem>> -> memref<1x64x128xf32, #tpu.memory_space<vmem>>
          %dma_wait3A_256 = tpu.memref_squeeze %dma_wait3A_255 : memref<1x64x128xf32, #tpu.memory_space<vmem>> -> memref<64x128xf32, #tpu.memory_space<vmem>>
          %dma_wait3A_257 = arith.constant 0 : i32
          %dma_wait3A_258 = arith.constant 0 : i32
          %dma_wait3A_259 = tpu.memref_slice %arg5[%dma_wait3A_257, %dma_wait3A_258] : memref<640x128xf32, #tpu.memory_space<hbm>> -> memref<64x128xf32, #tpu.memory_space<hbm>>
          %dma_wait3A_260 = arith.constant 0 : i32
          %dma_wait3A_261 = arith.constant 0 : i32
          %dma_wait3A_262 = tpu.memref_slice %arg9[%dma_wait3A_252, %dma_wait3A_260, %dma_wait3A_261] : memref<4x64x128xf32, #tpu.memory_space<vmem>> -> memref<1x64x128xf32, #tpu.memory_space<vmem>>
          %dma_wait3A_263 = tpu.memref_squeeze %dma_wait3A_262 : memref<1x64x128xf32, #tpu.memory_space<vmem>> -> memref<64x128xf32, #tpu.memory_space<vmem>>
          %dma_wait3A_264 = arith.constant 0 : i32
          %dma_wait3A_265 = arith.constant 0 : i32
          %dma_wait3A_266 = tpu.memref_slice %arg5[%dma_wait3A_264, %dma_wait3A_265] : memref<640x128xf32, #tpu.memory_space<hbm>> -> memref<64x128xf32, #tpu.memory_space<hbm>>
          tpu.wait_dma2 semaphore(%arg12 : memref<!tpu.dma_semaphore, #tpu.memory_space<semaphore_mem>>) src(%dma_wait3A_266 : memref<64x128xf32, #tpu.memory_space<hbm>>) dst(%dma_wait3A_263 : memref<64x128xf32, #tpu.memory_space<vmem>>)
          %dma_wait3A_267 = arith.constant 1 : i32
          %dma_wait3A_268 = arith.constant 0 : i32
          %dma_wait3A_269 = arith.constant 0 : i32
          %dma_wait3A_270 = tpu.memref_slice %arg9[%dma_wait3A_267, %dma_wait3A_268, %dma_wait3A_269] : memref<4x64x128xf32, #tpu.memory_space<vmem>> -> memref<1x64x128xf32, #tpu.memory_space<vmem>>
          %dma_wait3A_271 = tpu.memref_squeeze %dma_wait3A_270 : memref<1x64x128xf32, #tpu.memory_space<vmem>> -> memref<64x128xf32, #tpu.memory_space<vmem>>
          %dma_wait3A_272 = arith.constant 0 : i32
          %dma_wait3A_273 = arith.constant 0 : i32
          %dma_wait3A_274 = tpu.memref_slice %arg5[%dma_wait3A_272, %dma_wait3A_273] : memref<640x128xf32, #tpu.memory_space<hbm>> -> memref<64x128xf32, #tpu.memory_space<hbm>>
          %dma_wait3A_275 = arith.constant 0 : i32
          %dma_wait3A_276 = arith.constant 0 : i32
          %dma_wait3A_277 = tpu.memref_slice %arg9[%dma_wait3A_267, %dma_wait3A_275, %dma_wait3A_276] : memref<4x64x128xf32, #tpu.memory_space<vmem>> -> memref<1x64x128xf32, #tpu.memory_space<vmem>>
          %dma_wait3A_278 = tpu.memref_squeeze %dma_wait3A_277 : memref<1x64x128xf32, #tpu.memory_space<vmem>> -> memref<64x128xf32, #tpu.memory_space<vmem>>
          %dma_wait3A_279 = arith.constant 0 : i32
          %dma_wait3A_280 = arith.constant 0 : i32
          %dma_wait3A_281 = tpu.memref_slice %arg5[%dma_wait3A_279, %dma_wait3A_280] : memref<640x128xf32, #tpu.memory_space<hbm>> -> memref<64x128xf32, #tpu.memory_space<hbm>>
          tpu.wait_dma2 semaphore(%arg13 : memref<!tpu.dma_semaphore, #tpu.memory_space<semaphore_mem>>) src(%dma_wait3A_281 : memref<64x128xf32, #tpu.memory_space<hbm>>) dst(%dma_wait3A_278 : memref<64x128xf32, #tpu.memory_space<vmem>>)
          %dma_wait3A_282 = arith.constant 2 : i32
          %dma_wait3A_283 = arith.constant 0 : i32
          %dma_wait3A_284 = arith.constant 0 : i32
          %dma_wait3A_285 = tpu.memref_slice %arg9[%dma_wait3A_282, %dma_wait3A_283, %dma_wait3A_284] : memref<4x64x128xf32, #tpu.memory_space<vmem>> -> memref<1x64x128xf32, #tpu.memory_space<vmem>>
          %dma_wait3A_286 = tpu.memref_squeeze %dma_wait3A_285 : memref<1x64x128xf32, #tpu.memory_space<vmem>> -> memref<64x128xf32, #tpu.memory_space<vmem>>
          %dma_wait3A_287 = arith.constant 0 : i32
          %dma_wait3A_288 = arith.constant 0 : i32
          %dma_wait3A_289 = tpu.memref_slice %arg5[%dma_wait3A_287, %dma_wait3A_288] : memref<640x128xf32, #tpu.memory_space<hbm>> -> memref<64x128xf32, #tpu.memory_space<hbm>>
          %dma_wait3A_290 = arith.constant 0 : i32
          %dma_wait3A_291 = arith.constant 0 : i32
          %dma_wait3A_292 = tpu.memref_slice %arg9[%dma_wait3A_282, %dma_wait3A_290, %dma_wait3A_291] : memref<4x64x128xf32, #tpu.memory_space<vmem>> -> memref<1x64x128xf32, #tpu.memory_space<vmem>>
          %dma_wait3A_293 = tpu.memref_squeeze %dma_wait3A_292 : memref<1x64x128xf32, #tpu.memory_space<vmem>> -> memref<64x128xf32, #tpu.memory_space<vmem>>
          %dma_wait3A_294 = arith.constant 0 : i32
          %dma_wait3A_295 = arith.constant 0 : i32
          %dma_wait3A_296 = tpu.memref_slice %arg5[%dma_wait3A_294, %dma_wait3A_295] : memref<640x128xf32, #tpu.memory_space<hbm>> -> memref<64x128xf32, #tpu.memory_space<hbm>>
          tpu.wait_dma2 semaphore(%arg14 : memref<!tpu.dma_semaphore, #tpu.memory_space<semaphore_mem>>) src(%dma_wait3A_296 : memref<64x128xf32, #tpu.memory_space<hbm>>) dst(%dma_wait3A_293 : memref<64x128xf32, #tpu.memory_space<vmem>>)
          %dma_wait3A_297 = arith.constant 3 : i32
          %dma_wait3A_298 = arith.constant 0 : i32
          %dma_wait3A_299 = arith.constant 0 : i32
          %dma_wait3A_300 = tpu.memref_slice %arg9[%dma_wait3A_297, %dma_wait3A_298, %dma_wait3A_299] : memref<4x64x128xf32, #tpu.memory_space<vmem>> -> memref<1x64x128xf32, #tpu.memory_space<vmem>>
          %dma_wait3A_301 = tpu.memref_squeeze %dma_wait3A_300 : memref<1x64x128xf32, #tpu.memory_space<vmem>> -> memref<64x128xf32, #tpu.memory_space<vmem>>
          %dma_wait3A_302 = arith.constant 0 : i32
          %dma_wait3A_303 = arith.constant 0 : i32
          %dma_wait3A_304 = tpu.memref_slice %arg5[%dma_wait3A_302, %dma_wait3A_303] : memref<640x128xf32, #tpu.memory_space<hbm>> -> memref<64x128xf32, #tpu.memory_space<hbm>>
          %dma_wait3A_305 = arith.constant 0 : i32
          %dma_wait3A_306 = arith.constant 0 : i32
          %dma_wait3A_307 = tpu.memref_slice %arg9[%dma_wait3A_297, %dma_wait3A_305, %dma_wait3A_306] : memref<4x64x128xf32, #tpu.memory_space<vmem>> -> memref<1x64x128xf32, #tpu.memory_space<vmem>>
          %dma_wait3A_308 = tpu.memref_squeeze %dma_wait3A_307 : memref<1x64x128xf32, #tpu.memory_space<vmem>> -> memref<64x128xf32, #tpu.memory_space<vmem>>
          %dma_wait3A_309 = arith.constant 0 : i32
          %dma_wait3A_310 = arith.constant 0 : i32
          %dma_wait3A_311 = tpu.memref_slice %arg5[%dma_wait3A_309, %dma_wait3A_310] : memref<640x128xf32, #tpu.memory_space<hbm>> -> memref<64x128xf32, #tpu.memory_space<hbm>>
          tpu.wait_dma2 semaphore(%arg15 : memref<!tpu.dma_semaphore, #tpu.memory_space<semaphore_mem>>) src(%dma_wait3A_311 : memref<64x128xf32, #tpu.memory_space<hbm>>) dst(%dma_wait3A_308 : memref<64x128xf32, #tpu.memory_space<vmem>>)
        } else {
        }
        %mul3A_89 = arith.constant 4 : i32
        %mul3A_90 = arith.muli %scan3A_82, %mul3A_89 : i32
        %add3A_91 = arith.constant 0 : i32
        %add3A_92 = arith.addi %mul3A_90, %add3A_91 : i32
        %dma_start3A = arith.constant 0 : i32
        %dma_start3A_93 = arith.constant 0 : i32
        %dma_start3A_94 = arith.constant 0 : i32
        %dma_start3A_95 = tpu.memref_slice %arg9[%dma_start3A, %dma_start3A_93, %dma_start3A_94] : memref<4x64x128xf32, #tpu.memory_space<vmem>> -> memref<1x64x128xf32, #tpu.memory_space<vmem>>
        %dma_start3A_96 = tpu.memref_squeeze %dma_start3A_95 : memref<1x64x128xf32, #tpu.memory_space<vmem>> -> memref<64x128xf32, #tpu.memory_space<vmem>>
        %dma_start3A_97 = arith.constant 0 : i32
        %dma_start3A_98 = tpu.memref_slice %arg7[%add3A_92, %dma_start3A_97] : memref<32x64xi32, #tpu.memory_space<vmem>> -> memref<1x64xi32, #tpu.memory_space<vmem>>
        %dma_start3A_99 = tpu.memref_squeeze %dma_start3A_98 : memref<1x64xi32, #tpu.memory_space<vmem>> -> memref<64xi32, #tpu.memory_space<vmem>>
        %dma_start3A_100 = arith.constant 0 : i32
        %dma_start3A_101 = arith.constant 0 : i32
        %dma_start3A_102 = tpu.memref_slice %arg4[%dma_start3A_100, %dma_start3A_101] : memref<20000x128xf32, #tpu.memory_space<hbm>> -> memref<20000x128xf32, #tpu.memory_space<hbm>>
        tpu.enqueue_indirect_dma source(%dma_start3A_102 : memref<20000x128xf32, #tpu.memory_space<hbm>>) target(%dma_start3A_96 : memref<64x128xf32, #tpu.memory_space<vmem>>) offsets(%dma_start3A_99 : memref<64xi32, #tpu.memory_space<vmem>>) semaphore(%arg11 : memref<!tpu.dma_semaphore, #tpu.memory_space<semaphore_mem>>)
        %mul3A_103 = arith.constant 4 : i32
        %mul3A_104 = arith.muli %scan3A_82, %mul3A_103 : i32
        %add3A_105 = arith.constant 1 : i32
        %add3A_106 = arith.addi %mul3A_104, %add3A_105 : i32
        %dma_start3A_107 = arith.constant 1 : i32
        %dma_start3A_108 = arith.constant 0 : i32
        %dma_start3A_109 = arith.constant 0 : i32
        %dma_start3A_110 = tpu.memref_slice %arg9[%dma_start3A_107, %dma_start3A_108, %dma_start3A_109] : memref<4x64x128xf32, #tpu.memory_space<vmem>> -> memref<1x64x128xf32, #tpu.memory_space<vmem>>
        %dma_start3A_111 = tpu.memref_squeeze %dma_start3A_110 : memref<1x64x128xf32, #tpu.memory_space<vmem>> -> memref<64x128xf32, #tpu.memory_space<vmem>>
        %dma_start3A_112 = arith.constant 0 : i32
        %dma_start3A_113 = tpu.memref_slice %arg7[%add3A_106, %dma_start3A_112] : memref<32x64xi32, #tpu.memory_space<vmem>> -> memref<1x64xi32, #tpu.memory_space<vmem>>
        %dma_start3A_114 = tpu.memref_squeeze %dma_start3A_113 : memref<1x64xi32, #tpu.memory_space<vmem>> -> memref<64xi32, #tpu.memory_space<vmem>>
        %dma_start3A_115 = arith.constant 0 : i32
        %dma_start3A_116 = arith.constant 0 : i32
        %dma_start3A_117 = tpu.memref_slice %arg4[%dma_start3A_115, %dma_start3A_116] : memref<20000x128xf32, #tpu.memory_space<hbm>> -> memref<20000x128xf32, #tpu.memory_space<hbm>>
        tpu.enqueue_indirect_dma source(%dma_start3A_117 : memref<20000x128xf32, #tpu.memory_space<hbm>>) target(%dma_start3A_111 : memref<64x128xf32, #tpu.memory_space<vmem>>) offsets(%dma_start3A_114 : memref<64xi32, #tpu.memory_space<vmem>>) semaphore(%arg11 : memref<!tpu.dma_semaphore, #tpu.memory_space<semaphore_mem>>)
        %mul3A_118 = arith.constant 4 : i32
        %mul3A_119 = arith.muli %scan3A_82, %mul3A_118 : i32
        %add3A_120 = arith.constant 2 : i32
        %add3A_121 = arith.addi %mul3A_119, %add3A_120 : i32
        %dma_start3A_122 = arith.constant 2 : i32
        %dma_start3A_123 = arith.constant 0 : i32
        %dma_start3A_124 = arith.constant 0 : i32
        %dma_start3A_125 = tpu.memref_slice %arg9[%dma_start3A_122, %dma_start3A_123, %dma_start3A_124] : memref<4x64x128xf32, #tpu.memory_space<vmem>> -> memref<1x64x128xf32, #tpu.memory_space<vmem>>
        %dma_start3A_126 = tpu.memref_squeeze %dma_start3A_125 : memref<1x64x128xf32, #tpu.memory_space<vmem>> -> memref<64x128xf32, #tpu.memory_space<vmem>>
        %dma_start3A_127 = arith.constant 0 : i32
        %dma_start3A_128 = tpu.memref_slice %arg7[%add3A_121, %dma_start3A_127] : memref<32x64xi32, #tpu.memory_space<vmem>> -> memref<1x64xi32, #tpu.memory_space<vmem>>
        %dma_start3A_129 = tpu.memref_squeeze %dma_start3A_128 : memref<1x64xi32, #tpu.memory_space<vmem>> -> memref<64xi32, #tpu.memory_space<vmem>>
        %dma_start3A_130 = arith.constant 0 : i32
        %dma_start3A_131 = arith.constant 0 : i32
        %dma_start3A_132 = tpu.memref_slice %arg4[%dma_start3A_130, %dma_start3A_131] : memref<20000x128xf32, #tpu.memory_space<hbm>> -> memref<20000x128xf32, #tpu.memory_space<hbm>>
        tpu.enqueue_indirect_dma source(%dma_start3A_132 : memref<20000x128xf32, #tpu.memory_space<hbm>>) target(%dma_start3A_126 : memref<64x128xf32, #tpu.memory_space<vmem>>) offsets(%dma_start3A_129 : memref<64xi32, #tpu.memory_space<vmem>>) semaphore(%arg11 : memref<!tpu.dma_semaphore, #tpu.memory_space<semaphore_mem>>)
        %mul3A_133 = arith.constant 4 : i32
        %mul3A_134 = arith.muli %scan3A_82, %mul3A_133 : i32
        %add3A_135 = arith.constant 3 : i32
        %add3A_136 = arith.addi %mul3A_134, %add3A_135 : i32
        %dma_start3A_137 = arith.constant 3 : i32
        %dma_start3A_138 = arith.constant 0 : i32
        %dma_start3A_139 = arith.constant 0 : i32
        %dma_start3A_140 = tpu.memref_slice %arg9[%dma_start3A_137, %dma_start3A_138, %dma_start3A_139] : memref<4x64x128xf32, #tpu.memory_space<vmem>> -> memref<1x64x128xf32, #tpu.memory_space<vmem>>
        %dma_start3A_141 = tpu.memref_squeeze %dma_start3A_140 : memref<1x64x128xf32, #tpu.memory_space<vmem>> -> memref<64x128xf32, #tpu.memory_space<vmem>>
        %dma_start3A_142 = arith.constant 0 : i32
        %dma_start3A_143 = tpu.memref_slice %arg7[%add3A_136, %dma_start3A_142] : memref<32x64xi32, #tpu.memory_space<vmem>> -> memref<1x64xi32, #tpu.memory_space<vmem>>
        %dma_start3A_144 = tpu.memref_squeeze %dma_start3A_143 : memref<1x64xi32, #tpu.memory_space<vmem>> -> memref<64xi32, #tpu.memory_space<vmem>>
        %dma_start3A_145 = arith.constant 0 : i32
        %dma_start3A_146 = arith.constant 0 : i32
        %dma_start3A_147 = tpu.memref_slice %arg4[%dma_start3A_145, %dma_start3A_146] : memref<20000x128xf32, #tpu.memory_space<hbm>> -> memref<20000x128xf32, #tpu.memory_space<hbm>>
        tpu.enqueue_indirect_dma source(%dma_start3A_147 : memref<20000x128xf32, #tpu.memory_space<hbm>>) target(%dma_start3A_141 : memref<64x128xf32, #tpu.memory_space<vmem>>) offsets(%dma_start3A_144 : memref<64xi32, #tpu.memory_space<vmem>>) semaphore(%arg11 : memref<!tpu.dma_semaphore, #tpu.memory_space<semaphore_mem>>)
        %mul3A_148 = arith.constant 4 : i32
        %mul3A_149 = arith.muli %scan3A_82, %mul3A_148 : i32
        %add3A_150 = arith.constant 0 : i32
        %add3A_151 = arith.addi %mul3A_149, %add3A_150 : i32
        %dma_wait3A_152 = arith.constant 0 : i32
        %dma_wait3A_153 = arith.constant 0 : i32
        %dma_wait3A_154 = arith.constant 0 : i32
        %dma_wait3A_155 = tpu.memref_slice %arg9[%dma_wait3A_152, %dma_wait3A_153, %dma_wait3A_154] : memref<4x64x128xf32, #tpu.memory_space<vmem>> -> memref<1x64x128xf32, #tpu.memory_space<vmem>>
        %dma_wait3A_156 = tpu.memref_squeeze %dma_wait3A_155 : memref<1x64x128xf32, #tpu.memory_space<vmem>> -> memref<64x128xf32, #tpu.memory_space<vmem>>
        %dma_wait3A_157 = arith.constant 0 : i32
        %dma_wait3A_158 = tpu.memref_slice %arg7[%add3A_92, %dma_wait3A_157] : memref<32x64xi32, #tpu.memory_space<vmem>> -> memref<1x64xi32, #tpu.memory_space<vmem>>
        %dma_wait3A_159 = tpu.memref_squeeze %dma_wait3A_158 : memref<1x64xi32, #tpu.memory_space<vmem>> -> memref<64xi32, #tpu.memory_space<vmem>>
        %dma_wait3A_160 = arith.constant 0 : i32
        %dma_wait3A_161 = arith.constant 0 : i32
        %dma_wait3A_162 = tpu.memref_slice %arg4[%dma_wait3A_160, %dma_wait3A_161] : memref<20000x128xf32, #tpu.memory_space<hbm>> -> memref<20000x128xf32, #tpu.memory_space<hbm>>
        tpu.wait_indirect_dma semaphore(%arg11 : memref<!tpu.dma_semaphore, #tpu.memory_space<semaphore_mem>>) src(%dma_wait3A_162 : memref<20000x128xf32, #tpu.memory_space<hbm>>) dst(%dma_wait3A_156 : memref<64x128xf32, #tpu.memory_space<vmem>>)
        %dma_start3A_163 = arith.constant 0 : i32
        %dma_start3A_164 = arith.constant 0 : i32
        %dma_start3A_165 = arith.constant 0 : i32
        %dma_start3A_166 = tpu.memref_slice %arg9[%dma_start3A_163, %dma_start3A_164, %dma_start3A_165] : memref<4x64x128xf32, #tpu.memory_space<vmem>> -> memref<1x64x128xf32, #tpu.memory_space<vmem>>
        %dma_start3A_167 = tpu.memref_squeeze %dma_start3A_166 : memref<1x64x128xf32, #tpu.memory_space<vmem>> -> memref<64x128xf32, #tpu.memory_space<vmem>>
        %dma_start3A_168 = arith.constant 0 : i32
        %dma_start3A_169 = tpu.memref_slice %arg8[%add3A_151, %dma_start3A_168] : memref<32x64xi32, #tpu.memory_space<vmem>> -> memref<1x64xi32, #tpu.memory_space<vmem>>
        %dma_start3A_170 = tpu.memref_squeeze %dma_start3A_169 : memref<1x64xi32, #tpu.memory_space<vmem>> -> memref<64xi32, #tpu.memory_space<vmem>>
        %dma_start3A_171 = arith.constant 0 : i32
        %dma_start3A_172 = arith.constant 0 : i32
        %dma_start3A_173 = tpu.memref_slice %arg10[%dma_start3A_171, %dma_start3A_172] : memref<10240x128xf32, #tpu.memory_space<vmem_shared>> -> memref<10240x128xf32, #tpu.memory_space<vmem_shared>>
        tpu.enqueue_indirect_dma source(%dma_start3A_167 : memref<64x128xf32, #tpu.memory_space<vmem>>) target(%dma_start3A_173 : memref<10240x128xf32, #tpu.memory_space<vmem_shared>>) offsets(%dma_start3A_170 : memref<64xi32, #tpu.memory_space<vmem>>) semaphore(%arg12 : memref<!tpu.dma_semaphore, #tpu.memory_space<semaphore_mem>>) {add = true}
        %mul3A_174 = arith.constant 4 : i32
        %mul3A_175 = arith.muli %scan3A_82, %mul3A_174 : i32
        %add3A_176 = arith.constant 1 : i32
        %add3A_177 = arith.addi %mul3A_175, %add3A_176 : i32
        %dma_wait3A_178 = arith.constant 1 : i32
        %dma_wait3A_179 = arith.constant 0 : i32
        %dma_wait3A_180 = arith.constant 0 : i32
        %dma_wait3A_181 = tpu.memref_slice %arg9[%dma_wait3A_178, %dma_wait3A_179, %dma_wait3A_180] : memref<4x64x128xf32, #tpu.memory_space<vmem>> -> memref<1x64x128xf32, #tpu.memory_space<vmem>>
        %dma_wait3A_182 = tpu.memref_squeeze %dma_wait3A_181 : memref<1x64x128xf32, #tpu.memory_space<vmem>> -> memref<64x128xf32, #tpu.memory_space<vmem>>
        %dma_wait3A_183 = arith.constant 0 : i32
        %dma_wait3A_184 = tpu.memref_slice %arg7[%add3A_106, %dma_wait3A_183] : memref<32x64xi32, #tpu.memory_space<vmem>> -> memref<1x64xi32, #tpu.memory_space<vmem>>
        %dma_wait3A_185 = tpu.memref_squeeze %dma_wait3A_184 : memref<1x64xi32, #tpu.memory_space<vmem>> -> memref<64xi32, #tpu.memory_space<vmem>>
        %dma_wait3A_186 = arith.constant 0 : i32
        %dma_wait3A_187 = arith.constant 0 : i32
        %dma_wait3A_188 = tpu.memref_slice %arg4[%dma_wait3A_186, %dma_wait3A_187] : memref<20000x128xf32, #tpu.memory_space<hbm>> -> memref<20000x128xf32, #tpu.memory_space<hbm>>
        tpu.wait_indirect_dma semaphore(%arg11 : memref<!tpu.dma_semaphore, #tpu.memory_space<semaphore_mem>>) src(%dma_wait3A_188 : memref<20000x128xf32, #tpu.memory_space<hbm>>) dst(%dma_wait3A_182 : memref<64x128xf32, #tpu.memory_space<vmem>>)
        %dma_start3A_189 = arith.constant 1 : i32
        %dma_start3A_190 = arith.constant 0 : i32
        %dma_start3A_191 = arith.constant 0 : i32
        %dma_start3A_192 = tpu.memref_slice %arg9[%dma_start3A_189, %dma_start3A_190, %dma_start3A_191] : memref<4x64x128xf32, #tpu.memory_space<vmem>> -> memref<1x64x128xf32, #tpu.memory_space<vmem>>
        %dma_start3A_193 = tpu.memref_squeeze %dma_start3A_192 : memref<1x64x128xf32, #tpu.memory_space<vmem>> -> memref<64x128xf32, #tpu.memory_space<vmem>>
        %dma_start3A_194 = arith.constant 0 : i32
        %dma_start3A_195 = tpu.memref_slice %arg8[%add3A_177, %dma_start3A_194] : memref<32x64xi32, #tpu.memory_space<vmem>> -> memref<1x64xi32, #tpu.memory_space<vmem>>
        %dma_start3A_196 = tpu.memref_squeeze %dma_start3A_195 : memref<1x64xi32, #tpu.memory_space<vmem>> -> memref<64xi32, #tpu.memory_space<vmem>>
        %dma_start3A_197 = arith.constant 0 : i32
        %dma_start3A_198 = arith.constant 0 : i32
        %dma_start3A_199 = tpu.memref_slice %arg10[%dma_start3A_197, %dma_start3A_198] : memref<10240x128xf32, #tpu.memory_space<vmem_shared>> -> memref<10240x128xf32, #tpu.memory_space<vmem_shared>>
        tpu.enqueue_indirect_dma source(%dma_start3A_193 : memref<64x128xf32, #tpu.memory_space<vmem>>) target(%dma_start3A_199 : memref<10240x128xf32, #tpu.memory_space<vmem_shared>>) offsets(%dma_start3A_196 : memref<64xi32, #tpu.memory_space<vmem>>) semaphore(%arg13 : memref<!tpu.dma_semaphore, #tpu.memory_space<semaphore_mem>>) {add = true}
        %mul3A_200 = arith.constant 4 : i32
        %mul3A_201 = arith.muli %scan3A_82, %mul3A_200 : i32
        %add3A_202 = arith.constant 2 : i32
        %add3A_203 = arith.addi %mul3A_201, %add3A_202 : i32
        %dma_wait3A_204 = arith.constant 2 : i32
        %dma_wait3A_205 = arith.constant 0 : i32
        %dma_wait3A_206 = arith.constant 0 : i32
        %dma_wait3A_207 = tpu.memref_slice %arg9[%dma_wait3A_204, %dma_wait3A_205, %dma_wait3A_206] : memref<4x64x128xf32, #tpu.memory_space<vmem>> -> memref<1x64x128xf32, #tpu.memory_space<vmem>>
        %dma_wait3A_208 = tpu.memref_squeeze %dma_wait3A_207 : memref<1x64x128xf32, #tpu.memory_space<vmem>> -> memref<64x128xf32, #tpu.memory_space<vmem>>
        %dma_wait3A_209 = arith.constant 0 : i32
        %dma_wait3A_210 = tpu.memref_slice %arg7[%add3A_121, %dma_wait3A_209] : memref<32x64xi32, #tpu.memory_space<vmem>> -> memref<1x64xi32, #tpu.memory_space<vmem>>
        %dma_wait3A_211 = tpu.memref_squeeze %dma_wait3A_210 : memref<1x64xi32, #tpu.memory_space<vmem>> -> memref<64xi32, #tpu.memory_space<vmem>>
        %dma_wait3A_212 = arith.constant 0 : i32
        %dma_wait3A_213 = arith.constant 0 : i32
        %dma_wait3A_214 = tpu.memref_slice %arg4[%dma_wait3A_212, %dma_wait3A_213] : memref<20000x128xf32, #tpu.memory_space<hbm>> -> memref<20000x128xf32, #tpu.memory_space<hbm>>
        tpu.wait_indirect_dma semaphore(%arg11 : memref<!tpu.dma_semaphore, #tpu.memory_space<semaphore_mem>>) src(%dma_wait3A_214 : memref<20000x128xf32, #tpu.memory_space<hbm>>) dst(%dma_wait3A_208 : memref<64x128xf32, #tpu.memory_space<vmem>>)
        %dma_start3A_215 = arith.constant 2 : i32
        %dma_start3A_216 = arith.constant 0 : i32
        %dma_start3A_217 = arith.constant 0 : i32
        %dma_start3A_218 = tpu.memref_slice %arg9[%dma_start3A_215, %dma_start3A_216, %dma_start3A_217] : memref<4x64x128xf32, #tpu.memory_space<vmem>> -> memref<1x64x128xf32, #tpu.memory_space<vmem>>
        %dma_start3A_219 = tpu.memref_squeeze %dma_start3A_218 : memref<1x64x128xf32, #tpu.memory_space<vmem>> -> memref<64x128xf32, #tpu.memory_space<vmem>>
        %dma_start3A_220 = arith.constant 0 : i32
        %dma_start3A_221 = tpu.memref_slice %arg8[%add3A_203, %dma_start3A_220] : memref<32x64xi32, #tpu.memory_space<vmem>> -> memref<1x64xi32, #tpu.memory_space<vmem>>
        %dma_start3A_222 = tpu.memref_squeeze %dma_start3A_221 : memref<1x64xi32, #tpu.memory_space<vmem>> -> memref<64xi32, #tpu.memory_space<vmem>>
        %dma_start3A_223 = arith.constant 0 : i32
        %dma_start3A_224 = arith.constant 0 : i32
        %dma_start3A_225 = tpu.memref_slice %arg10[%dma_start3A_223, %dma_start3A_224] : memref<10240x128xf32, #tpu.memory_space<vmem_shared>> -> memref<10240x128xf32, #tpu.memory_space<vmem_shared>>
        tpu.enqueue_indirect_dma source(%dma_start3A_219 : memref<64x128xf32, #tpu.memory_space<vmem>>) target(%dma_start3A_225 : memref<10240x128xf32, #tpu.memory_space<vmem_shared>>) offsets(%dma_start3A_222 : memref<64xi32, #tpu.memory_space<vmem>>) semaphore(%arg14 : memref<!tpu.dma_semaphore, #tpu.memory_space<semaphore_mem>>) {add = true}
        %mul3A_226 = arith.constant 4 : i32
        %mul3A_227 = arith.muli %scan3A_82, %mul3A_226 : i32
        %add3A_228 = arith.constant 3 : i32
        %add3A_229 = arith.addi %mul3A_227, %add3A_228 : i32
        %dma_wait3A_230 = arith.constant 3 : i32
        %dma_wait3A_231 = arith.constant 0 : i32
        %dma_wait3A_232 = arith.constant 0 : i32
        %dma_wait3A_233 = tpu.memref_slice %arg9[%dma_wait3A_230, %dma_wait3A_231, %dma_wait3A_232] : memref<4x64x128xf32, #tpu.memory_space<vmem>> -> memref<1x64x128xf32, #tpu.memory_space<vmem>>
        %dma_wait3A_234 = tpu.memref_squeeze %dma_wait3A_233 : memref<1x64x128xf32, #tpu.memory_space<vmem>> -> memref<64x128xf32, #tpu.memory_space<vmem>>
        %dma_wait3A_235 = arith.constant 0 : i32
        %dma_wait3A_236 = tpu.memref_slice %arg7[%add3A_136, %dma_wait3A_235] : memref<32x64xi32, #tpu.memory_space<vmem>> -> memref<1x64xi32, #tpu.memory_space<vmem>>
        %dma_wait3A_237 = tpu.memref_squeeze %dma_wait3A_236 : memref<1x64xi32, #tpu.memory_space<vmem>> -> memref<64xi32, #tpu.memory_space<vmem>>
        %dma_wait3A_238 = arith.constant 0 : i32
        %dma_wait3A_239 = arith.constant 0 : i32
        %dma_wait3A_240 = tpu.memref_slice %arg4[%dma_wait3A_238, %dma_wait3A_239] : memref<20000x128xf32, #tpu.memory_space<hbm>> -> memref<20000x128xf32, #tpu.memory_space<hbm>>
        tpu.wait_indirect_dma semaphore(%arg11 : memref<!tpu.dma_semaphore, #tpu.memory_space<semaphore_mem>>) src(%dma_wait3A_240 : memref<20000x128xf32, #tpu.memory_space<hbm>>) dst(%dma_wait3A_234 : memref<64x128xf32, #tpu.memory_space<vmem>>)
        %dma_start3A_241 = arith.constant 3 : i32
        %dma_start3A_242 = arith.constant 0 : i32
        %dma_start3A_243 = arith.constant 0 : i32
        %dma_start3A_244 = tpu.memref_slice %arg9[%dma_start3A_241, %dma_start3A_242, %dma_start3A_243] : memref<4x64x128xf32, #tpu.memory_space<vmem>> -> memref<1x64x128xf32, #tpu.memory_space<vmem>>
        %dma_start3A_245 = tpu.memref_squeeze %dma_start3A_244 : memref<1x64x128xf32, #tpu.memory_space<vmem>> -> memref<64x128xf32, #tpu.memory_space<vmem>>
        %dma_start3A_246 = arith.constant 0 : i32
        %dma_start3A_247 = tpu.memref_slice %arg8[%add3A_229, %dma_start3A_246] : memref<32x64xi32, #tpu.memory_space<vmem>> -> memref<1x64xi32, #tpu.memory_space<vmem>>
        %dma_start3A_248 = tpu.memref_squeeze %dma_start3A_247 : memref<1x64xi32, #tpu.memory_space<vmem>> -> memref<64xi32, #tpu.memory_space<vmem>>
        %dma_start3A_249 = arith.constant 0 : i32
        %dma_start3A_250 = arith.constant 0 : i32
        %dma_start3A_251 = tpu.memref_slice %arg10[%dma_start3A_249, %dma_start3A_250] : memref<10240x128xf32, #tpu.memory_space<vmem_shared>> -> memref<10240x128xf32, #tpu.memory_space<vmem_shared>>
        tpu.enqueue_indirect_dma source(%dma_start3A_245 : memref<64x128xf32, #tpu.memory_space<vmem>>) target(%dma_start3A_251 : memref<10240x128xf32, #tpu.memory_space<vmem_shared>>) offsets(%dma_start3A_248 : memref<64xi32, #tpu.memory_space<vmem>>) semaphore(%arg15 : memref<!tpu.dma_semaphore, #tpu.memory_space<semaphore_mem>>) {add = true}
      }
      %scan3A_81 = arith.constant 8 : i32
    }
    %scan3A_5 = arith.constant 10 : i32
    %dma_wait3A = arith.constant 0 : i32
    %dma_wait3A_6 = arith.constant 0 : i32
    %dma_wait3A_7 = arith.constant 0 : i32
    %dma_wait3A_8 = tpu.memref_slice %arg9[%dma_wait3A, %dma_wait3A_6, %dma_wait3A_7] : memref<4x64x128xf32, #tpu.memory_space<vmem>> -> memref<1x64x128xf32, #tpu.memory_space<vmem>>
    %dma_wait3A_9 = tpu.memref_squeeze %dma_wait3A_8 : memref<1x64x128xf32, #tpu.memory_space<vmem>> -> memref<64x128xf32, #tpu.memory_space<vmem>>
    %dma_wait3A_10 = arith.constant 0 : i32
    %dma_wait3A_11 = arith.constant 0 : i32
    %dma_wait3A_12 = tpu.memref_slice %arg5[%dma_wait3A_10, %dma_wait3A_11] : memref<640x128xf32, #tpu.memory_space<hbm>> -> memref<64x128xf32, #tpu.memory_space<hbm>>
    %dma_wait3A_13 = arith.constant 0 : i32
    %dma_wait3A_14 = arith.constant 0 : i32
    %dma_wait3A_15 = tpu.memref_slice %arg9[%dma_wait3A, %dma_wait3A_13, %dma_wait3A_14] : memref<4x64x128xf32, #tpu.memory_space<vmem>> -> memref<1x64x128xf32, #tpu.memory_space<vmem>>
    %dma_wait3A_16 = tpu.memref_squeeze %dma_wait3A_15 : memref<1x64x128xf32, #tpu.memory_space<vmem>> -> memref<64x128xf32, #tpu.memory_space<vmem>>
    %dma_wait3A_17 = arith.constant 0 : i32
    %dma_wait3A_18 = arith.constant 0 : i32
    %dma_wait3A_19 = tpu.memref_slice %arg5[%dma_wait3A_17, %dma_wait3A_18] : memref<640x128xf32, #tpu.memory_space<hbm>> -> memref<64x128xf32, #tpu.memory_space<hbm>>
    tpu.wait_dma2 semaphore(%arg12 : memref<!tpu.dma_semaphore, #tpu.memory_space<semaphore_mem>>) src(%dma_wait3A_19 : memref<64x128xf32, #tpu.memory_space<hbm>>) dst(%dma_wait3A_16 : memref<64x128xf32, #tpu.memory_space<vmem>>)
    %dma_wait3A_20 = arith.constant 1 : i32
    %dma_wait3A_21 = arith.constant 0 : i32
    %dma_wait3A_22 = arith.constant 0 : i32
    %dma_wait3A_23 = tpu.memref_slice %arg9[%dma_wait3A_20, %dma_wait3A_21, %dma_wait3A_22] : memref<4x64x128xf32, #tpu.memory_space<vmem>> -> memref<1x64x128xf32, #tpu.memory_space<vmem>>
    %dma_wait3A_24 = tpu.memref_squeeze %dma_wait3A_23 : memref<1x64x128xf32, #tpu.memory_space<vmem>> -> memref<64x128xf32, #tpu.memory_space<vmem>>
    %dma_wait3A_25 = arith.constant 0 : i32
    %dma_wait3A_26 = arith.constant 0 : i32
    %dma_wait3A_27 = tpu.memref_slice %arg5[%dma_wait3A_25, %dma_wait3A_26] : memref<640x128xf32, #tpu.memory_space<hbm>> -> memref<64x128xf32, #tpu.memory_space<hbm>>
    %dma_wait3A_28 = arith.constant 0 : i32
    %dma_wait3A_29 = arith.constant 0 : i32
    %dma_wait3A_30 = tpu.memref_slice %arg9[%dma_wait3A_20, %dma_wait3A_28, %dma_wait3A_29] : memref<4x64x128xf32, #tpu.memory_space<vmem>> -> memref<1x64x128xf32, #tpu.memory_space<vmem>>
    %dma_wait3A_31 = tpu.memref_squeeze %dma_wait3A_30 : memref<1x64x128xf32, #tpu.memory_space<vmem>> -> memref<64x128xf32, #tpu.memory_space<vmem>>
    %dma_wait3A_32 = arith.constant 0 : i32
    %dma_wait3A_33 = arith.constant 0 : i32
    %dma_wait3A_34 = tpu.memref_slice %arg5[%dma_wait3A_32, %dma_wait3A_33] : memref<640x128xf32, #tpu.memory_space<hbm>> -> memref<64x128xf32, #tpu.memory_space<hbm>>
    tpu.wait_dma2 semaphore(%arg13 : memref<!tpu.dma_semaphore, #tpu.memory_space<semaphore_mem>>) src(%dma_wait3A_34 : memref<64x128xf32, #tpu.memory_space<hbm>>) dst(%dma_wait3A_31 : memref<64x128xf32, #tpu.memory_space<vmem>>)
    %dma_wait3A_35 = arith.constant 2 : i32
    %dma_wait3A_36 = arith.constant 0 : i32
    %dma_wait3A_37 = arith.constant 0 : i32
    %dma_wait3A_38 = tpu.memref_slice %arg9[%dma_wait3A_35, %dma_wait3A_36, %dma_wait3A_37] : memref<4x64x128xf32, #tpu.memory_space<vmem>> -> memref<1x64x128xf32, #tpu.memory_space<vmem>>
    %dma_wait3A_39 = tpu.memref_squeeze %dma_wait3A_38 : memref<1x64x128xf32, #tpu.memory_space<vmem>> -> memref<64x128xf32, #tpu.memory_space<vmem>>
    %dma_wait3A_40 = arith.constant 0 : i32
    %dma_wait3A_41 = arith.constant 0 : i32
    %dma_wait3A_42 = tpu.memref_slice %arg5[%dma_wait3A_40, %dma_wait3A_41] : memref<640x128xf32, #tpu.memory_space<hbm>> -> memref<64x128xf32, #tpu.memory_space<hbm>>
    %dma_wait3A_43 = arith.constant 0 : i32
    %dma_wait3A_44 = arith.constant 0 : i32
    %dma_wait3A_45 = tpu.memref_slice %arg9[%dma_wait3A_35, %dma_wait3A_43, %dma_wait3A_44] : memref<4x64x128xf32, #tpu.memory_space<vmem>> -> memref<1x64x128xf32, #tpu.memory_space<vmem>>
    %dma_wait3A_46 = tpu.memref_squeeze %dma_wait3A_45 : memref<1x64x128xf32, #tpu.memory_space<vmem>> -> memref<64x128xf32, #tpu.memory_space<vmem>>
    %dma_wait3A_47 = arith.constant 0 : i32
    %dma_wait3A_48 = arith.constant 0 : i32
    %dma_wait3A_49 = tpu.memref_slice %arg5[%dma_wait3A_47, %dma_wait3A_48] : memref<640x128xf32, #tpu.memory_space<hbm>> -> memref<64x128xf32, #tpu.memory_space<hbm>>
    tpu.wait_dma2 semaphore(%arg14 : memref<!tpu.dma_semaphore, #tpu.memory_space<semaphore_mem>>) src(%dma_wait3A_49 : memref<64x128xf32, #tpu.memory_space<hbm>>) dst(%dma_wait3A_46 : memref<64x128xf32, #tpu.memory_space<vmem>>)
    %dma_wait3A_50 = arith.constant 3 : i32
    %dma_wait3A_51 = arith.constant 0 : i32
    %dma_wait3A_52 = arith.constant 0 : i32
    %dma_wait3A_53 = tpu.memref_slice %arg9[%dma_wait3A_50, %dma_wait3A_51, %dma_wait3A_52] : memref<4x64x128xf32, #tpu.memory_space<vmem>> -> memref<1x64x128xf32, #tpu.memory_space<vmem>>
    %dma_wait3A_54 = tpu.memref_squeeze %dma_wait3A_53 : memref<1x64x128xf32, #tpu.memory_space<vmem>> -> memref<64x128xf32, #tpu.memory_space<vmem>>
    %dma_wait3A_55 = arith.constant 0 : i32
    %dma_wait3A_56 = arith.constant 0 : i32
    %dma_wait3A_57 = tpu.memref_slice %arg5[%dma_wait3A_55, %dma_wait3A_56] : memref<640x128xf32, #tpu.memory_space<hbm>> -> memref<64x128xf32, #tpu.memory_space<hbm>>
    %dma_wait3A_58 = arith.constant 0 : i32
    %dma_wait3A_59 = arith.constant 0 : i32
    %dma_wait3A_60 = tpu.memref_slice %arg9[%dma_wait3A_50, %dma_wait3A_58, %dma_wait3A_59] : memref<4x64x128xf32, #tpu.memory_space<vmem>> -> memref<1x64x128xf32, #tpu.memory_space<vmem>>
    %dma_wait3A_61 = tpu.memref_squeeze %dma_wait3A_60 : memref<1x64x128xf32, #tpu.memory_space<vmem>> -> memref<64x128xf32, #tpu.memory_space<vmem>>
    %dma_wait3A_62 = arith.constant 0 : i32
    %dma_wait3A_63 = arith.constant 0 : i32
    %dma_wait3A_64 = tpu.memref_slice %arg5[%dma_wait3A_62, %dma_wait3A_63] : memref<640x128xf32, #tpu.memory_space<hbm>> -> memref<64x128xf32, #tpu.memory_space<hbm>>
    tpu.wait_dma2 semaphore(%arg15 : memref<!tpu.dma_semaphore, #tpu.memory_space<semaphore_mem>>) src(%dma_wait3A_64 : memref<64x128xf32, #tpu.memory_space<hbm>>) dst(%dma_wait3A_61 : memref<64x128xf32, #tpu.memory_space<vmem>>)
    %barrier3A_65 = arith.constant 0 : index
    tpu.barrier barrier_id(%barrier3A_65)
    %mul3A_66 = arith.constant 624 : i32
    %mul3A_67 = arith.muli %arg1, %mul3A_66 : i32
    %mul3A_68 = arith.constant 624 : i32
    %mul3A_69 = arith.muli %arg1, %mul3A_68 : i32
    "tpu.region"() ({
      %run_scoped3A = tpu.sem_alloc : memref<!tpu.dma_semaphore, #tpu.memory_space<semaphore_mem>>
      %dma_start3A = arith.constant 0 : i32
      %dma_start3A_72 = tpu.memref_slice %arg6[%arg0, %mul3A_69, %dma_start3A] : memref<2x10000x128xf32, #tpu.memory_space<hbm>> -> memref<1x624x128xf32, #tpu.memory_space<hbm>>
      %dma_start3A_73 = tpu.memref_squeeze %dma_start3A_72 : memref<1x624x128xf32, #tpu.memory_space<hbm>> -> memref<624x128xf32, #tpu.memory_space<hbm>>
      %dma_start3A_74 = arith.constant 0 : i32
      %dma_start3A_75 = tpu.memref_slice %arg10[%mul3A_67, %dma_start3A_74] : memref<10240x128xf32, #tpu.memory_space<vmem_shared>> -> memref<624x128xf32, #tpu.memory_space<vmem_shared>>
      tpu.enqueue_dma source(%dma_start3A_75 : memref<624x128xf32, #tpu.memory_space<vmem_shared>>) target(%dma_start3A_73 : memref<624x128xf32, #tpu.memory_space<hbm>>) target_semaphore(%run_scoped3A : memref<!tpu.dma_semaphore, #tpu.memory_space<semaphore_mem>>)
      %dma_wait3A_76 = arith.constant 0 : i32
      %dma_wait3A_77 = tpu.memref_slice %arg6[%arg0, %mul3A_69, %dma_wait3A_76] : memref<2x10000x128xf32, #tpu.memory_space<hbm>> -> memref<1x624x128xf32, #tpu.memory_space<hbm>>
      %dma_wait3A_78 = tpu.memref_squeeze %dma_wait3A_77 : memref<1x624x128xf32, #tpu.memory_space<hbm>> -> memref<624x128xf32, #tpu.memory_space<hbm>>
      %dma_wait3A_79 = arith.constant 0 : i32
      %dma_wait3A_80 = tpu.memref_slice %arg10[%mul3A_67, %dma_wait3A_79] : memref<10240x128xf32, #tpu.memory_space<vmem_shared>> -> memref<624x128xf32, #tpu.memory_space<vmem_shared>>
      tpu.wait_dma2 semaphore(%run_scoped3A : memref<!tpu.dma_semaphore, #tpu.memory_space<semaphore_mem>>) src(%dma_wait3A_80 : memref<624x128xf32, #tpu.memory_space<vmem_shared>>) dst(%dma_wait3A_78 : memref<624x128xf32, #tpu.memory_space<hbm>>)
      tpu.yield
    }) : () -> ()
    %eq3A = arith.constant 15 : i32
    %eq3A_70 = arith.cmpi eq, %arg1, %eq3A : i32
    %convert_element_type3A = arith.extui %eq3A_70 : i1 to i32
    %cond3A = arith.constant 0 : i32
    %cond3A_71 = arith.cmpi ne, %convert_element_type3A, %cond3A : i32
    scf.if %cond3A_71 {
      "tpu.region"() ({
        %run_scoped3A = tpu.sem_alloc : memref<!tpu.dma_semaphore, #tpu.memory_space<semaphore_mem>>
        %dma_start3A = arith.constant 9984 : i32
        %dma_start3A_72 = arith.constant 0 : i32
        %dma_start3A_73 = tpu.memref_slice %arg6[%arg0, %dma_start3A, %dma_start3A_72] : memref<2x10000x128xf32, #tpu.memory_space<hbm>> -> memref<1x16x128xf32, #tpu.memory_space<hbm>>
        %dma_start3A_74 = tpu.memref_squeeze %dma_start3A_73 : memref<1x16x128xf32, #tpu.memory_space<hbm>> -> memref<16x128xf32, #tpu.memory_space<hbm>>
        %dma_start3A_75 = arith.constant 9984 : i32
        %dma_start3A_76 = arith.constant 0 : i32
        %dma_start3A_77 = tpu.memref_slice %arg10[%dma_start3A_75, %dma_start3A_76] : memref<10240x128xf32, #tpu.memory_space<vmem_shared>> -> memref<16x128xf32, #tpu.memory_space<vmem_shared>>
        tpu.enqueue_dma source(%dma_start3A_77 : memref<16x128xf32, #tpu.memory_space<vmem_shared>>) target(%dma_start3A_74 : memref<16x128xf32, #tpu.memory_space<hbm>>) target_semaphore(%run_scoped3A : memref<!tpu.dma_semaphore, #tpu.memory_space<semaphore_mem>>)
        %dma_wait3A_78 = arith.constant 9984 : i32
        %dma_wait3A_79 = arith.constant 0 : i32
        %dma_wait3A_80 = tpu.memref_slice %arg6[%arg0, %dma_wait3A_78, %dma_wait3A_79] : memref<2x10000x128xf32, #tpu.memory_space<hbm>> -> memref<1x16x128xf32, #tpu.memory_space<hbm>>
        %dma_wait3A_81 = tpu.memref_squeeze %dma_wait3A_80 : memref<1x16x128xf32, #tpu.memory_space<hbm>> -> memref<16x128xf32, #tpu.memory_space<hbm>>
        %dma_wait3A_82 = arith.constant 9984 : i32
        %dma_wait3A_83 = arith.constant 0 : i32
        %dma_wait3A_84 = tpu.memref_slice %arg10[%dma_wait3A_82, %dma_wait3A_83] : memref<10240x128xf32, #tpu.memory_space<vmem_shared>> -> memref<16x128xf32, #tpu.memory_space<vmem_shared>>
        tpu.wait_dma2 semaphore(%run_scoped3A : memref<!tpu.dma_semaphore, #tpu.memory_space<semaphore_mem>>) src(%dma_wait3A_84 : memref<16x128xf32, #tpu.memory_space<vmem_shared>>) dst(%dma_wait3A_81 : memref<16x128xf32, #tpu.memory_space<hbm>>)
        tpu.yield
      }) : () -> ()
    } else {
    }
    return
  }
}

#map = affine_map<(d0, d1) -> (0, 0, 0, 0)>
#map1 = affine_map<(d0, d1) -> (0, 0, 0)>
#map2 = affine_map<(d0, d1) -> (0, 0)>
module attributes {stable_mosaic.version = 14 : i64} {
  func.func @_scatter_kernel(%arg0: i32, %arg1: i32, %arg2: memref<2x16x320x64xi32, #tpu.memory_space<hbm>>, %arg3: memref<16x320x64xi32, #tpu.memory_space<hbm>>, %arg4: memref<20000x128xf32, #tpu.memory_space<hbm>>, %arg5: memref<640x128xf32, #tpu.memory_space<hbm>>, %arg6: memref<2x10000x128xf32, #tpu.memory_space<hbm>>, %arg7: memref<32x64xi32, #tpu.memory_space<vmem>>, %arg8: memref<32x64xi32, #tpu.memory_space<vmem>>, %arg9: memref<4x64x128xf32, #tpu.memory_space<vmem>>, %arg10: memref<10240x128xf32, #tpu.memory_space<vmem_shared>>, %arg11: memref<!tpu.dma_semaphore, #tpu.memory_space<semaphore_mem>>, %arg12: memref<!tpu.dma_semaphore, #tpu.memory_space<semaphore_mem>>, %arg13: memref<!tpu.dma_semaphore, #tpu.memory_space<semaphore_mem>>, %arg14: memref<!tpu.dma_semaphore, #tpu.memory_space<semaphore_mem>>, %arg15: memref<!tpu.dma_semaphore, #tpu.memory_space<semaphore_mem>>) attributes {dimension_semantics = [#tpu.dimension_semantics<core_parallel>, #tpu.dimension_semantics<subcore_parallel>], iteration_bounds = array<i64: 2, 16>, scalar_prefetch = 0 : i64, scratch_operands = 9 : i64, tpu.core_type = #tpu.core_type<sc_vector_subcore>, window_params = [{transform_indices = #map}, {transform_indices = #map1}, {transform_indices = #map2}, {transform_indices = #map2}, {transform_indices = #map1}]} {
    %mul3A = arith.constant 640 : i32
    %mul3A_0 = arith.muli %arg1, %mul3A : i32
    "tpu.region"() ({
      %run_scoped3A = tpu.sem_alloc : memref<!tpu.dma_semaphore, #tpu.memory_space<semaphore_mem>>
      %dma_start3A = arith.constant 0 : i32
      %dma_start3A_72 = tpu.memref_slice %arg10[%mul3A_0, %dma_start3A] : memref<10240x128xf32, #tpu.memory_space<vmem_shared>> -> memref<640x128xf32, #tpu.memory_space<vmem_shared>>
      tpu.enqueue_dma source(%arg5 : memref<640x128xf32, #tpu.memory_space<hbm>>) target(%dma_start3A_72 : memref<640x128xf32, #tpu.memory_space<vmem_shared>>) target_semaphore(%run_scoped3A : memref<!tpu.dma_semaphore, #tpu.memory_space<semaphore_mem>>)
      %dma_wait3A_73 = arith.constant 0 : i32
      %dma_wait3A_74 = tpu.memref_slice %arg10[%mul3A_0, %dma_wait3A_73] : memref<10240x128xf32, #tpu.memory_space<vmem_shared>> -> memref<640x128xf32, #tpu.memory_space<vmem_shared>>
      tpu.wait_dma2 semaphore(%run_scoped3A : memref<!tpu.dma_semaphore, #tpu.memory_space<semaphore_mem>>) src(%arg5 : memref<640x128xf32, #tpu.memory_space<hbm>>) dst(%dma_wait3A_74 : memref<640x128xf32, #tpu.memory_space<vmem_shared>>)
      tpu.yield
    }) : () -> ()
    %barrier3A = arith.constant 0 : index
    tpu.barrier barrier_id(%barrier3A)
    %scan3A = arith.constant 0 : i32
    %scan3A_1 = arith.constant 0 : i32
    %scan3A_2 = arith.constant 10 : i32
    %scan3A_3 = arith.addi %scan3A_1, %scan3A_2 : i32
    %scan3A_4 = arith.constant 1 : i32
    scf.for %scan3A_72 = %scan3A_1 to %scan3A_3 step %scan3A_4  : i32 {
      %mul3A_73 = arith.constant 32 : i32
      %mul3A_74 = arith.muli %scan3A_72, %mul3A_73 : i32
      "tpu.region"() ({
        %run_scoped3A = tpu.sem_alloc : memref<!tpu.dma_semaphore, #tpu.memory_space<semaphore_mem>>
        %dma_start3A = arith.constant 0 : i32
        %dma_start3A_82 = tpu.memref_slice %arg2[%arg0, %arg1, %mul3A_74, %dma_start3A] : memref<2x16x320x64xi32, #tpu.memory_space<hbm>> -> memref<1x1x32x64xi32, #tpu.memory_space<hbm>>
        %dma_start3A_83 = tpu.memref_squeeze %dma_start3A_82 : memref<1x1x32x64xi32, #tpu.memory_space<hbm>> -> memref<32x64xi32, #tpu.memory_space<hbm>>
        %dma_start3A_84 = arith.constant 0 : i32
        %dma_start3A_85 = tpu.memref_slice %arg2[%arg0, %arg1, %mul3A_74, %dma_start3A_84] : memref<2x16x320x64xi32, #tpu.memory_space<hbm>> -> memref<1x1x32x64xi32, #tpu.memory_space<hbm>>
        %dma_start3A_86 = tpu.memref_squeeze %dma_start3A_85 : memref<1x1x32x64xi32, #tpu.memory_space<hbm>> -> memref<32x64xi32, #tpu.memory_space<hbm>>
        tpu.enqueue_dma source(%dma_start3A_86 : memref<32x64xi32, #tpu.memory_space<hbm>>) target(%arg7 : memref<32x64xi32, #tpu.memory_space<vmem>>) target_semaphore(%run_scoped3A : memref<!tpu.dma_semaphore, #tpu.memory_space<semaphore_mem>>)
        %dma_wait3A_87 = arith.constant 0 : i32
        %dma_wait3A_88 = tpu.memref_slice %arg2[%arg0, %arg1, %mul3A_74, %dma_wait3A_87] : memref<2x16x320x64xi32, #tpu.memory_space<hbm>> -> memref<1x1x32x64xi32, #tpu.memory_space<hbm>>
        %dma_wait3A_89 = tpu.memref_squeeze %dma_wait3A_88 : memref<1x1x32x64xi32, #tpu.memory_space<hbm>> -> memref<32x64xi32, #tpu.memory_space<hbm>>
        %dma_wait3A_90 = arith.constant 0 : i32
        %dma_wait3A_91 = tpu.memref_slice %arg2[%arg0, %arg1, %mul3A_74, %dma_wait3A_90] : memref<2x16x320x64xi32, #tpu.memory_space<hbm>> -> memref<1x1x32x64xi32, #tpu.memory_space<hbm>>
        %dma_wait3A_92 = tpu.memref_squeeze %dma_wait3A_91 : memref<1x1x32x64xi32, #tpu.memory_space<hbm>> -> memref<32x64xi32, #tpu.memory_space<hbm>>
        tpu.wait_dma2 semaphore(%run_scoped3A : memref<!tpu.dma_semaphore, #tpu.memory_space<semaphore_mem>>) src(%dma_wait3A_92 : memref<32x64xi32, #tpu.memory_space<hbm>>) dst(%arg7 : memref<32x64xi32, #tpu.memory_space<vmem>>)
        tpu.yield
      }) : () -> ()
      %mul3A_75 = arith.constant 32 : i32
      %mul3A_76 = arith.muli %scan3A_72, %mul3A_75 : i32
      "tpu.region"() ({
        %run_scoped3A = tpu.sem_alloc : memref<!tpu.dma_semaphore, #tpu.memory_space<semaphore_mem>>
        %dma_start3A = arith.constant 0 : i32
        %dma_start3A_82 = tpu.memref_slice %arg3[%arg1, %mul3A_76, %dma_start3A] : memref<16x320x64xi32, #tpu.memory_space<hbm>> -> memref<1x32x64xi32, #tpu.memory_space<hbm>>
        %dma_start3A_83 = tpu.memref_squeeze %dma_start3A_82 : memref<1x32x64xi32, #tpu.memory_space<hbm>> -> memref<32x64xi32, #tpu.memory_space<hbm>>
        %dma_start3A_84 = arith.constant 0 : i32
        %dma_start3A_85 = tpu.memref_slice %arg3[%arg1, %mul3A_76, %dma_start3A_84] : memref<16x320x64xi32, #tpu.memory_space<hbm>> -> memref<1x32x64xi32, #tpu.memory_space<hbm>>
        %dma_start3A_86 = tpu.memref_squeeze %dma_start3A_85 : memref<1x32x64xi32, #tpu.memory_space<hbm>> -> memref<32x64xi32, #tpu.memory_space<hbm>>
        tpu.enqueue_dma source(%dma_start3A_86 : memref<32x64xi32, #tpu.memory_space<hbm>>) target(%arg8 : memref<32x64xi32, #tpu.memory_space<vmem>>) target_semaphore(%run_scoped3A : memref<!tpu.dma_semaphore, #tpu.memory_space<semaphore_mem>>)
        %dma_wait3A_87 = arith.constant 0 : i32
        %dma_wait3A_88 = tpu.memref_slice %arg3[%arg1, %mul3A_76, %dma_wait3A_87] : memref<16x320x64xi32, #tpu.memory_space<hbm>> -> memref<1x32x64xi32, #tpu.memory_space<hbm>>
        %dma_wait3A_89 = tpu.memref_squeeze %dma_wait3A_88 : memref<1x32x64xi32, #tpu.memory_space<hbm>> -> memref<32x64xi32, #tpu.memory_space<hbm>>
        %dma_wait3A_90 = arith.constant 0 : i32
        %dma_wait3A_91 = tpu.memref_slice %arg3[%arg1, %mul3A_76, %dma_wait3A_90] : memref<16x320x64xi32, #tpu.memory_space<hbm>> -> memref<1x32x64xi32, #tpu.memory_space<hbm>>
        %dma_wait3A_92 = tpu.memref_squeeze %dma_wait3A_91 : memref<1x32x64xi32, #tpu.memory_space<hbm>> -> memref<32x64xi32, #tpu.memory_space<hbm>>
        tpu.wait_dma2 semaphore(%run_scoped3A : memref<!tpu.dma_semaphore, #tpu.memory_space<semaphore_mem>>) src(%dma_wait3A_92 : memref<32x64xi32, #tpu.memory_space<hbm>>) dst(%arg8 : memref<32x64xi32, #tpu.memory_space<vmem>>)
        tpu.yield
      }) : () -> ()
      %scan3A_77 = arith.constant 0 : i32
      %scan3A_78 = arith.constant 8 : i32
      %scan3A_79 = arith.addi %scan3A_77, %scan3A_78 : i32
      %scan3A_80 = arith.constant 1 : i32
      scf.for %scan3A_82 = %scan3A_77 to %scan3A_79 step %scan3A_80  : i32 {
        %mul3A_83 = arith.constant 8 : i32
        %mul3A_84 = arith.muli %scan3A_72, %mul3A_83 : i32
        %add3A = arith.addi %mul3A_84, %scan3A_82 : i32
        %gt3A = arith.constant 0 : i32
        %gt3A_85 = arith.cmpi sgt, %add3A, %gt3A : i32
        %convert_element_type3A_86 = arith.extui %gt3A_85 : i1 to i32
        %cond3A_87 = arith.constant 0 : i32
        %cond3A_88 = arith.cmpi ne, %convert_element_type3A_86, %cond3A_87 : i32
        scf.if %cond3A_88 {
          %dma_wait3A_252 = arith.constant 0 : i32
          %dma_wait3A_253 = arith.constant 0 : i32
          %dma_wait3A_254 = arith.constant 0 : i32
          %dma_wait3A_255 = tpu.memref_slice %arg9[%dma_wait3A_252, %dma_wait3A_253, %dma_wait3A_254] : memref<4x64x128xf32, #tpu.memory_space<vmem>> -> memref<1x64x128xf32, #tpu.memory_space<vmem>>
          %dma_wait3A_256 = tpu.memref_squeeze %dma_wait3A_255 : memref<1x64x128xf32, #tpu.memory_space<vmem>> -> memref<64x128xf32, #tpu.memory_space<vmem>>
          %dma_wait3A_257 = arith.constant 0 : i32
          %dma_wait3A_258 = arith.constant 0 : i32
          %dma_wait3A_259 = tpu.memref_slice %arg5[%dma_wait3A_257, %dma_wait3A_258] : memref<640x128xf32, #tpu.memory_space<hbm>> -> memref<64x128xf32, #tpu.memory_space<hbm>>
          %dma_wait3A_260 = arith.constant 0 : i32
          %dma_wait3A_261 = arith.constant 0 : i32
          %dma_wait3A_262 = tpu.memref_slice %arg9[%dma_wait3A_252, %dma_wait3A_260, %dma_wait3A_261] : memref<4x64x128xf32, #tpu.memory_space<vmem>> -> memref<1x64x128xf32, #tpu.memory_space<vmem>>
          %dma_wait3A_263 = tpu.memref_squeeze %dma_wait3A_262 : memref<1x64x128xf32, #tpu.memory_space<vmem>> -> memref<64x128xf32, #tpu.memory_space<vmem>>
          %dma_wait3A_264 = arith.constant 0 : i32
          %dma_wait3A_265 = arith.constant 0 : i32
          %dma_wait3A_266 = tpu.memref_slice %arg5[%dma_wait3A_264, %dma_wait3A_265] : memref<640x128xf32, #tpu.memory_space<hbm>> -> memref<64x128xf32, #tpu.memory_space<hbm>>
          tpu.wait_dma2 semaphore(%arg12 : memref<!tpu.dma_semaphore, #tpu.memory_space<semaphore_mem>>) src(%dma_wait3A_266 : memref<64x128xf32, #tpu.memory_space<hbm>>) dst(%dma_wait3A_263 : memref<64x128xf32, #tpu.memory_space<vmem>>)
          %dma_wait3A_267 = arith.constant 1 : i32
          %dma_wait3A_268 = arith.constant 0 : i32
          %dma_wait3A_269 = arith.constant 0 : i32
          %dma_wait3A_270 = tpu.memref_slice %arg9[%dma_wait3A_267, %dma_wait3A_268, %dma_wait3A_269] : memref<4x64x128xf32, #tpu.memory_space<vmem>> -> memref<1x64x128xf32, #tpu.memory_space<vmem>>
          %dma_wait3A_271 = tpu.memref_squeeze %dma_wait3A_270 : memref<1x64x128xf32, #tpu.memory_space<vmem>> -> memref<64x128xf32, #tpu.memory_space<vmem>>
          %dma_wait3A_272 = arith.constant 0 : i32
          %dma_wait3A_273 = arith.constant 0 : i32
          %dma_wait3A_274 = tpu.memref_slice %arg5[%dma_wait3A_272, %dma_wait3A_273] : memref<640x128xf32, #tpu.memory_space<hbm>> -> memref<64x128xf32, #tpu.memory_space<hbm>>
          %dma_wait3A_275 = arith.constant 0 : i32
          %dma_wait3A_276 = arith.constant 0 : i32
          %dma_wait3A_277 = tpu.memref_slice %arg9[%dma_wait3A_267, %dma_wait3A_275, %dma_wait3A_276] : memref<4x64x128xf32, #tpu.memory_space<vmem>> -> memref<1x64x128xf32, #tpu.memory_space<vmem>>
          %dma_wait3A_278 = tpu.memref_squeeze %dma_wait3A_277 : memref<1x64x128xf32, #tpu.memory_space<vmem>> -> memref<64x128xf32, #tpu.memory_space<vmem>>
          %dma_wait3A_279 = arith.constant 0 : i32
          %dma_wait3A_280 = arith.constant 0 : i32
          %dma_wait3A_281 = tpu.memref_slice %arg5[%dma_wait3A_279, %dma_wait3A_280] : memref<640x128xf32, #tpu.memory_space<hbm>> -> memref<64x128xf32, #tpu.memory_space<hbm>>
          tpu.wait_dma2 semaphore(%arg13 : memref<!tpu.dma_semaphore, #tpu.memory_space<semaphore_mem>>) src(%dma_wait3A_281 : memref<64x128xf32, #tpu.memory_space<hbm>>) dst(%dma_wait3A_278 : memref<64x128xf32, #tpu.memory_space<vmem>>)
          %dma_wait3A_282 = arith.constant 2 : i32
          %dma_wait3A_283 = arith.constant 0 : i32
          %dma_wait3A_284 = arith.constant 0 : i32
          %dma_wait3A_285 = tpu.memref_slice %arg9[%dma_wait3A_282, %dma_wait3A_283, %dma_wait3A_284] : memref<4x64x128xf32, #tpu.memory_space<vmem>> -> memref<1x64x128xf32, #tpu.memory_space<vmem>>
          %dma_wait3A_286 = tpu.memref_squeeze %dma_wait3A_285 : memref<1x64x128xf32, #tpu.memory_space<vmem>> -> memref<64x128xf32, #tpu.memory_space<vmem>>
          %dma_wait3A_287 = arith.constant 0 : i32
          %dma_wait3A_288 = arith.constant 0 : i32
          %dma_wait3A_289 = tpu.memref_slice %arg5[%dma_wait3A_287, %dma_wait3A_288] : memref<640x128xf32, #tpu.memory_space<hbm>> -> memref<64x128xf32, #tpu.memory_space<hbm>>
          %dma_wait3A_290 = arith.constant 0 : i32
          %dma_wait3A_291 = arith.constant 0 : i32
          %dma_wait3A_292 = tpu.memref_slice %arg9[%dma_wait3A_282, %dma_wait3A_290, %dma_wait3A_291] : memref<4x64x128xf32, #tpu.memory_space<vmem>> -> memref<1x64x128xf32, #tpu.memory_space<vmem>>
          %dma_wait3A_293 = tpu.memref_squeeze %dma_wait3A_292 : memref<1x64x128xf32, #tpu.memory_space<vmem>> -> memref<64x128xf32, #tpu.memory_space<vmem>>
          %dma_wait3A_294 = arith.constant 0 : i32
          %dma_wait3A_295 = arith.constant 0 : i32
          %dma_wait3A_296 = tpu.memref_slice %arg5[%dma_wait3A_294, %dma_wait3A_295] : memref<640x128xf32, #tpu.memory_space<hbm>> -> memref<64x128xf32, #tpu.memory_space<hbm>>
          tpu.wait_dma2 semaphore(%arg14 : memref<!tpu.dma_semaphore, #tpu.memory_space<semaphore_mem>>) src(%dma_wait3A_296 : memref<64x128xf32, #tpu.memory_space<hbm>>) dst(%dma_wait3A_293 : memref<64x128xf32, #tpu.memory_space<vmem>>)
          %dma_wait3A_297 = arith.constant 3 : i32
          %dma_wait3A_298 = arith.constant 0 : i32
          %dma_wait3A_299 = arith.constant 0 : i32
          %dma_wait3A_300 = tpu.memref_slice %arg9[%dma_wait3A_297, %dma_wait3A_298, %dma_wait3A_299] : memref<4x64x128xf32, #tpu.memory_space<vmem>> -> memref<1x64x128xf32, #tpu.memory_space<vmem>>
          %dma_wait3A_301 = tpu.memref_squeeze %dma_wait3A_300 : memref<1x64x128xf32, #tpu.memory_space<vmem>> -> memref<64x128xf32, #tpu.memory_space<vmem>>
          %dma_wait3A_302 = arith.constant 0 : i32
          %dma_wait3A_303 = arith.constant 0 : i32
          %dma_wait3A_304 = tpu.memref_slice %arg5[%dma_wait3A_302, %dma_wait3A_303] : memref<640x128xf32, #tpu.memory_space<hbm>> -> memref<64x128xf32, #tpu.memory_space<hbm>>
          %dma_wait3A_305 = arith.constant 0 : i32
          %dma_wait3A_306 = arith.constant 0 : i32
          %dma_wait3A_307 = tpu.memref_slice %arg9[%dma_wait3A_297, %dma_wait3A_305, %dma_wait3A_306] : memref<4x64x128xf32, #tpu.memory_space<vmem>> -> memref<1x64x128xf32, #tpu.memory_space<vmem>>
          %dma_wait3A_308 = tpu.memref_squeeze %dma_wait3A_307 : memref<1x64x128xf32, #tpu.memory_space<vmem>> -> memref<64x128xf32, #tpu.memory_space<vmem>>
          %dma_wait3A_309 = arith.constant 0 : i32
          %dma_wait3A_310 = arith.constant 0 : i32
          %dma_wait3A_311 = tpu.memref_slice %arg5[%dma_wait3A_309, %dma_wait3A_310] : memref<640x128xf32, #tpu.memory_space<hbm>> -> memref<64x128xf32, #tpu.memory_space<hbm>>
          tpu.wait_dma2 semaphore(%arg15 : memref<!tpu.dma_semaphore, #tpu.memory_space<semaphore_mem>>) src(%dma_wait3A_311 : memref<64x128xf32, #tpu.memory_space<hbm>>) dst(%dma_wait3A_308 : memref<64x128xf32, #tpu.memory_space<vmem>>)
        } else {
        }
        %mul3A_89 = arith.constant 4 : i32
        %mul3A_90 = arith.muli %scan3A_82, %mul3A_89 : i32
        %add3A_91 = arith.constant 0 : i32
        %add3A_92 = arith.addi %mul3A_90, %add3A_91 : i32
        %dma_start3A = arith.constant 0 : i32
        %dma_start3A_93 = arith.constant 0 : i32
        %dma_start3A_94 = arith.constant 0 : i32
        %dma_start3A_95 = tpu.memref_slice %arg9[%dma_start3A, %dma_start3A_93, %dma_start3A_94] : memref<4x64x128xf32, #tpu.memory_space<vmem>> -> memref<1x64x128xf32, #tpu.memory_space<vmem>>
        %dma_start3A_96 = tpu.memref_squeeze %dma_start3A_95 : memref<1x64x128xf32, #tpu.memory_space<vmem>> -> memref<64x128xf32, #tpu.memory_space<vmem>>
        %dma_start3A_97 = arith.constant 0 : i32
        %dma_start3A_98 = tpu.memref_slice %arg7[%add3A_92, %dma_start3A_97] : memref<32x64xi32, #tpu.memory_space<vmem>> -> memref<1x64xi32, #tpu.memory_space<vmem>>
        %dma_start3A_99 = tpu.memref_squeeze %dma_start3A_98 : memref<1x64xi32, #tpu.memory_space<vmem>> -> memref<64xi32, #tpu.memory_space<vmem>>
        %dma_start3A_100 = arith.constant 0 : i32
        %dma_start3A_101 = arith.constant 0 : i32
        %dma_start3A_102 = tpu.memref_slice %arg4[%dma_start3A_100, %dma_start3A_101] : memref<20000x128xf32, #tpu.memory_space<hbm>> -> memref<20000x128xf32, #tpu.memory_space<hbm>>
        tpu.enqueue_indirect_dma source(%dma_start3A_102 : memref<20000x128xf32, #tpu.memory_space<hbm>>) target(%dma_start3A_96 : memref<64x128xf32, #tpu.memory_space<vmem>>) offsets(%dma_start3A_99 : memref<64xi32, #tpu.memory_space<vmem>>) semaphore(%arg11 : memref<!tpu.dma_semaphore, #tpu.memory_space<semaphore_mem>>)
        %mul3A_103 = arith.constant 4 : i32
        %mul3A_104 = arith.muli %scan3A_82, %mul3A_103 : i32
        %add3A_105 = arith.constant 1 : i32
        %add3A_106 = arith.addi %mul3A_104, %add3A_105 : i32
        %dma_start3A_107 = arith.constant 1 : i32
        %dma_start3A_108 = arith.constant 0 : i32
        %dma_start3A_109 = arith.constant 0 : i32
        %dma_start3A_110 = tpu.memref_slice %arg9[%dma_start3A_107, %dma_start3A_108, %dma_start3A_109] : memref<4x64x128xf32, #tpu.memory_space<vmem>> -> memref<1x64x128xf32, #tpu.memory_space<vmem>>
        %dma_start3A_111 = tpu.memref_squeeze %dma_start3A_110 : memref<1x64x128xf32, #tpu.memory_space<vmem>> -> memref<64x128xf32, #tpu.memory_space<vmem>>
        %dma_start3A_112 = arith.constant 0 : i32
        %dma_start3A_113 = tpu.memref_slice %arg7[%add3A_106, %dma_start3A_112] : memref<32x64xi32, #tpu.memory_space<vmem>> -> memref<1x64xi32, #tpu.memory_space<vmem>>
        %dma_start3A_114 = tpu.memref_squeeze %dma_start3A_113 : memref<1x64xi32, #tpu.memory_space<vmem>> -> memref<64xi32, #tpu.memory_space<vmem>>
        %dma_start3A_115 = arith.constant 0 : i32
        %dma_start3A_116 = arith.constant 0 : i32
        %dma_start3A_117 = tpu.memref_slice %arg4[%dma_start3A_115, %dma_start3A_116] : memref<20000x128xf32, #tpu.memory_space<hbm>> -> memref<20000x128xf32, #tpu.memory_space<hbm>>
        tpu.enqueue_indirect_dma source(%dma_start3A_117 : memref<20000x128xf32, #tpu.memory_space<hbm>>) target(%dma_start3A_111 : memref<64x128xf32, #tpu.memory_space<vmem>>) offsets(%dma_start3A_114 : memref<64xi32, #tpu.memory_space<vmem>>) semaphore(%arg11 : memref<!tpu.dma_semaphore, #tpu.memory_space<semaphore_mem>>)
        %mul3A_118 = arith.constant 4 : i32
        %mul3A_119 = arith.muli %scan3A_82, %mul3A_118 : i32
        %add3A_120 = arith.constant 2 : i32
        %add3A_121 = arith.addi %mul3A_119, %add3A_120 : i32
        %dma_start3A_122 = arith.constant 2 : i32
        %dma_start3A_123 = arith.constant 0 : i32
        %dma_start3A_124 = arith.constant 0 : i32
        %dma_start3A_125 = tpu.memref_slice %arg9[%dma_start3A_122, %dma_start3A_123, %dma_start3A_124] : memref<4x64x128xf32, #tpu.memory_space<vmem>> -> memref<1x64x128xf32, #tpu.memory_space<vmem>>
        %dma_start3A_126 = tpu.memref_squeeze %dma_start3A_125 : memref<1x64x128xf32, #tpu.memory_space<vmem>> -> memref<64x128xf32, #tpu.memory_space<vmem>>
        %dma_start3A_127 = arith.constant 0 : i32
        %dma_start3A_128 = tpu.memref_slice %arg7[%add3A_121, %dma_start3A_127] : memref<32x64xi32, #tpu.memory_space<vmem>> -> memref<1x64xi32, #tpu.memory_space<vmem>>
        %dma_start3A_129 = tpu.memref_squeeze %dma_start3A_128 : memref<1x64xi32, #tpu.memory_space<vmem>> -> memref<64xi32, #tpu.memory_space<vmem>>
        %dma_start3A_130 = arith.constant 0 : i32
        %dma_start3A_131 = arith.constant 0 : i32
        %dma_start3A_132 = tpu.memref_slice %arg4[%dma_start3A_130, %dma_start3A_131] : memref<20000x128xf32, #tpu.memory_space<hbm>> -> memref<20000x128xf32, #tpu.memory_space<hbm>>
        tpu.enqueue_indirect_dma source(%dma_start3A_132 : memref<20000x128xf32, #tpu.memory_space<hbm>>) target(%dma_start3A_126 : memref<64x128xf32, #tpu.memory_space<vmem>>) offsets(%dma_start3A_129 : memref<64xi32, #tpu.memory_space<vmem>>) semaphore(%arg11 : memref<!tpu.dma_semaphore, #tpu.memory_space<semaphore_mem>>)
        %mul3A_133 = arith.constant 4 : i32
        %mul3A_134 = arith.muli %scan3A_82, %mul3A_133 : i32
        %add3A_135 = arith.constant 3 : i32
        %add3A_136 = arith.addi %mul3A_134, %add3A_135 : i32
        %dma_start3A_137 = arith.constant 3 : i32
        %dma_start3A_138 = arith.constant 0 : i32
        %dma_start3A_139 = arith.constant 0 : i32
        %dma_start3A_140 = tpu.memref_slice %arg9[%dma_start3A_137, %dma_start3A_138, %dma_start3A_139] : memref<4x64x128xf32, #tpu.memory_space<vmem>> -> memref<1x64x128xf32, #tpu.memory_space<vmem>>
        %dma_start3A_141 = tpu.memref_squeeze %dma_start3A_140 : memref<1x64x128xf32, #tpu.memory_space<vmem>> -> memref<64x128xf32, #tpu.memory_space<vmem>>
        %dma_start3A_142 = arith.constant 0 : i32
        %dma_start3A_143 = tpu.memref_slice %arg7[%add3A_136, %dma_start3A_142] : memref<32x64xi32, #tpu.memory_space<vmem>> -> memref<1x64xi32, #tpu.memory_space<vmem>>
        %dma_start3A_144 = tpu.memref_squeeze %dma_start3A_143 : memref<1x64xi32, #tpu.memory_space<vmem>> -> memref<64xi32, #tpu.memory_space<vmem>>
        %dma_start3A_145 = arith.constant 0 : i32
        %dma_start3A_146 = arith.constant 0 : i32
        %dma_start3A_147 = tpu.memref_slice %arg4[%dma_start3A_145, %dma_start3A_146] : memref<20000x128xf32, #tpu.memory_space<hbm>> -> memref<20000x128xf32, #tpu.memory_space<hbm>>
        tpu.enqueue_indirect_dma source(%dma_start3A_147 : memref<20000x128xf32, #tpu.memory_space<hbm>>) target(%dma_start3A_141 : memref<64x128xf32, #tpu.memory_space<vmem>>) offsets(%dma_start3A_144 : memref<64xi32, #tpu.memory_space<vmem>>) semaphore(%arg11 : memref<!tpu.dma_semaphore, #tpu.memory_space<semaphore_mem>>)
        %mul3A_148 = arith.constant 4 : i32
        %mul3A_149 = arith.muli %scan3A_82, %mul3A_148 : i32
        %add3A_150 = arith.constant 0 : i32
        %add3A_151 = arith.addi %mul3A_149, %add3A_150 : i32
        %dma_wait3A_152 = arith.constant 0 : i32
        %dma_wait3A_153 = arith.constant 0 : i32
        %dma_wait3A_154 = arith.constant 0 : i32
        %dma_wait3A_155 = tpu.memref_slice %arg9[%dma_wait3A_152, %dma_wait3A_153, %dma_wait3A_154] : memref<4x64x128xf32, #tpu.memory_space<vmem>> -> memref<1x64x128xf32, #tpu.memory_space<vmem>>
        %dma_wait3A_156 = tpu.memref_squeeze %dma_wait3A_155 : memref<1x64x128xf32, #tpu.memory_space<vmem>> -> memref<64x128xf32, #tpu.memory_space<vmem>>
        %dma_wait3A_157 = arith.constant 0 : i32
        %dma_wait3A_158 = tpu.memref_slice %arg7[%add3A_92, %dma_wait3A_157] : memref<32x64xi32, #tpu.memory_space<vmem>> -> memref<1x64xi32, #tpu.memory_space<vmem>>
        %dma_wait3A_159 = tpu.memref_squeeze %dma_wait3A_158 : memref<1x64xi32, #tpu.memory_space<vmem>> -> memref<64xi32, #tpu.memory_space<vmem>>
        %dma_wait3A_160 = arith.constant 0 : i32
        %dma_wait3A_161 = arith.constant 0 : i32
        %dma_wait3A_162 = tpu.memref_slice %arg4[%dma_wait3A_160, %dma_wait3A_161] : memref<20000x128xf32, #tpu.memory_space<hbm>> -> memref<20000x128xf32, #tpu.memory_space<hbm>>
        tpu.wait_indirect_dma semaphore(%arg11 : memref<!tpu.dma_semaphore, #tpu.memory_space<semaphore_mem>>) src(%dma_wait3A_162 : memref<20000x128xf32, #tpu.memory_space<hbm>>) dst(%dma_wait3A_156 : memref<64x128xf32, #tpu.memory_space<vmem>>)
        %dma_start3A_163 = arith.constant 0 : i32
        %dma_start3A_164 = arith.constant 0 : i32
        %dma_start3A_165 = arith.constant 0 : i32
        %dma_start3A_166 = tpu.memref_slice %arg9[%dma_start3A_163, %dma_start3A_164, %dma_start3A_165] : memref<4x64x128xf32, #tpu.memory_space<vmem>> -> memref<1x64x128xf32, #tpu.memory_space<vmem>>
        %dma_start3A_167 = tpu.memref_squeeze %dma_start3A_166 : memref<1x64x128xf32, #tpu.memory_space<vmem>> -> memref<64x128xf32, #tpu.memory_space<vmem>>
        %dma_start3A_168 = arith.constant 0 : i32
        %dma_start3A_169 = tpu.memref_slice %arg8[%add3A_151, %dma_start3A_168] : memref<32x64xi32, #tpu.memory_space<vmem>> -> memref<1x64xi32, #tpu.memory_space<vmem>>
        %dma_start3A_170 = tpu.memref_squeeze %dma_start3A_169 : memref<1x64xi32, #tpu.memory_space<vmem>> -> memref<64xi32, #tpu.memory_space<vmem>>
        %dma_start3A_171 = arith.constant 0 : i32
        %dma_start3A_172 = arith.constant 0 : i32
        %dma_start3A_173 = tpu.memref_slice %arg10[%dma_start3A_171, %dma_start3A_172] : memref<10240x128xf32, #tpu.memory_space<vmem_shared>> -> memref<10240x128xf32, #tpu.memory_space<vmem_shared>>
        tpu.enqueue_indirect_dma source(%dma_start3A_167 : memref<64x128xf32, #tpu.memory_space<vmem>>) target(%dma_start3A_173 : memref<10240x128xf32, #tpu.memory_space<vmem_shared>>) offsets(%dma_start3A_170 : memref<64xi32, #tpu.memory_space<vmem>>) semaphore(%arg12 : memref<!tpu.dma_semaphore, #tpu.memory_space<semaphore_mem>>) {add = true}
        %mul3A_174 = arith.constant 4 : i32
        %mul3A_175 = arith.muli %scan3A_82, %mul3A_174 : i32
        %add3A_176 = arith.constant 1 : i32
        %add3A_177 = arith.addi %mul3A_175, %add3A_176 : i32
        %dma_wait3A_178 = arith.constant 1 : i32
        %dma_wait3A_179 = arith.constant 0 : i32
        %dma_wait3A_180 = arith.constant 0 : i32
        %dma_wait3A_181 = tpu.memref_slice %arg9[%dma_wait3A_178, %dma_wait3A_179, %dma_wait3A_180] : memref<4x64x128xf32, #tpu.memory_space<vmem>> -> memref<1x64x128xf32, #tpu.memory_space<vmem>>
        %dma_wait3A_182 = tpu.memref_squeeze %dma_wait3A_181 : memref<1x64x128xf32, #tpu.memory_space<vmem>> -> memref<64x128xf32, #tpu.memory_space<vmem>>
        %dma_wait3A_183 = arith.constant 0 : i32
        %dma_wait3A_184 = tpu.memref_slice %arg7[%add3A_106, %dma_wait3A_183] : memref<32x64xi32, #tpu.memory_space<vmem>> -> memref<1x64xi32, #tpu.memory_space<vmem>>
        %dma_wait3A_185 = tpu.memref_squeeze %dma_wait3A_184 : memref<1x64xi32, #tpu.memory_space<vmem>> -> memref<64xi32, #tpu.memory_space<vmem>>
        %dma_wait3A_186 = arith.constant 0 : i32
        %dma_wait3A_187 = arith.constant 0 : i32
        %dma_wait3A_188 = tpu.memref_slice %arg4[%dma_wait3A_186, %dma_wait3A_187] : memref<20000x128xf32, #tpu.memory_space<hbm>> -> memref<20000x128xf32, #tpu.memory_space<hbm>>
        tpu.wait_indirect_dma semaphore(%arg11 : memref<!tpu.dma_semaphore, #tpu.memory_space<semaphore_mem>>) src(%dma_wait3A_188 : memref<20000x128xf32, #tpu.memory_space<hbm>>) dst(%dma_wait3A_182 : memref<64x128xf32, #tpu.memory_space<vmem>>)
        %dma_start3A_189 = arith.constant 1 : i32
        %dma_start3A_190 = arith.constant 0 : i32
        %dma_start3A_191 = arith.constant 0 : i32
        %dma_start3A_192 = tpu.memref_slice %arg9[%dma_start3A_189, %dma_start3A_190, %dma_start3A_191] : memref<4x64x128xf32, #tpu.memory_space<vmem>> -> memref<1x64x128xf32, #tpu.memory_space<vmem>>
        %dma_start3A_193 = tpu.memref_squeeze %dma_start3A_192 : memref<1x64x128xf32, #tpu.memory_space<vmem>> -> memref<64x128xf32, #tpu.memory_space<vmem>>
        %dma_start3A_194 = arith.constant 0 : i32
        %dma_start3A_195 = tpu.memref_slice %arg8[%add3A_177, %dma_start3A_194] : memref<32x64xi32, #tpu.memory_space<vmem>> -> memref<1x64xi32, #tpu.memory_space<vmem>>
        %dma_start3A_196 = tpu.memref_squeeze %dma_start3A_195 : memref<1x64xi32, #tpu.memory_space<vmem>> -> memref<64xi32, #tpu.memory_space<vmem>>
        %dma_start3A_197 = arith.constant 0 : i32
        %dma_start3A_198 = arith.constant 0 : i32
        %dma_start3A_199 = tpu.memref_slice %arg10[%dma_start3A_197, %dma_start3A_198] : memref<10240x128xf32, #tpu.memory_space<vmem_shared>> -> memref<10240x128xf32, #tpu.memory_space<vmem_shared>>
        tpu.enqueue_indirect_dma source(%dma_start3A_193 : memref<64x128xf32, #tpu.memory_space<vmem>>) target(%dma_start3A_199 : memref<10240x128xf32, #tpu.memory_space<vmem_shared>>) offsets(%dma_start3A_196 : memref<64xi32, #tpu.memory_space<vmem>>) semaphore(%arg13 : memref<!tpu.dma_semaphore, #tpu.memory_space<semaphore_mem>>) {add = true}
        %mul3A_200 = arith.constant 4 : i32
        %mul3A_201 = arith.muli %scan3A_82, %mul3A_200 : i32
        %add3A_202 = arith.constant 2 : i32
        %add3A_203 = arith.addi %mul3A_201, %add3A_202 : i32
        %dma_wait3A_204 = arith.constant 2 : i32
        %dma_wait3A_205 = arith.constant 0 : i32
        %dma_wait3A_206 = arith.constant 0 : i32
        %dma_wait3A_207 = tpu.memref_slice %arg9[%dma_wait3A_204, %dma_wait3A_205, %dma_wait3A_206] : memref<4x64x128xf32, #tpu.memory_space<vmem>> -> memref<1x64x128xf32, #tpu.memory_space<vmem>>
        %dma_wait3A_208 = tpu.memref_squeeze %dma_wait3A_207 : memref<1x64x128xf32, #tpu.memory_space<vmem>> -> memref<64x128xf32, #tpu.memory_space<vmem>>
        %dma_wait3A_209 = arith.constant 0 : i32
        %dma_wait3A_210 = tpu.memref_slice %arg7[%add3A_121, %dma_wait3A_209] : memref<32x64xi32, #tpu.memory_space<vmem>> -> memref<1x64xi32, #tpu.memory_space<vmem>>
        %dma_wait3A_211 = tpu.memref_squeeze %dma_wait3A_210 : memref<1x64xi32, #tpu.memory_space<vmem>> -> memref<64xi32, #tpu.memory_space<vmem>>
        %dma_wait3A_212 = arith.constant 0 : i32
        %dma_wait3A_213 = arith.constant 0 : i32
        %dma_wait3A_214 = tpu.memref_slice %arg4[%dma_wait3A_212, %dma_wait3A_213] : memref<20000x128xf32, #tpu.memory_space<hbm>> -> memref<20000x128xf32, #tpu.memory_space<hbm>>
        tpu.wait_indirect_dma semaphore(%arg11 : memref<!tpu.dma_semaphore, #tpu.memory_space<semaphore_mem>>) src(%dma_wait3A_214 : memref<20000x128xf32, #tpu.memory_space<hbm>>) dst(%dma_wait3A_208 : memref<64x128xf32, #tpu.memory_space<vmem>>)
        %dma_start3A_215 = arith.constant 2 : i32
        %dma_start3A_216 = arith.constant 0 : i32
        %dma_start3A_217 = arith.constant 0 : i32
        %dma_start3A_218 = tpu.memref_slice %arg9[%dma_start3A_215, %dma_start3A_216, %dma_start3A_217] : memref<4x64x128xf32, #tpu.memory_space<vmem>> -> memref<1x64x128xf32, #tpu.memory_space<vmem>>
        %dma_start3A_219 = tpu.memref_squeeze %dma_start3A_218 : memref<1x64x128xf32, #tpu.memory_space<vmem>> -> memref<64x128xf32, #tpu.memory_space<vmem>>
        %dma_start3A_220 = arith.constant 0 : i32
        %dma_start3A_221 = tpu.memref_slice %arg8[%add3A_203, %dma_start3A_220] : memref<32x64xi32, #tpu.memory_space<vmem>> -> memref<1x64xi32, #tpu.memory_space<vmem>>
        %dma_start3A_222 = tpu.memref_squeeze %dma_start3A_221 : memref<1x64xi32, #tpu.memory_space<vmem>> -> memref<64xi32, #tpu.memory_space<vmem>>
        %dma_start3A_223 = arith.constant 0 : i32
        %dma_start3A_224 = arith.constant 0 : i32
        %dma_start3A_225 = tpu.memref_slice %arg10[%dma_start3A_223, %dma_start3A_224] : memref<10240x128xf32, #tpu.memory_space<vmem_shared>> -> memref<10240x128xf32, #tpu.memory_space<vmem_shared>>
        tpu.enqueue_indirect_dma source(%dma_start3A_219 : memref<64x128xf32, #tpu.memory_space<vmem>>) target(%dma_start3A_225 : memref<10240x128xf32, #tpu.memory_space<vmem_shared>>) offsets(%dma_start3A_222 : memref<64xi32, #tpu.memory_space<vmem>>) semaphore(%arg14 : memref<!tpu.dma_semaphore, #tpu.memory_space<semaphore_mem>>) {add = true}
        %mul3A_226 = arith.constant 4 : i32
        %mul3A_227 = arith.muli %scan3A_82, %mul3A_226 : i32
        %add3A_228 = arith.constant 3 : i32
        %add3A_229 = arith.addi %mul3A_227, %add3A_228 : i32
        %dma_wait3A_230 = arith.constant 3 : i32
        %dma_wait3A_231 = arith.constant 0 : i32
        %dma_wait3A_232 = arith.constant 0 : i32
        %dma_wait3A_233 = tpu.memref_slice %arg9[%dma_wait3A_230, %dma_wait3A_231, %dma_wait3A_232] : memref<4x64x128xf32, #tpu.memory_space<vmem>> -> memref<1x64x128xf32, #tpu.memory_space<vmem>>
        %dma_wait3A_234 = tpu.memref_squeeze %dma_wait3A_233 : memref<1x64x128xf32, #tpu.memory_space<vmem>> -> memref<64x128xf32, #tpu.memory_space<vmem>>
        %dma_wait3A_235 = arith.constant 0 : i32
        %dma_wait3A_236 = tpu.memref_slice %arg7[%add3A_136, %dma_wait3A_235] : memref<32x64xi32, #tpu.memory_space<vmem>> -> memref<1x64xi32, #tpu.memory_space<vmem>>
        %dma_wait3A_237 = tpu.memref_squeeze %dma_wait3A_236 : memref<1x64xi32, #tpu.memory_space<vmem>> -> memref<64xi32, #tpu.memory_space<vmem>>
        %dma_wait3A_238 = arith.constant 0 : i32
        %dma_wait3A_239 = arith.constant 0 : i32
        %dma_wait3A_240 = tpu.memref_slice %arg4[%dma_wait3A_238, %dma_wait3A_239] : memref<20000x128xf32, #tpu.memory_space<hbm>> -> memref<20000x128xf32, #tpu.memory_space<hbm>>
        tpu.wait_indirect_dma semaphore(%arg11 : memref<!tpu.dma_semaphore, #tpu.memory_space<semaphore_mem>>) src(%dma_wait3A_240 : memref<20000x128xf32, #tpu.memory_space<hbm>>) dst(%dma_wait3A_234 : memref<64x128xf32, #tpu.memory_space<vmem>>)
        %dma_start3A_241 = arith.constant 3 : i32
        %dma_start3A_242 = arith.constant 0 : i32
        %dma_start3A_243 = arith.constant 0 : i32
        %dma_start3A_244 = tpu.memref_slice %arg9[%dma_start3A_241, %dma_start3A_242, %dma_start3A_243] : memref<4x64x128xf32, #tpu.memory_space<vmem>> -> memref<1x64x128xf32, #tpu.memory_space<vmem>>
        %dma_start3A_245 = tpu.memref_squeeze %dma_start3A_244 : memref<1x64x128xf32, #tpu.memory_space<vmem>> -> memref<64x128xf32, #tpu.memory_space<vmem>>
        %dma_start3A_246 = arith.constant 0 : i32
        %dma_start3A_247 = tpu.memref_slice %arg8[%add3A_229, %dma_start3A_246] : memref<32x64xi32, #tpu.memory_space<vmem>> -> memref<1x64xi32, #tpu.memory_space<vmem>>
        %dma_start3A_248 = tpu.memref_squeeze %dma_start3A_247 : memref<1x64xi32, #tpu.memory_space<vmem>> -> memref<64xi32, #tpu.memory_space<vmem>>
        %dma_start3A_249 = arith.constant 0 : i32
        %dma_start3A_250 = arith.constant 0 : i32
        %dma_start3A_251 = tpu.memref_slice %arg10[%dma_start3A_249, %dma_start3A_250] : memref<10240x128xf32, #tpu.memory_space<vmem_shared>> -> memref<10240x128xf32, #tpu.memory_space<vmem_shared>>
        tpu.enqueue_indirect_dma source(%dma_start3A_245 : memref<64x128xf32, #tpu.memory_space<vmem>>) target(%dma_start3A_251 : memref<10240x128xf32, #tpu.memory_space<vmem_shared>>) offsets(%dma_start3A_248 : memref<64xi32, #tpu.memory_space<vmem>>) semaphore(%arg15 : memref<!tpu.dma_semaphore, #tpu.memory_space<semaphore_mem>>) {add = true}
      }
      %scan3A_81 = arith.constant 8 : i32
    }
    %scan3A_5 = arith.constant 10 : i32
    %dma_wait3A = arith.constant 0 : i32
    %dma_wait3A_6 = arith.constant 0 : i32
    %dma_wait3A_7 = arith.constant 0 : i32
    %dma_wait3A_8 = tpu.memref_slice %arg9[%dma_wait3A, %dma_wait3A_6, %dma_wait3A_7] : memref<4x64x128xf32, #tpu.memory_space<vmem>> -> memref<1x64x128xf32, #tpu.memory_space<vmem>>
    %dma_wait3A_9 = tpu.memref_squeeze %dma_wait3A_8 : memref<1x64x128xf32, #tpu.memory_space<vmem>> -> memref<64x128xf32, #tpu.memory_space<vmem>>
    %dma_wait3A_10 = arith.constant 0 : i32
    %dma_wait3A_11 = arith.constant 0 : i32
    %dma_wait3A_12 = tpu.memref_slice %arg5[%dma_wait3A_10, %dma_wait3A_11] : memref<640x128xf32, #tpu.memory_space<hbm>> -> memref<64x128xf32, #tpu.memory_space<hbm>>
    %dma_wait3A_13 = arith.constant 0 : i32
    %dma_wait3A_14 = arith.constant 0 : i32
    %dma_wait3A_15 = tpu.memref_slice %arg9[%dma_wait3A, %dma_wait3A_13, %dma_wait3A_14] : memref<4x64x128xf32, #tpu.memory_space<vmem>> -> memref<1x64x128xf32, #tpu.memory_space<vmem>>
    %dma_wait3A_16 = tpu.memref_squeeze %dma_wait3A_15 : memref<1x64x128xf32, #tpu.memory_space<vmem>> -> memref<64x128xf32, #tpu.memory_space<vmem>>
    %dma_wait3A_17 = arith.constant 0 : i32
    %dma_wait3A_18 = arith.constant 0 : i32
    %dma_wait3A_19 = tpu.memref_slice %arg5[%dma_wait3A_17, %dma_wait3A_18] : memref<640x128xf32, #tpu.memory_space<hbm>> -> memref<64x128xf32, #tpu.memory_space<hbm>>
    tpu.wait_dma2 semaphore(%arg12 : memref<!tpu.dma_semaphore, #tpu.memory_space<semaphore_mem>>) src(%dma_wait3A_19 : memref<64x128xf32, #tpu.memory_space<hbm>>) dst(%dma_wait3A_16 : memref<64x128xf32, #tpu.memory_space<vmem>>)
    %dma_wait3A_20 = arith.constant 1 : i32
    %dma_wait3A_21 = arith.constant 0 : i32
    %dma_wait3A_22 = arith.constant 0 : i32
    %dma_wait3A_23 = tpu.memref_slice %arg9[%dma_wait3A_20, %dma_wait3A_21, %dma_wait3A_22] : memref<4x64x128xf32, #tpu.memory_space<vmem>> -> memref<1x64x128xf32, #tpu.memory_space<vmem>>
    %dma_wait3A_24 = tpu.memref_squeeze %dma_wait3A_23 : memref<1x64x128xf32, #tpu.memory_space<vmem>> -> memref<64x128xf32, #tpu.memory_space<vmem>>
    %dma_wait3A_25 = arith.constant 0 : i32
    %dma_wait3A_26 = arith.constant 0 : i32
    %dma_wait3A_27 = tpu.memref_slice %arg5[%dma_wait3A_25, %dma_wait3A_26] : memref<640x128xf32, #tpu.memory_space<hbm>> -> memref<64x128xf32, #tpu.memory_space<hbm>>
    %dma_wait3A_28 = arith.constant 0 : i32
    %dma_wait3A_29 = arith.constant 0 : i32
    %dma_wait3A_30 = tpu.memref_slice %arg9[%dma_wait3A_20, %dma_wait3A_28, %dma_wait3A_29] : memref<4x64x128xf32, #tpu.memory_space<vmem>> -> memref<1x64x128xf32, #tpu.memory_space<vmem>>
    %dma_wait3A_31 = tpu.memref_squeeze %dma_wait3A_30 : memref<1x64x128xf32, #tpu.memory_space<vmem>> -> memref<64x128xf32, #tpu.memory_space<vmem>>
    %dma_wait3A_32 = arith.constant 0 : i32
    %dma_wait3A_33 = arith.constant 0 : i32
    %dma_wait3A_34 = tpu.memref_slice %arg5[%dma_wait3A_32, %dma_wait3A_33] : memref<640x128xf32, #tpu.memory_space<hbm>> -> memref<64x128xf32, #tpu.memory_space<hbm>>
    tpu.wait_dma2 semaphore(%arg13 : memref<!tpu.dma_semaphore, #tpu.memory_space<semaphore_mem>>) src(%dma_wait3A_34 : memref<64x128xf32, #tpu.memory_space<hbm>>) dst(%dma_wait3A_31 : memref<64x128xf32, #tpu.memory_space<vmem>>)
    %dma_wait3A_35 = arith.constant 2 : i32
    %dma_wait3A_36 = arith.constant 0 : i32
    %dma_wait3A_37 = arith.constant 0 : i32
    %dma_wait3A_38 = tpu.memref_slice %arg9[%dma_wait3A_35, %dma_wait3A_36, %dma_wait3A_37] : memref<4x64x128xf32, #tpu.memory_space<vmem>> -> memref<1x64x128xf32, #tpu.memory_space<vmem>>
    %dma_wait3A_39 = tpu.memref_squeeze %dma_wait3A_38 : memref<1x64x128xf32, #tpu.memory_space<vmem>> -> memref<64x128xf32, #tpu.memory_space<vmem>>
    %dma_wait3A_40 = arith.constant 0 : i32
    %dma_wait3A_41 = arith.constant 0 : i32
    %dma_wait3A_42 = tpu.memref_slice %arg5[%dma_wait3A_40, %dma_wait3A_41] : memref<640x128xf32, #tpu.memory_space<hbm>> -> memref<64x128xf32, #tpu.memory_space<hbm>>
    %dma_wait3A_43 = arith.constant 0 : i32
    %dma_wait3A_44 = arith.constant 0 : i32
    %dma_wait3A_45 = tpu.memref_slice %arg9[%dma_wait3A_35, %dma_wait3A_43, %dma_wait3A_44] : memref<4x64x128xf32, #tpu.memory_space<vmem>> -> memref<1x64x128xf32, #tpu.memory_space<vmem>>
    %dma_wait3A_46 = tpu.memref_squeeze %dma_wait3A_45 : memref<1x64x128xf32, #tpu.memory_space<vmem>> -> memref<64x128xf32, #tpu.memory_space<vmem>>
    %dma_wait3A_47 = arith.constant 0 : i32
    %dma_wait3A_48 = arith.constant 0 : i32
    %dma_wait3A_49 = tpu.memref_slice %arg5[%dma_wait3A_47, %dma_wait3A_48] : memref<640x128xf32, #tpu.memory_space<hbm>> -> memref<64x128xf32, #tpu.memory_space<hbm>>
    tpu.wait_dma2 semaphore(%arg14 : memref<!tpu.dma_semaphore, #tpu.memory_space<semaphore_mem>>) src(%dma_wait3A_49 : memref<64x128xf32, #tpu.memory_space<hbm>>) dst(%dma_wait3A_46 : memref<64x128xf32, #tpu.memory_space<vmem>>)
    %dma_wait3A_50 = arith.constant 3 : i32
    %dma_wait3A_51 = arith.constant 0 : i32
    %dma_wait3A_52 = arith.constant 0 : i32
    %dma_wait3A_53 = tpu.memref_slice %arg9[%dma_wait3A_50, %dma_wait3A_51, %dma_wait3A_52] : memref<4x64x128xf32, #tpu.memory_space<vmem>> -> memref<1x64x128xf32, #tpu.memory_space<vmem>>
    %dma_wait3A_54 = tpu.memref_squeeze %dma_wait3A_53 : memref<1x64x128xf32, #tpu.memory_space<vmem>> -> memref<64x128xf32, #tpu.memory_space<vmem>>
    %dma_wait3A_55 = arith.constant 0 : i32
    %dma_wait3A_56 = arith.constant 0 : i32
    %dma_wait3A_57 = tpu.memref_slice %arg5[%dma_wait3A_55, %dma_wait3A_56] : memref<640x128xf32, #tpu.memory_space<hbm>> -> memref<64x128xf32, #tpu.memory_space<hbm>>
    %dma_wait3A_58 = arith.constant 0 : i32
    %dma_wait3A_59 = arith.constant 0 : i32
    %dma_wait3A_60 = tpu.memref_slice %arg9[%dma_wait3A_50, %dma_wait3A_58, %dma_wait3A_59] : memref<4x64x128xf32, #tpu.memory_space<vmem>> -> memref<1x64x128xf32, #tpu.memory_space<vmem>>
    %dma_wait3A_61 = tpu.memref_squeeze %dma_wait3A_60 : memref<1x64x128xf32, #tpu.memory_space<vmem>> -> memref<64x128xf32, #tpu.memory_space<vmem>>
    %dma_wait3A_62 = arith.constant 0 : i32
    %dma_wait3A_63 = arith.constant 0 : i32
    %dma_wait3A_64 = tpu.memref_slice %arg5[%dma_wait3A_62, %dma_wait3A_63] : memref<640x128xf32, #tpu.memory_space<hbm>> -> memref<64x128xf32, #tpu.memory_space<hbm>>
    tpu.wait_dma2 semaphore(%arg15 : memref<!tpu.dma_semaphore, #tpu.memory_space<semaphore_mem>>) src(%dma_wait3A_64 : memref<64x128xf32, #tpu.memory_space<hbm>>) dst(%dma_wait3A_61 : memref<64x128xf32, #tpu.memory_space<vmem>>)
    %barrier3A_65 = arith.constant 0 : index
    tpu.barrier barrier_id(%barrier3A_65)
    %mul3A_66 = arith.constant 624 : i32
    %mul3A_67 = arith.muli %arg1, %mul3A_66 : i32
    %mul3A_68 = arith.constant 624 : i32
    %mul3A_69 = arith.muli %arg1, %mul3A_68 : i32
    "tpu.region"() ({
      %run_scoped3A = tpu.sem_alloc : memref<!tpu.dma_semaphore, #tpu.memory_space<semaphore_mem>>
      %dma_start3A = arith.constant 0 : i32
      %dma_start3A_72 = tpu.memref_slice %arg6[%arg0, %mul3A_69, %dma_start3A] : memref<2x10000x128xf32, #tpu.memory_space<hbm>> -> memref<1x624x128xf32, #tpu.memory_space<hbm>>
      %dma_start3A_73 = tpu.memref_squeeze %dma_start3A_72 : memref<1x624x128xf32, #tpu.memory_space<hbm>> -> memref<624x128xf32, #tpu.memory_space<hbm>>
      %dma_start3A_74 = arith.constant 0 : i32
      %dma_start3A_75 = tpu.memref_slice %arg10[%mul3A_67, %dma_start3A_74] : memref<10240x128xf32, #tpu.memory_space<vmem_shared>> -> memref<624x128xf32, #tpu.memory_space<vmem_shared>>
      tpu.enqueue_dma source(%dma_start3A_75 : memref<624x128xf32, #tpu.memory_space<vmem_shared>>) target(%dma_start3A_73 : memref<624x128xf32, #tpu.memory_space<hbm>>) target_semaphore(%run_scoped3A : memref<!tpu.dma_semaphore, #tpu.memory_space<semaphore_mem>>)
      %dma_wait3A_76 = arith.constant 0 : i32
      %dma_wait3A_77 = tpu.memref_slice %arg6[%arg0, %mul3A_69, %dma_wait3A_76] : memref<2x10000x128xf32, #tpu.memory_space<hbm>> -> memref<1x624x128xf32, #tpu.memory_space<hbm>>
      %dma_wait3A_78 = tpu.memref_squeeze %dma_wait3A_77 : memref<1x624x128xf32, #tpu.memory_space<hbm>> -> memref<624x128xf32, #tpu.memory_space<hbm>>
      %dma_wait3A_79 = arith.constant 0 : i32
      %dma_wait3A_80 = tpu.memref_slice %arg10[%mul3A_67, %dma_wait3A_79] : memref<10240x128xf32, #tpu.memory_space<vmem_shared>> -> memref<624x128xf32, #tpu.memory_space<vmem_shared>>
      tpu.wait_dma2 semaphore(%run_scoped3A : memref<!tpu.dma_semaphore, #tpu.memory_space<semaphore_mem>>) src(%dma_wait3A_80 : memref<624x128xf32, #tpu.memory_space<vmem_shared>>) dst(%dma_wait3A_78 : memref<624x128xf32, #tpu.memory_space<hbm>>)
      tpu.yield
    }) : () -> ()
    %eq3A = arith.constant 15 : i32
    %eq3A_70 = arith.cmpi eq, %arg1, %eq3A : i32
    %convert_element_type3A = arith.extui %eq3A_70 : i1 to i32
    %cond3A = arith.constant 0 : i32
    %cond3A_71 = arith.cmpi ne, %convert_element_type3A, %cond3A : i32
    scf.if %cond3A_71 {
      "tpu.region"() ({
        %run_scoped3A = tpu.sem_alloc : memref<!tpu.dma_semaphore, #tpu.memory_space<semaphore_mem>>
        %dma_start3A = arith.constant 9984 : i32
        %dma_start3A_72 = arith.constant 0 : i32
        %dma_start3A_73 = tpu.memref_slice %arg6[%arg0, %dma_start3A, %dma_start3A_72] : memref<2x10000x128xf32, #tpu.memory_space<hbm>> -> memref<1x16x128xf32, #tpu.memory_space<hbm>>
        %dma_start3A_74 = tpu.memref_squeeze %dma_start3A_73 : memref<1x16x128xf32, #tpu.memory_space<hbm>> -> memref<16x128xf32, #tpu.memory_space<hbm>>
        %dma_start3A_75 = arith.constant 9984 : i32
        %dma_start3A_76 = arith.constant 0 : i32
        %dma_start3A_77 = tpu.memref_slice %arg10[%dma_start3A_75, %dma_start3A_76] : memref<10240x128xf32, #tpu.memory_space<vmem_shared>> -> memref<16x128xf32, #tpu.memory_space<vmem_shared>>
        tpu.enqueue_dma source(%dma_start3A_77 : memref<16x128xf32, #tpu.memory_space<vmem_shared>>) target(%dma_start3A_74 : memref<16x128xf32, #tpu.memory_space<hbm>>) target_semaphore(%run_scoped3A : memref<!tpu.dma_semaphore, #tpu.memory_space<semaphore_mem>>)
        %dma_wait3A_78 = arith.constant 9984 : i32
        %dma_wait3A_79 = arith.constant 0 : i32
        %dma_wait3A_80 = tpu.memref_slice %arg6[%arg0, %dma_wait3A_78, %dma_wait3A_79] : memref<2x10000x128xf32, #tpu.memory_space<hbm>> -> memref<1x16x128xf32, #tpu.memory_space<hbm>>
        %dma_wait3A_81 = tpu.memref_squeeze %dma_wait3A_80 : memref<1x16x128xf32, #tpu.memory_space<hbm>> -> memref<16x128xf32, #tpu.memory_space<hbm>>
        %dma_wait3A_82 = arith.constant 9984 : i32
        %dma_wait3A_83 = arith.constant 0 : i32
        %dma_wait3A_84 = tpu.memref_slice %arg10[%dma_wait3A_82, %dma_wait3A_83] : memref<10240x128xf32, #tpu.memory_space<vmem_shared>> -> memref<16x128xf32, #tpu.memory_space<vmem_shared>>
        tpu.wait_dma2 semaphore(%run_scoped3A : memref<!tpu.dma_semaphore, #tpu.memory_space<semaphore_mem>>) src(%dma_wait3A_84 : memref<16x128xf32, #tpu.memory_space<vmem_shared>>) dst(%dma_wait3A_81 : memref<16x128xf32, #tpu.memory_space<hbm>>)
        tpu.yield
      }) : () -> ()
    } else {
    }
    return
  }
}

module attributes {stable_mosaic.version = 14 : i64} {
  func.func @_tc1_body(%arg0: i32, %arg1: i32, %arg2: memref<1000x128xf32, #tpu.memory_space<vmem>>, %arg3: memref<1x128x128xf32, #tpu.memory_space<vmem>>, %arg4: memref<1000x128xf32, #tpu.memory_space<vmem>>, %arg5: memref<1000x128xf32, #tpu.memory_space<vmem>>, %arg6: memref<1000x128xf32, #tpu.memory_space<vmem>>, %arg7: memref<1000x128xf32, #tpu.memory_space<vmem>>) attributes {dimension_semantics = [#tpu.dimension_semantics<arbitrary>, #tpu.dimension_semantics<arbitrary>], iteration_bounds = array<i64: 2, 10>, scalar_prefetch = 0 : i64, scratch_operands = 0 : i64, tpu.core_type = #tpu.core_type<tc>, window_params = [{transform_indices = @transform_0, window_bounds = array<i64: 1000, 128>}, {transform_indices = @transform_1, window_bounds = array<i64: 1, 128, 128>}, {transform_indices = @transform_2, window_bounds = array<i64: 1000, 128>}, {transform_indices = @transform_3, window_bounds = array<i64: 1000, 128>}, {transform_indices = @transform_4, window_bounds = array<i64: 1000, 128>}, {transform_indices = @transform_5, window_bounds = array<i64: 1000, 128>}]} {
    %get3A = arith.constant 0 : index
    %get3A_0 = arith.constant 0 : index
    %get3A_1 = vector.load %arg4[%get3A, %get3A_0] : memref<1000x128xf32, #tpu.memory_space<vmem>>, vector<1000x1xf32>
    %get3A_2 = arith.constant 0 : index
    %get3A_3 = arith.constant 0 : index
    %get3A_4 = vector.load %arg5[%get3A_2, %get3A_3] : memref<1000x128xf32, #tpu.memory_space<vmem>>, vector<1000x1xf32>
    %add3A = arith.addf %get3A_1, %get3A_4 : vector<1000x1xf32>
    %add3A_5 = arith.constant 1.000000e+00 : f32
    %add3A_6 = vector.broadcast %add3A_5 : f32 to vector<1000x1xf32>
    %add3A_7 = arith.addf %add3A, %add3A_6 : vector<1000x1xf32>
    %rsqrt3A = math.rsqrt %add3A_7 : vector<1000x1xf32>
    %get3A_8 = arith.constant 0 : index
    %get3A_9 = arith.constant 0 : index
    %get3A_10 = vector.load %arg2[%get3A_8, %get3A_9] : memref<1000x128xf32, #tpu.memory_space<vmem>>, vector<1000x128xf32>
    %get3A_11 = arith.constant 0 : index
    %get3A_12 = arith.constant 0 : index
    %get3A_13 = arith.constant 0 : index
    %get3A_14 = vector.load %arg3[%get3A_11, %get3A_12, %get3A_13] : memref<1x128x128xf32, #tpu.memory_space<vmem>>, vector<1x128x128xf32>
    %get3A_15 = vector.shape_cast %get3A_14 : vector<1x128x128xf32> to vector<128x128xf32>
    %dot_general3A = arith.constant dense<0.000000e+00> : vector<1000x128xf32>
    %dot_general3A_16 = tpu.matmul %get3A_10, %get3A_15, %dot_general3A {dimension_numbers = #tpu.dot_dimension_numbers<[1], [0], [0], [1], [0, 0, 1, 1], [], []>, transpose_lhs_hint = false} : vector<1000x128xf32>, vector<128x128xf32>, vector<1000x128xf32> -> vector<1000x128xf32>
    %mul3A = vector.broadcast %rsqrt3A : vector<1000x1xf32> to vector<1000x128xf32>
    %mul3A_17 = arith.mulf %mul3A, %dot_general3A_16 : vector<1000x128xf32>
    %swap3A = arith.constant 0 : index
    %swap3A_18 = arith.constant 0 : index
    %swap3A_19 = vector.load %arg6[%swap3A, %swap3A_18] : memref<1000x128xf32, #tpu.memory_space<vmem>>, vector<1000x128xf32>
    tpu.vector_store %arg6[%swap3A, %swap3A_18], %mul3A_17 {strides = array<i32>} : memref<1000x128xf32, #tpu.memory_space<vmem>>, vector<1000x128xf32>,
    %broadcast_in_dim3A = vector.shape_cast %rsqrt3A : vector<1000x1xf32> to vector<1000x1xf32>
    %broadcast_in_dim3A_20 = vector.broadcast %broadcast_in_dim3A : vector<1000x1xf32> to vector<1000x128xf32>
    %swap3A_21 = arith.constant 0 : index
    %swap3A_22 = arith.constant 0 : index
    %swap3A_23 = vector.load %arg7[%swap3A_21, %swap3A_22] : memref<1000x128xf32, #tpu.memory_space<vmem>>, vector<1000x128xf32>
    tpu.vector_store %arg7[%swap3A_21, %swap3A_22], %broadcast_in_dim3A_20 {strides = array<i32>} : memref<1000x128xf32, #tpu.memory_space<vmem>>, vector<1000x128xf32>,
    return
  }
  func.func @transform_0(%arg0: i32, %arg1: i32) -> (i32, i32) {
    %c0_i32 = arith.constant 0 : i32
    %c0_i32_0 = arith.constant 0 : i32
    return %arg1, %c0_i32 : i32, i32
  }
  func.func @transform_1(%arg0: i32, %arg1: i32) -> (i32, i32, i32) {
    %c0_i32 = arith.constant 0 : i32
    %c0_i32_0 = arith.constant 0 : i32
    %c0_i32_1 = arith.constant 0 : i32
    return %arg0, %c0_i32, %c0_i32_0 : i32, i32, i32
  }
  func.func @transform_2(%arg0: i32, %arg1: i32) -> (i32, i32) {
    %c0_i32 = arith.constant 0 : i32
    %c0_i32_0 = arith.constant 0 : i32
    return %arg1, %c0_i32 : i32, i32
  }
  func.func @transform_3(%arg0: i32, %arg1: i32) -> (i32, i32) {
    %add3A = arith.constant 10 : i32
    %add3A_0 = arith.addi %add3A, %arg1 : i32
    %c0_i32 = arith.constant 0 : i32
    %c0_i32_1 = arith.constant 0 : i32
    return %add3A_0, %c0_i32 : i32, i32
  }
  func.func @transform_4(%arg0: i32, %arg1: i32) -> (i32, i32) {
    %mul3A = arith.constant 10 : i32
    %mul3A_0 = arith.muli %arg0, %mul3A : i32
    %add3A = arith.addi %mul3A_0, %arg1 : i32
    %c0_i32 = arith.constant 0 : i32
    %c0_i32_1 = arith.constant 0 : i32
    return %add3A, %c0_i32 : i32, i32
  }
  func.func @transform_5(%arg0: i32, %arg1: i32) -> (i32, i32) {
    %c0_i32 = arith.constant 0 : i32
    %c0_i32_0 = arith.constant 0 : i32
    return %arg1, %c0_i32 : i32, i32
  }
}

module attributes {stable_mosaic.version = 14 : i64} {
  func.func @_tcmid_body(%arg0: i32, %arg1: i32, %arg2: memref<1000x128xf32, #tpu.memory_space<vmem>>, %arg3: memref<1000x128xf32, #tpu.memory_space<vmem>>, %arg4: memref<1000x128xf32, #tpu.memory_space<vmem>>, %arg5: memref<1000x128xf32, #tpu.memory_space<vmem>>, %arg6: memref<1000x128xf32, #tpu.memory_space<vmem>>, %arg7: memref<2x128xf32, #tpu.memory_space<vmem>>, %arg8: memref<1x2x128x128xf32, #tpu.memory_space<vmem>>, %arg9: memref<1000x128xf32, #tpu.memory_space<vmem>>) attributes {dimension_semantics = [#tpu.dimension_semantics<arbitrary>, #tpu.dimension_semantics<arbitrary>], iteration_bounds = array<i64: 2, 10>, scalar_prefetch = 0 : i64, scratch_operands = 0 : i64, tpu.core_type = #tpu.core_type<tc>, window_params = [{transform_indices = @transform_0, window_bounds = array<i64: 1000, 128>}, {transform_indices = @transform_1, window_bounds = array<i64: 1000, 128>}, {transform_indices = @transform_2, window_bounds = array<i64: 1000, 128>}, {transform_indices = @transform_3, window_bounds = array<i64: 1000, 128>}, {transform_indices = @transform_4, window_bounds = array<i64: 1000, 128>}, {pipeline_mode = #tpu.pipeline_mode<synchronous>, transform_indices = @transform_5, window_bounds = array<i64: 2, 128>}, {transform_indices = @transform_6, window_bounds = array<i64: 1, 2, 128, 128>}, {transform_indices = @transform_7, window_bounds = array<i64: 1000, 128>}]} {
    %get3A = arith.constant 0 : index
    %get3A_0 = arith.constant 0 : index
    %get3A_1 = vector.load %arg6[%get3A, %get3A_0] : memref<1000x128xf32, #tpu.memory_space<vmem>>, vector<1000x128xf32>
    %get3A_2 = arith.constant 0 : index
    %get3A_3 = arith.constant 0 : index
    %get3A_4 = vector.load %arg2[%get3A_2, %get3A_3] : memref<1000x128xf32, #tpu.memory_space<vmem>>, vector<1000x128xf32>
    %get3A_5 = arith.constant 0 : index
    %get3A_6 = arith.constant 0 : index
    %get3A_7 = vector.load %arg4[%get3A_5, %get3A_6] : memref<1000x128xf32, #tpu.memory_space<vmem>>, vector<1000x128xf32>
    %add3A = arith.addf %get3A_4, %get3A_7 : vector<1000x128xf32>
    %mul3A = arith.mulf %get3A_1, %add3A : vector<1000x128xf32>
    %get3A_8 = arith.constant 0 : index
    %get3A_9 = arith.constant 0 : index
    %get3A_10 = vector.load %arg7[%get3A_8, %get3A_9] : memref<2x128xf32, #tpu.memory_space<vmem>>, vector<1x128xf32>
    %get3A_11 = vector.shape_cast %get3A_10 : vector<1x128xf32> to vector<128xf32>
    %broadcast_in_dim3A = vector.shape_cast %get3A_11 : vector<128xf32> to vector<1x128xf32>
    %add3A_12 = vector.broadcast %broadcast_in_dim3A : vector<1x128xf32> to vector<1000x128xf32>
    %add3A_13 = arith.addf %mul3A, %add3A_12 : vector<1000x128xf32>
    %max3A = arith.constant 0.000000e+00 : f32
    %max3A_14 = vector.broadcast %max3A : f32 to vector<1000x128xf32>
    %max3A_15 = arith.maximumf %add3A_13, %max3A_14 : vector<1000x128xf32>
    %get3A_16 = arith.constant 0 : index
    %get3A_17 = arith.constant 0 : index
    %get3A_18 = vector.load %arg3[%get3A_16, %get3A_17] : memref<1000x128xf32, #tpu.memory_space<vmem>>, vector<1000x128xf32>
    %get3A_19 = arith.constant 0 : index
    %get3A_20 = arith.constant 0 : index
    %get3A_21 = vector.load %arg5[%get3A_19, %get3A_20] : memref<1000x128xf32, #tpu.memory_space<vmem>>, vector<1000x128xf32>
    %add3A_22 = arith.addf %get3A_18, %get3A_21 : vector<1000x128xf32>
    %mul3A_23 = arith.mulf %get3A_1, %add3A_22 : vector<1000x128xf32>
    %get3A_24 = arith.constant 1 : index
    %get3A_25 = arith.constant 0 : index
    %get3A_26 = vector.load %arg7[%get3A_24, %get3A_25] : memref<2x128xf32, #tpu.memory_space<vmem>>, vector<1x128xf32>
    %get3A_27 = vector.shape_cast %get3A_26 : vector<1x128xf32> to vector<128xf32>
    %broadcast_in_dim3A_28 = vector.shape_cast %get3A_27 : vector<128xf32> to vector<1x128xf32>
    %add3A_29 = vector.broadcast %broadcast_in_dim3A_28 : vector<1x128xf32> to vector<1000x128xf32>
    %add3A_30 = arith.addf %mul3A_23, %add3A_29 : vector<1000x128xf32>
    %max3A_31 = arith.constant 0.000000e+00 : f32
    %max3A_32 = vector.broadcast %max3A_31 : f32 to vector<1000x128xf32>
    %max3A_33 = arith.maximumf %add3A_30, %max3A_32 : vector<1000x128xf32>
    %get3A_34 = arith.constant 0 : index
    %get3A_35 = arith.constant 0 : index
    %get3A_36 = arith.constant 0 : index
    %get3A_37 = arith.constant 0 : index
    %get3A_38 = vector.load %arg8[%get3A_34, %get3A_35, %get3A_36, %get3A_37] : memref<1x2x128x128xf32, #tpu.memory_space<vmem>>, vector<1x1x128x128xf32>
    %get3A_39 = vector.shape_cast %get3A_38 : vector<1x1x128x128xf32> to vector<128x128xf32>
    %dot_general3A = arith.constant dense<0.000000e+00> : vector<1000x128xf32>
    %dot_general3A_40 = tpu.matmul %max3A_15, %get3A_39, %dot_general3A {dimension_numbers = #tpu.dot_dimension_numbers<[1], [0], [0], [1], [0, 0, 1, 1], [], []>, transpose_lhs_hint = false} : vector<1000x128xf32>, vector<128x128xf32>, vector<1000x128xf32> -> vector<1000x128xf32>
    %get3A_41 = arith.constant 0 : index
    %get3A_42 = arith.constant 1 : index
    %get3A_43 = arith.constant 0 : index
    %get3A_44 = arith.constant 0 : index
    %get3A_45 = vector.load %arg8[%get3A_41, %get3A_42, %get3A_43, %get3A_44] : memref<1x2x128x128xf32, #tpu.memory_space<vmem>>, vector<1x1x128x128xf32>
    %get3A_46 = vector.shape_cast %get3A_45 : vector<1x1x128x128xf32> to vector<128x128xf32>
    %dot_general3A_47 = arith.constant dense<0.000000e+00> : vector<1000x128xf32>
    %dot_general3A_48 = tpu.matmul %max3A_33, %get3A_46, %dot_general3A_47 {dimension_numbers = #tpu.dot_dimension_numbers<[1], [0], [0], [1], [0, 0, 1, 1], [], []>, transpose_lhs_hint = false} : vector<1000x128xf32>, vector<128x128xf32>, vector<1000x128xf32> -> vector<1000x128xf32>
    %add3A_49 = arith.addf %dot_general3A_40, %dot_general3A_48 : vector<1000x128xf32>
    %mul3A_50 = arith.mulf %get3A_1, %add3A_49 : vector<1000x128xf32>
    %swap3A = arith.constant 0 : index
    %swap3A_51 = arith.constant 0 : index
    %swap3A_52 = vector.load %arg9[%swap3A, %swap3A_51] : memref<1000x128xf32, #tpu.memory_space<vmem>>, vector<1000x128xf32>
    tpu.vector_store %arg9[%swap3A, %swap3A_51], %mul3A_50 {strides = array<i32>} : memref<1000x128xf32, #tpu.memory_space<vmem>>, vector<1000x128xf32>,
    return
  }
  func.func @transform_0(%arg0: i32, %arg1: i32) -> (i32, i32) {
    %c0_i32 = arith.constant 0 : i32
    %c0_i32_0 = arith.constant 0 : i32
    return %arg1, %c0_i32 : i32, i32
  }
  func.func @transform_1(%arg0: i32, %arg1: i32) -> (i32, i32) {
    %add3A = arith.constant 10 : i32
    %add3A_0 = arith.addi %add3A, %arg1 : i32
    %c0_i32 = arith.constant 0 : i32
    %c0_i32_1 = arith.constant 0 : i32
    return %add3A_0, %c0_i32 : i32, i32
  }
  func.func @transform_2(%arg0: i32, %arg1: i32) -> (i32, i32) {
    %c0_i32 = arith.constant 0 : i32
    %c0_i32_0 = arith.constant 0 : i32
    return %arg1, %c0_i32 : i32, i32
  }
  func.func @transform_3(%arg0: i32, %arg1: i32) -> (i32, i32) {
    %add3A = arith.constant 10 : i32
    %add3A_0 = arith.addi %add3A, %arg1 : i32
    %c0_i32 = arith.constant 0 : i32
    %c0_i32_1 = arith.constant 0 : i32
    return %add3A_0, %c0_i32 : i32, i32
  }
  func.func @transform_4(%arg0: i32, %arg1: i32) -> (i32, i32) {
    %c0_i32 = arith.constant 0 : i32
    %c0_i32_0 = arith.constant 0 : i32
    return %arg1, %c0_i32 : i32, i32
  }
  func.func @transform_5(%arg0: i32, %arg1: i32) -> (i32, i32) {
    %c0_i32 = arith.constant 0 : i32
    %c0_i32_0 = arith.constant 0 : i32
    %c0_i32_1 = arith.constant 0 : i32
    return %c0_i32, %c0_i32_0 : i32, i32
  }
  func.func @transform_6(%arg0: i32, %arg1: i32) -> (i32, i32, i32, i32) {
    %c0_i32 = arith.constant 0 : i32
    %c0_i32_0 = arith.constant 0 : i32
    %c0_i32_1 = arith.constant 0 : i32
    %c0_i32_2 = arith.constant 0 : i32
    return %arg0, %c0_i32, %c0_i32_0, %c0_i32_1 : i32, i32, i32, i32
  }
  func.func @transform_7(%arg0: i32, %arg1: i32) -> (i32, i32) {
    %mul3A = arith.constant 10 : i32
    %mul3A_0 = arith.muli %arg0, %mul3A : i32
    %add3A = arith.addi %mul3A_0, %arg1 : i32
    %c0_i32 = arith.constant 0 : i32
    %c0_i32_1 = arith.constant 0 : i32
    return %add3A, %c0_i32 : i32, i32
  }
}

module attributes {stable_mosaic.version = 14 : i64} {
  func.func @_tcfin_body(%arg0: i32, %arg1: memref<1000x128xf32, #tpu.memory_space<vmem>>, %arg2: memref<1000x128xf32, #tpu.memory_space<vmem>>, %arg3: memref<1000x128xf32, #tpu.memory_space<vmem>>, %arg4: memref<1000x128xf32, #tpu.memory_space<vmem>>, %arg5: memref<1000x128xf32, #tpu.memory_space<vmem>>, %arg6: memref<2x128xf32, #tpu.memory_space<vmem>>, %arg7: memref<256x256xf32, #tpu.memory_space<vmem>>, %arg8: memref<1x256xf32, #tpu.memory_space<vmem>>, %arg9: memref<256x128xf32, #tpu.memory_space<vmem>>, %arg10: memref<1x128xf32, #tpu.memory_space<vmem>>, %arg11: memref<1000x128xf32, #tpu.memory_space<vmem>>) attributes {dimension_semantics = [#tpu.dimension_semantics<arbitrary>], iteration_bounds = array<i64: 10>, scalar_prefetch = 0 : i64, scratch_operands = 0 : i64, tpu.core_type = #tpu.core_type<tc>, window_params = [{transform_indices = @transform_0, window_bounds = array<i64: 1000, 128>}, {transform_indices = @transform_1, window_bounds = array<i64: 1000, 128>}, {transform_indices = @transform_2, window_bounds = array<i64: 1000, 128>}, {transform_indices = @transform_3, window_bounds = array<i64: 1000, 128>}, {transform_indices = @transform_4, window_bounds = array<i64: 1000, 128>}, {pipeline_mode = #tpu.pipeline_mode<synchronous>, transform_indices = @transform_5, window_bounds = array<i64: 2, 128>}, {pipeline_mode = #tpu.pipeline_mode<synchronous>, transform_indices = @transform_6, window_bounds = array<i64: 256, 256>}, {pipeline_mode = #tpu.pipeline_mode<synchronous>, transform_indices = @transform_7, window_bounds = array<i64: 1, 256>}, {pipeline_mode = #tpu.pipeline_mode<synchronous>, transform_indices = @transform_8, window_bounds = array<i64: 256, 128>}, {pipeline_mode = #tpu.pipeline_mode<synchronous>, transform_indices = @transform_9, window_bounds = array<i64: 1, 128>}, {transform_indices = @transform_10, window_bounds = array<i64: 1000, 128>}]} {
    %get3A = arith.constant 0 : index
    %get3A_0 = arith.constant 0 : index
    %get3A_1 = vector.load %arg5[%get3A, %get3A_0] : memref<1000x128xf32, #tpu.memory_space<vmem>>, vector<1000x128xf32>
    %get3A_2 = arith.constant 0 : index
    %get3A_3 = arith.constant 0 : index
    %get3A_4 = vector.load %arg1[%get3A_2, %get3A_3] : memref<1000x128xf32, #tpu.memory_space<vmem>>, vector<1000x128xf32>
    %get3A_5 = arith.constant 0 : index
    %get3A_6 = arith.constant 0 : index
    %get3A_7 = vector.load %arg3[%get3A_5, %get3A_6] : memref<1000x128xf32, #tpu.memory_space<vmem>>, vector<1000x128xf32>
    %add3A = arith.addf %get3A_4, %get3A_7 : vector<1000x128xf32>
    %mul3A = arith.mulf %get3A_1, %add3A : vector<1000x128xf32>
    %get3A_8 = arith.constant 0 : index
    %get3A_9 = arith.constant 0 : index
    %get3A_10 = vector.load %arg6[%get3A_8, %get3A_9] : memref<2x128xf32, #tpu.memory_space<vmem>>, vector<1x128xf32>
    %get3A_11 = vector.shape_cast %get3A_10 : vector<1x128xf32> to vector<128xf32>
    %broadcast_in_dim3A = vector.shape_cast %get3A_11 : vector<128xf32> to vector<1x128xf32>
    %add3A_12 = vector.broadcast %broadcast_in_dim3A : vector<1x128xf32> to vector<1000x128xf32>
    %add3A_13 = arith.addf %mul3A, %add3A_12 : vector<1000x128xf32>
    %max3A = arith.constant 0.000000e+00 : f32
    %max3A_14 = vector.broadcast %max3A : f32 to vector<1000x128xf32>
    %max3A_15 = arith.maximumf %add3A_13, %max3A_14 : vector<1000x128xf32>
    %get3A_16 = arith.constant 0 : index
    %get3A_17 = arith.constant 0 : index
    %get3A_18 = vector.load %arg2[%get3A_16, %get3A_17] : memref<1000x128xf32, #tpu.memory_space<vmem>>, vector<1000x128xf32>
    %get3A_19 = arith.constant 0 : index
    %get3A_20 = arith.constant 0 : index
    %get3A_21 = vector.load %arg4[%get3A_19, %get3A_20] : memref<1000x128xf32, #tpu.memory_space<vmem>>, vector<1000x128xf32>
    %add3A_22 = arith.addf %get3A_18, %get3A_21 : vector<1000x128xf32>
    %mul3A_23 = arith.mulf %get3A_1, %add3A_22 : vector<1000x128xf32>
    %get3A_24 = arith.constant 1 : index
    %get3A_25 = arith.constant 0 : index
    %get3A_26 = vector.load %arg6[%get3A_24, %get3A_25] : memref<2x128xf32, #tpu.memory_space<vmem>>, vector<1x128xf32>
    %get3A_27 = vector.shape_cast %get3A_26 : vector<1x128xf32> to vector<128xf32>
    %broadcast_in_dim3A_28 = vector.shape_cast %get3A_27 : vector<128xf32> to vector<1x128xf32>
    %add3A_29 = vector.broadcast %broadcast_in_dim3A_28 : vector<1x128xf32> to vector<1000x128xf32>
    %add3A_30 = arith.addf %mul3A_23, %add3A_29 : vector<1000x128xf32>
    %max3A_31 = arith.constant 0.000000e+00 : f32
    %max3A_32 = vector.broadcast %max3A_31 : f32 to vector<1000x128xf32>
    %max3A_33 = arith.maximumf %add3A_30, %max3A_32 : vector<1000x128xf32>
    %get3A_34 = arith.constant 0 : index
    %get3A_35 = arith.constant 0 : index
    %get3A_36 = vector.load %arg7[%get3A_34, %get3A_35] : memref<256x256xf32, #tpu.memory_space<vmem>>, vector<128x256xf32>
    %dot_general3A = arith.constant dense<0.000000e+00> : vector<1000x256xf32>
    %dot_general3A_37 = tpu.matmul %max3A_15, %get3A_36, %dot_general3A {dimension_numbers = #tpu.dot_dimension_numbers<[1], [0], [0], [1], [0, 0, 1, 1], [], []>, transpose_lhs_hint = false} : vector<1000x128xf32>, vector<128x256xf32>, vector<1000x256xf32> -> vector<1000x256xf32>
    %get3A_38 = arith.constant 128 : index
    %get3A_39 = arith.constant 0 : index
    %get3A_40 = vector.load %arg7[%get3A_38, %get3A_39] : memref<256x256xf32, #tpu.memory_space<vmem>>, vector<128x256xf32>
    %dot_general3A_41 = arith.constant dense<0.000000e+00> : vector<1000x256xf32>
    %dot_general3A_42 = tpu.matmul %max3A_33, %get3A_40, %dot_general3A_41 {dimension_numbers = #tpu.dot_dimension_numbers<[1], [0], [0], [1], [0, 0, 1, 1], [], []>, transpose_lhs_hint = false} : vector<1000x128xf32>, vector<128x256xf32>, vector<1000x256xf32> -> vector<1000x256xf32>
    %add3A_43 = arith.addf %dot_general3A_37, %dot_general3A_42 : vector<1000x256xf32>
    %get3A_44 = arith.constant 0 : index
    %get3A_45 = arith.constant 0 : index
    %get3A_46 = vector.load %arg8[%get3A_44, %get3A_45] : memref<1x256xf32, #tpu.memory_space<vmem>>, vector<1x256xf32>
    %get3A_47 = vector.shape_cast %get3A_46 : vector<1x256xf32> to vector<256xf32>
    %broadcast_in_dim3A_48 = vector.shape_cast %get3A_47 : vector<256xf32> to vector<1x256xf32>
    %add3A_49 = vector.broadcast %broadcast_in_dim3A_48 : vector<1x256xf32> to vector<1000x256xf32>
    %add3A_50 = arith.addf %add3A_43, %add3A_49 : vector<1000x256xf32>
    %get3A_51 = arith.constant 0 : index
    %get3A_52 = arith.constant 0 : index
    %get3A_53 = vector.load %arg9[%get3A_51, %get3A_52] : memref<256x128xf32, #tpu.memory_space<vmem>>, vector<256x128xf32>
    %dot_general3A_54 = arith.constant dense<0.000000e+00> : vector<1000x128xf32>
    %dot_general3A_55 = tpu.matmul %add3A_50, %get3A_53, %dot_general3A_54 {dimension_numbers = #tpu.dot_dimension_numbers<[1], [0], [0], [1], [0, 0, 1, 1], [], []>, transpose_lhs_hint = false} : vector<1000x256xf32>, vector<256x128xf32>, vector<1000x128xf32> -> vector<1000x128xf32>
    %get3A_56 = arith.constant 0 : index
    %get3A_57 = arith.constant 0 : index
    %get3A_58 = vector.load %arg10[%get3A_56, %get3A_57] : memref<1x128xf32, #tpu.memory_space<vmem>>, vector<1x128xf32>
    %get3A_59 = vector.shape_cast %get3A_58 : vector<1x128xf32> to vector<128xf32>
    %broadcast_in_dim3A_60 = vector.shape_cast %get3A_59 : vector<128xf32> to vector<1x128xf32>
    %add3A_61 = vector.broadcast %broadcast_in_dim3A_60 : vector<1x128xf32> to vector<1000x128xf32>
    %add3A_62 = arith.addf %dot_general3A_55, %add3A_61 : vector<1000x128xf32>
    %swap3A = arith.constant 0 : index
    %swap3A_63 = arith.constant 0 : index
    %swap3A_64 = vector.load %arg11[%swap3A, %swap3A_63] : memref<1000x128xf32, #tpu.memory_space<vmem>>, vector<1000x128xf32>
    tpu.vector_store %arg11[%swap3A, %swap3A_63], %add3A_62 {strides = array<i32>} : memref<1000x128xf32, #tpu.memory_space<vmem>>, vector<1000x128xf32>,
    return
  }
  func.func @transform_0(%arg0: i32) -> (i32, i32) {
    %c0_i32 = arith.constant 0 : i32
    %c0_i32_0 = arith.constant 0 : i32
    return %arg0, %c0_i32 : i32, i32
  }
  func.func @transform_1(%arg0: i32) -> (i32, i32) {
    %add3A = arith.constant 10 : i32
    %add3A_0 = arith.addi %add3A, %arg0 : i32
    %c0_i32 = arith.constant 0 : i32
    %c0_i32_1 = arith.constant 0 : i32
    return %add3A_0, %c0_i32 : i32, i32
  }
  func.func @transform_2(%arg0: i32) -> (i32, i32) {
    %c0_i32 = arith.constant 0 : i32
    %c0_i32_0 = arith.constant 0 : i32
    return %arg0, %c0_i32 : i32, i32
  }
  func.func @transform_3(%arg0: i32) -> (i32, i32) {
    %add3A = arith.constant 10 : i32
    %add3A_0 = arith.addi %add3A, %arg0 : i32
    %c0_i32 = arith.constant 0 : i32
    %c0_i32_1 = arith.constant 0 : i32
    return %add3A_0, %c0_i32 : i32, i32
  }
  func.func @transform_4(%arg0: i32) -> (i32, i32) {
    %c0_i32 = arith.constant 0 : i32
    %c0_i32_0 = arith.constant 0 : i32
    return %arg0, %c0_i32 : i32, i32
  }
  func.func @transform_5(%arg0: i32) -> (i32, i32) {
    %c0_i32 = arith.constant 0 : i32
    %c0_i32_0 = arith.constant 0 : i32
    %c0_i32_1 = arith.constant 0 : i32
    return %c0_i32, %c0_i32_0 : i32, i32
  }
  func.func @transform_6(%arg0: i32) -> (i32, i32) {
    %c0_i32 = arith.constant 0 : i32
    %c0_i32_0 = arith.constant 0 : i32
    %c0_i32_1 = arith.constant 0 : i32
    return %c0_i32, %c0_i32_0 : i32, i32
  }
  func.func @transform_7(%arg0: i32) -> (i32, i32) {
    %c0_i32 = arith.constant 0 : i32
    %c0_i32_0 = arith.constant 0 : i32
    %c0_i32_1 = arith.constant 0 : i32
    return %c0_i32, %c0_i32_0 : i32, i32
  }
  func.func @transform_8(%arg0: i32) -> (i32, i32) {
    %c0_i32 = arith.constant 0 : i32
    %c0_i32_0 = arith.constant 0 : i32
    %c0_i32_1 = arith.constant 0 : i32
    return %c0_i32, %c0_i32_0 : i32, i32
  }
  func.func @transform_9(%arg0: i32) -> (i32, i32) {
    %c0_i32 = arith.constant 0 : i32
    %c0_i32_0 = arith.constant 0 : i32
    %c0_i32_1 = arith.constant 0 : i32
    return %c0_i32, %c0_i32_0 : i32, i32
  }
  func.func @transform_10(%arg0: i32) -> (i32, i32) {
    %c0_i32 = arith.constant 0 : i32
    %c0_i32_0 = arith.constant 0 : i32
    return %arg0, %c0_i32 : i32, i32
  }
}

</mosaic_0001>

<sc_bundles>
// kernel: kernel.10.cloned.1.call-start
scs
__scs_entry_jumppad:
0x0: {  	(pc) =	sbr.rel $0x88, $3  }
0x1: {  	(tag) =	ssettag $0x0;
	lr =	simm.s32 $0x1  }
0x2: {  	[smem:$0x3F95] =	sst lr;
	_ =	strace $0xD0000000  }
0x3: {  	_ = 	snop  }
0x4: {  	_ = 	snop  }
0x5: {  	_ = 	snop  }
0x6: {  	_ = 	snop  }
0x7: {  	_ = 	snop  }
__scs_overlays_trampoline_lowered:
0x8: {  	[smem:$0x3FA4] =	sst s0  }
0x9: {  	[smem:$0x3FA5] =	sst s1  }
0xa: {  	[smem:$0x3FA6] =	sst s2  }
0xb: {  	[smem:$0x3FA7] =	sst s3  }
0xc: {  	[smem:$0x3FA8] =	sst s4  }
0xd: {  	[smem:$0x3FA9] =	sst s5  }
0xe: {  	[smem:$0x3FAA] =	sst s6  }
0xf: {  	[smem:$0x3FAB] =	sst s7  }
0x10: {  	[smem:$0x3FAC] =	sst s8  }
0x11: {  	[smem:$0x3FAD] =	sst s9;
	s0 =	simm.s32 @!p0 $0x0  }
0x12: {  	s1 =	sld [smem:$0x3F93];
	s0 =	simm.s32 @p0 $0x1  }
0x13: {  	[smem:$0x3FAE] =	sst s0;
	s0 =	simm.s32 @!p1 $0x0  }
0x14: {  	s2 =	sld [smem:$0x3F92];
	s0 =	simm.s32 @p1 $0x1  }
0x15: {  	[smem:$0x3FAF] =	sst s0;
	s0 =	simm.s32 @!p2 $0x0  }
0x16: {  	s3 =	sld [smem:$0x3FDB];
	s0 =	simm.s32 @p2 $0x1  }
0x17: {  	s4 =	simm.s32 $0x1BF5;
	[smem:$0x3FB1] =	sst s0  }
0x18: {  	s0 =	sld [smem:$0x3F94];
	_ =	swait.ge [sflag:s4], $0x0  }
0x19: {  	s7 =	sld [smem:$0x3F95]  }
0x1a: {  	s8 =	sadd.s32 $0xFFFFE003, lr  }
0x1b: {  	s9 =	sadd.s32 $0xFFFFFEF7, lr;
	s5 =	simm.s32 $0xFFFFFFFF;
	p2 =	slt.u32 s8, $0xFFFFF086  }
0x1c: {  	p1 =	slt.u32 s9, $0xF7A;
	s5 =	simm.s32 @!p2 $0x0  }
0x1d: {  	s5 =	simm.s32 @p1 $0x1;
	p0 =	seq.s32 s7, s2  }
0x1e: {  	s7 =	smul.u32 @!p0 $0xF7A, s2;
	p2 =	seq.s32 @!p0 s5, $0x0  }
0x1f: {  	s9 =	smul.u32 $0xF7A, s1;
	s8 =	simm.s32 @!p0 $0x1BF5;
	p2 =	por !p2, p0  }
0x20: {  	[sflag:s8] =	ssyncset.s32 @!p0 $0xFFFFF086;
	s6 =	sadd.s32 @!p0 s3, s7;
	s7 =	simm.s32 @!p0 $0x108  }
0x21: {  	s3 =	sadd.s32 s3, s9;
	s6 =	sadd.s32 @!p0 $0x88, s6;
	s7 =	simm.s32 @p2 $0x1082  }
0x22: {  	[simem:s7], [sflag:s8] =	dma.local @!p0 [hbm:s6], $0xF7A  }
0x23: {  	s9 =	sor.u32 $0xD0000000, s2;
	s6 =	simm.s32 $0x108;
	_ =	swait.ge @!p0 [sflag:s8], $0x0  }
0x24: {  	s3 =	sadd.s32 $0x88, s3;
	s6 =	simm.s32 @!p1 $0x1082;
	[sflag:s4] =	ssyncset.s32 $0xFFFFF086  }
0x25: {  	[simem:s6], [sflag:s4] =	dma.local [hbm:s3], $0xF7A  }
0x26: {  	[smem:$0x3F95] =	sst s1;
	(tag) =	ssettag s2;
	_ =	strace s9  }
0x27: {  	s1 =	sld [smem:$0x3FA5]  }
0x28: {  	s2 =	sld [smem:$0x3FA6]  }
0x29: {  	s4 =	sld [smem:$0x3FA8]  }
0x2a: {  	p0 =	seq.s32 s5, $0x0;
	s5 =	sld [smem:$0x3FA9]  }
0x2b: {  	s6 =	sld [smem:$0x3FAA]  }
0x2c: {  	s7 =	sld [smem:$0x3FAB]  }
0x2d: {  	s3 =	simm.s32 $0x108;
	s8 =	sld [smem:$0x3FAC]  }
0x2e: {  	s3 =	simm.s32 @!p0 $0x1082;
	s9 =	sld [smem:$0x3FAD]  }
0x2f: {  	lr =	sadd.s32 s0, s3;
	s0 =	sld [smem:$0x3FA4]  }
0x30: {  	s3 =	sld [smem:$0x3FA7]  }
0x31: {  	[smem:$0x3FB0] =	sst s10  }
0x32: {  	s10 =	sld [smem:$0x3FAE];
	_ =	sdelay $0x3  }
0x33: {  	p0 =	seq.s32 s10, $0x1;
	s10 =	sld [smem:$0x3FB0];
	_ =	sdelay $0x3  }
0x34: {  	[smem:$0x3FB0] =	sst s10  }
0x35: {  	s10 =	sld [smem:$0x3FAF];
	_ =	sdelay $0x3  }
0x36: {  	p1 =	seq.s32 s10, $0x1;
	s10 =	sld [smem:$0x3FB0];
	_ =	sdelay $0x3  }
0x37: {  	[smem:$0x3FB0] =	sst s10  }
0x38: {  	s10 =	sld [smem:$0x3FB1]  }
0x39: {  	_ = 	snop;
	(pc) =	sbr.ind lr, $3  }
0x3a: {  	_ = 	snop  }
0x3b: {  	_ = 	snop  }
0x3c: {  	p2 =	seq.s32 s10, $0x1;
	s10 =	sld [smem:$0x3FB0]  }
0x3d: {  	_ =	shalt  }
0x3e: {  	_ =	shalt  }
0x3f: {  	_ =	shalt  }
0x40: {  	_ =	shalt  }
0x41: {  	_ =	shalt  }
0x42: {  	_ =	shalt  }
0x43: {  	_ =	shalt  }
0x44: {  	_ =	shalt  }
0x45: {  	_ =	shalt  }
0x46: {  	_ =	shalt  }
0x47: {  	_ =	shalt  }
0x48: {  	_ =	shalt  }
0x49: {  	_ =	shalt  }
0x4a: {  	_ =	shalt  }
0x4b: {  	_ =	shalt  }
0x4c: {  	_ =	shalt  }
0x4d: {  	_ =	shalt  }
0x4e: {  	_ =	shalt  }
0x4f: {  	_ =	shalt  }
0x50: {  	_ =	shalt  }
0x51: {  	_ =	shalt  }
0x52: {  	_ =	shalt  }
0x53: {  	_ =	shalt  }
0x54: {  	_ =	shalt  }
0x55: {  	_ =	shalt  }
0x56: {  	_ =	shalt  }
0x57: {  	_ =	shalt  }
0x58: {  	_ =	shalt  }
0x59: {  	_ =	shalt  }
0x5a: {  	_ =	shalt  }
0x5b: {  	_ =	shalt  }
0x5c: {  	_ =	shalt  }
0x5d: {  	_ =	shalt  }
0x5e: {  	_ =	shalt  }
0x5f: {  	_ =	shalt  }
0x60: {  	_ =	shalt  }
0x61: {  	_ =	shalt  }
0x62: {  	_ =	shalt  }
0x63: {  	_ =	shalt  }
0x64: {  	_ =	shalt  }
0x65: {  	_ =	shalt  }
0x66: {  	_ =	shalt  }
0x67: {  	_ =	shalt  }
0x68: {  	_ =	shalt  }
0x69: {  	_ =	shalt  }
0x6a: {  	_ =	shalt  }
0x6b: {  	_ =	shalt  }
0x6c: {  	_ =	shalt  }
0x6d: {  	_ =	shalt  }
0x6e: {  	_ =	shalt  }
0x6f: {  	_ =	shalt  }
0x70: {  	_ =	shalt  }
0x71: {  	_ =	shalt  }
0x72: {  	_ =	shalt  }
0x73: {  	_ =	shalt  }
0x74: {  	_ =	shalt  }
0x75: {  	_ =	shalt  }
0x76: {  	_ =	shalt  }
0x77: {  	_ =	shalt  }
0x78: {  	_ =	shalt  }
0x79: {  	_ =	shalt  }
0x7a: {  	_ =	shalt  }
0x7b: {  	_ =	shalt  }
0x7c: {  	_ =	shalt  }
0x7d: {  	_ =	shalt  }
0x7e: {  	_ =	shalt  }
0x7f: {  	_ =	shalt  }
0x80: {  	_ =	shalt  }
0x81: {  	_ =	shalt  }
0x82: {  	_ =	shalt  }
0x83: {  	_ =	shalt  }
0x84: {  	_ =	shalt  }
0x85: {  	_ =	shalt  }
0x86: {  	_ =	shalt  }
0x87: {  	_ =	shalt  }
.Lfunc_end0:
.L_simem_size_0:
called_computation_lowered:
.L_overlay_start_0:
0x88: {  	s2 =	sld [smem:$0x3FD9]  }
0x89: {  	s3 =	sld [smem:$0x3FFE];
	_ =	sdelay $0x1  }
0x8a: {  	s1 =	srdreg.scid  }
0x8b: {  	s0 =	sand.u32 $0x1, s1  }
0x8c: {  	s16 =	sshll.u32 s0, $0xA;
	s2 =	sadd.s32 s3, s2  }
0x8d: {  	s2 =	sadd.s32 s2, s16  }
0x8e: {  	[smem:$0x3FBC] =	sst s2  }
0x8f: {  	_ = 	snop  }
0x90: {  	(tm) =	ssettm $0x1  }
0x91: {  	s17 =	sld [smem:$0x3FFB];
	_ =	sdelay $0x3  }
0x92: {  	_ =	strace s17  }
0x93: {  	s2 =	sld [smem:$0x3FFC];
	_ =	sdelay $0x3  }
0x94: {  	_ =	strace s2  }
0x95: {  	s2 =	sld [smem:$0x3FFD];
	_ =	sdelay $0x3  }
0x96: {  	_ =	strace s2  }
0x97: {  	_ =	strace $0x8FFFFFFF  }
0x98: {  	s18 =	sld [smem:$0x3FDB];
	_ =	sdelay $0x1  }
0x99: {  	s19 =	simm.s32 $_scs_section_size  }
0x9a: {  	s4 =	simm.s32 $_size__tile_overlayer_lowered;
	s5 =	simm.s32 $_tile_overlayer_lowered  }
0x9b: {  	s22 =	simm.s32 $0x1BFF;
	s21 =	sshll.u32 s5, $0x1;
	s2 =	sadd.s32 s19, s18  }
0x9c: {  	s6 =	simm.s32 $0x0;
	s20 =	sshll.u32 s4, $0x1;
	s4 =	sadd.s32 s21, s2  }
0x9d: {  	[timem:s6], [sflag:s22] =	dma.local [hbm:s4], s20  }
0x9e: {  	_ =	swait.ge [sflag:s22], s20  }
0x9f: {  	s3 =	ssub.s32 $0x0, s20;
	[sflag:s22] =	ssyncset.done $0x0  }
0xa0: {  	[sflag:s22] =	ssyncadd.s32 s3;
	_ =	sdelay $0x1  }
0xa1: {  	s23 =	simm.s32 $0x1B8B  }
0xa2: {  	_ =	swait.ge [sflag:s23], $0x1  }
0xa3: {  	[sflag:s23] =	ssyncset.done $0x0  }
0xa4: {  	s25 =	simm.s32 $0x1B8E;
	s24 =	sld [smem:$0x3FFE];
	[sflag:s23] =	ssyncadd.s32 $0xFFFFFFFF  }
0xa5: {  	s26 =	simm.s32 $execute0_lowered;
	[smem:$0x3FD2] =	sst s25  }
0xa6: {  	s4 =	sshll.u32 s26, $0x1;
	_ =	strace $0x80000046;
	[dreg:$0x1] =	wrdreg $0xFFFFFFFF  }
0xa7: {  	s28 =	simm.s32 $_size_execute0_lowered;
	s2 =	sadd.s32 s2, s4;
	[dreg:$0x0] =	wrdreg $0x0  }
0xa8: {  	s4 =	sshll.u32 s28, $0x1;
	[dreg:$0x2] =	wrdreg s2  }
0xa9: {  	[dreg:$0x3] =	wrdreg s4  }
0xaa: {  	[dreg:$0x4] =	wrdreg $0xC0  }
0xab: {  	_ =	task [dreg:s6], $0x5FFFF  }
0xac: {  	[dreg:$0x1] =	wrdreg $0xFFFFFFFF  }
0xad: {  	[dreg:$0x0] =	wrdreg $0x60  }
0xae: {  	[dreg:$0x2] =	wrdreg s24  }
0xaf: {  	[dreg:$0x3] =	wrdreg $0x68000  }
0xb0: {  	[dreg:$0x4] =	wrdreg $0x9  }
0xb1: {  	_ =	task.clear_ibuf [dreg:s6], $0x5FFFF;
	_ =	strace $0x90000046  }
0xb2: {  	s29 =	simm.s32 $0x9;
	_ =	strace $0x80000048  }
0xb3: {  	_ =	swait.ge [sflag:s29], $0x1  }
0xb4: {  	[sflag:s29] =	ssyncadd.s32 $0xFFFFFFFF  }
0xb5: {  	_ =	strace $0x90000048  }
0xb6: {  	_ =	sfence  }
0xb7: {  	s30 =	sld [smem:$0x0];
	_ =	sdelay $0x2  }
0xb8: {  	s31 =	sshll.u32 s1, $0xD;
	s1 =	sshrl.u32 s1, $0x2  }
0xb9: {  	s3 =	sand.u32 $0x4000, s31;
	s1 =	sadd.s32 s1, s30  }
0xba: {  	s0 =	sor.u32 s3, s0;
	s1 =	sshll.u32 s1, $0x11  }
0xbb: {  	s0 =	sor.u32 s1, s0  }
0xbc: {  	s0 =	sadd.s32 $0x8F2B, s0  }
0xbd: {  	[sflag:s0] =	ssyncadd.remote.s32 $0x1  }
0xbe: {  	_ =	sfence.sel $0xFFFF  }
0xbf: {  	[dreg:$0x0] =	wrdreg $0xFFFFFFFF;
	(pc) =	sbr.abs _section_cstart, $3  }
0xc0: {  	[dreg:$0x1] =	wrdreg $0xFFFFFFFF  }
0xc1: {  	_ =	task.clear_ibuf [dreg:s6], $0x2FFFF;
	_ =	strace $0x9FFFFFFF  }
0xc2: {  	(tm) =	ssettm $0x7FFFFFFF  }
0xc3: {  	_ =	shalt  }
tec
execute0_lowered:
.L_overlay_start_1:
0x0: {  	(tag) =	ssettag $0x1  }
0x1: {  	s0 =	srdreg.scid;
	s6 =	rddreg [dreg:$0x0]  }
0x2: {  	s2 =	rddreg [dreg:$0x1];
	s5 =	sand.u32 $0x1, s0  }
0x3: {  	s0 =	stileid.u32;
	s4 =	smul.u32 $0x28000, s5  }
0x4: {  	s1 =	rddreg [dreg:$0x2];
	s3 =	simm.s32 $0x0;
	s7 =	smul.u32 $0x2800, s0  }
0x5: {  	s15 =	simm.s32 $0x1;
	s18 =	simm.s32 $0x0;
	s8 =	smul.u32 $0x50000, s0  }
0x6: {  	[smem:$0x7FF] =	sst s3;
	s13 =	sadd.s32 $0x10400, s6;
	s10 =	smul.u32 $0x138800, s5  }
0x7: {  	s17 =	sadd.s32 $0x138000, s2;
	_ =	strace $0x80000047;
	s12 =	smul.u32 $0x13800, s0  }
0x8: {  	s9 =	ssub.s32 $0x2, s5;
	s5 =	sadd.s32 $0xD400, s6;
	s26 =	smul.u32 $0x4E000, s0  }
0x9: {  	s31 =	sshll.u32 s0, $0x6;
	p0 =	sne.s32 s0, $0xF;
	s11 =	sshrl.u32 s9, $0x1  }
0xa: {  	s17 =	sshrl.u32 @!p0 s17, $0x3;
	s4 =	sadd.s32 s7, s4;
	s9 =	ssub.s32 s9, s11  }
0xb: {  	s24 =	sshrl.u32 s8, $0x2;
	s25 =	sadd.s32 s12, s10;
	s29 =	sshrl.u32 s10, $0x3  }
0xc: {  	s30 =	sshrl.u32 s26, $0x2;
	s10 =	simm.s32 $0x2;
	s11 =	simm.s32 $0x2800  }
0xd: {  	s12 =	sor.u32 $0x1C02, s31;
	s4 =	sshrl.u32 s4, $0x3;
	s14 =	sadd.s32 s24, s2  }
0xe: {  	s28 =	sshrl.u32 s25, $0x3;
	s8 =	sadd.s32 s13, s29;
	s16 =	sadd.s32 s30, s2  }
0xf: {  	s9 =	smax.u32 s9, $0x1;
	s23 =	sadd.s32 s4, s6;
	s4 =	sadd.s32 $0xFC00, s6  }
0x10: {  	s7 =	sadd.s32 s13, s28;
	s8 =	sadd.s32 $0x27000, s8;
	s13 =	sshrl.u32 s14, $0x3  }
0x11: {  	s14 =	simm.s32 $0x80;
	s16 =	sshrl.u32 s16, $0x3;
	s6 =	sadd.s32 $0x3400, s23  }
.LBB2_1:
0x12: {  	[tilespmem:s3], [sflag:$0x2] =	stream.linear.gather [hbm4b:s6+s3], $0x2800, $0x38;
	[tilespmem:$0x1A800] =	vst v63  }
0x13: {  	_ =	swait.ge [sflag:s10], $0x2800  }
0x14: {  	[sflag:s10] =	ssyncset.done $0x0  }
0x15: {  	[sflag:s10] =	ssyncadd.s32 $0xFFFFD800  }
0x16: {  	[tilespmem:s11], [sflag:$0x2] =	stream.linear.gather [hbm4b:s4+s3], $0x4000, $0x38;
	[tilespmem:$0x1A800] =	vst v63  }
0x17: {  	_ =	swait.ge [sflag:s10], $0x4000  }
0x18: {  	[sflag:s10] =	ssyncset.done $0x0  }
0x19: {  	[sflag:s10] =	ssyncadd.s32 $0xFFFFC000  }
0x1a: {  	[spmem:s13], [sflag:s12] =	dma.local [hbm:s5], $0x2800  }
0x1b: {  	_ =	swait.ge [sflag:s10], $0x2800  }
0x1c: {  	[sflag:s10] =	ssyncset.done $0x0  }
0x1d: {  	[sflag:s10] =	ssyncadd.s32 $0xFFFFD800  }
0x1e: {  	s19 =	simm.s32 $0x0;
	[bflag:$0x0] =	sbarrier.arrive $0xFFFF  }
0x1f: {  	[spmem:s2] =	stream.indirect.scatter.add.f32 [tilespmem:s11], [sflag:$0x1], $0x80, s19, s14, $0xb8;
	[tilespmem:$0x1A800] =	vst v63  }
0x20: {  	s24 =	simm.s32 $0x80  }
0x21: {  	[spmem:s2] =	stream.indirect.scatter.add.f32 [tilespmem:s11], [sflag:$0x1], $0x80, s24, s14, $0xb8;
	[tilespmem:$0x1A800] =	vst v63  }
0x22: {  	s25 =	simm.s32 $0x100  }
0x23: {  	[spmem:s2] =	stream.indirect.scatter.add.f32 [tilespmem:s11], [sflag:$0x1], $0x80, s25, s14, $0xb8;
	[tilespmem:$0x1A800] =	vst v63  }
0x24: {  	s26 =	simm.s32 $0x180  }
0x25: {  	[spmem:s2] =	stream.indirect.scatter.add.f32 [tilespmem:s11], [sflag:$0x1], $0x80, s26, s14, $0xb8;
	[tilespmem:$0x1A800] =	vst v63  }
0x26: {  	s28 =	simm.s32 $0x200  }
0x27: {  	[spmem:s2] =	stream.indirect.scatter.add.f32 [tilespmem:s11], [sflag:$0x1], $0x80, s28, s14, $0xb8;
	[tilespmem:$0x1A800] =	vst v63  }
0x28: {  	s29 =	simm.s32 $0x280  }
0x29: {  	[spmem:s2] =	stream.indirect.scatter.add.f32 [tilespmem:s11], [sflag:$0x1], $0x80, s29, s14, $0xb8;
	[tilespmem:$0x1A800] =	vst v63  }
0x2a: {  	s30 =	simm.s32 $0x300  }
0x2b: {  	[spmem:s2] =	stream.indirect.scatter.add.f32 [tilespmem:s11], [sflag:$0x1], $0x80, s30, s14, $0xb8;
	[tilespmem:$0x1A800] =	vst v63  }
0x2c: {  	s31 =	simm.s32 $0x380  }
0x2d: {  	[spmem:s2] =	stream.indirect.scatter.add.f32 [tilespmem:s11], [sflag:$0x1], $0x80, s31, s14, $0xb8;
	[tilespmem:$0x1A800] =	vst v63  }
0x2e: {  	_ =	swait.ge [sflag:s15], $0x4000  }
0x2f: {  	[sflag:s15] =	ssyncset.done $0x0  }
0x30: {  	[sflag:s15] =	ssyncadd.s32 $0xFFFFC000  }
0x31: {  	_ =	swait.ge [sflag:s15], $0x4000  }
0x32: {  	[sflag:s15] =	ssyncset.done $0x0  }
0x33: {  	[sflag:s15] =	ssyncadd.s32 $0xFFFFC000  }
0x34: {  	_ =	swait.ge [sflag:s15], $0x4000  }
0x35: {  	[sflag:s15] =	ssyncset.done $0x0  }
0x36: {  	[sflag:s15] =	ssyncadd.s32 $0xFFFFC000  }
0x37: {  	_ =	swait.ge [sflag:s15], $0x4000  }
0x38: {  	[sflag:s15] =	ssyncset.done $0x0  }
0x39: {  	[sflag:s15] =	ssyncadd.s32 $0xFFFFC000  }
0x3a: {  	_ =	swait.ge [sflag:s15], $0x4000  }
0x3b: {  	[sflag:s15] =	ssyncset.done $0x0  }
0x3c: {  	[sflag:s15] =	ssyncadd.s32 $0xFFFFC000  }
0x3d: {  	_ =	swait.ge [sflag:s15], $0x4000  }
0x3e: {  	[sflag:s15] =	ssyncset.done $0x0  }
0x3f: {  	[sflag:s15] =	ssyncadd.s32 $0xFFFFC000  }
0x40: {  	_ =	swait.ge [sflag:s15], $0x4000  }
0x41: {  	[sflag:s15] =	ssyncset.done $0x0  }
0x42: {  	[sflag:s15] =	ssyncadd.s32 $0xFFFFC000  }
0x43: {  	_ =	swait.ge [sflag:s15], $0x4000  }
0x44: {  	s21 =	simm.s32 $0x2000;
	s19 =	simm.s32 $0x1000;
	[sflag:s15] =	ssyncset.done $0x0  }
.LBB2_2:
0x45: {  	s22 =	sshra.s32 s19, $0x2  }
0x46: {  	[sflag:s15] =	ssyncadd.s32 $0xFFFFC000;
	s19 =	smov.u32 s21;
	s20 =	sadd.s32 $0x1000, s21  }
0x47: {  	[spmem:s2] =	stream.indirect.scatter.add.f32 [tilespmem:s11], [sflag:$0x1], $0x80, s22, s14, $0xb8;
	[tilespmem:$0x1A800] =	vst v63  }
0x48: {  	p1 =	sne.s32 s21, $0x9000;
	s21 =	sadd.s32 $0x80, s22  }
0x49: {  	[spmem:s2] =	stream.indirect.scatter.add.f32 [tilespmem:s11], [sflag:$0x1], $0x80, s21, s14, $0xb8;
	[tilespmem:$0x1A800] =	vst v63  }
0x4a: {  	s21 =	sadd.s32 $0x100, s22  }
0x4b: {  	[spmem:s2] =	stream.indirect.scatter.add.f32 [tilespmem:s11], [sflag:$0x1], $0x80, s21, s14, $0xb8;
	[tilespmem:$0x1A800] =	vst v63  }
0x4c: {  	s21 =	sadd.s32 $0x180, s22  }
0x4d: {  	[spmem:s2] =	stream.indirect.scatter.add.f32 [tilespmem:s11], [sflag:$0x1], $0x80, s21, s14, $0xb8;
	[tilespmem:$0x1A800] =	vst v63  }
0x4e: {  	s21 =	sadd.s32 $0x200, s22  }
0x4f: {  	[spmem:s2] =	stream.indirect.scatter.add.f32 [tilespmem:s11], [sflag:$0x1], $0x80, s21, s14, $0xb8;
	[tilespmem:$0x1A800] =	vst v63  }
0x50: {  	s21 =	sadd.s32 $0x280, s22  }
0x51: {  	[spmem:s2] =	stream.indirect.scatter.add.f32 [tilespmem:s11], [sflag:$0x1], $0x80, s21, s14, $0xb8;
	[tilespmem:$0x1A800] =	vst v63  }
0x52: {  	s21 =	sadd.s32 $0x300, s22  }
0x53: {  	[spmem:s2] =	stream.indirect.scatter.add.f32 [tilespmem:s11], [sflag:$0x1], $0x80, s21, s14, $0xb8;
	[tilespmem:$0x1A800] =	vst v63  }
0x54: {  	s21 =	sadd.s32 $0x380, s22  }
0x55: {  	[spmem:s2] =	stream.indirect.scatter.add.f32 [tilespmem:s11], [sflag:$0x1], $0x80, s21, s14, $0xb8;
	[tilespmem:$0x1A800] =	vst v63  }
0x56: {  	_ =	swait.ge [sflag:s15], $0x4000  }
0x57: {  	[sflag:s15] =	ssyncset.done $0x0  }
0x58: {  	[sflag:s15] =	ssyncadd.s32 $0xFFFFC000  }
0x59: {  	_ =	swait.ge [sflag:s15], $0x4000  }
0x5a: {  	[sflag:s15] =	ssyncset.done $0x0  }
0x5b: {  	[sflag:s15] =	ssyncadd.s32 $0xFFFFC000  }
0x5c: {  	_ =	swait.ge [sflag:s15], $0x4000  }
0x5d: {  	[sflag:s15] =	ssyncset.done $0x0  }
0x5e: {  	[sflag:s15] =	ssyncadd.s32 $0xFFFFC000  }
0x5f: {  	_ =	swait.ge [sflag:s15], $0x4000  }
0x60: {  	[sflag:s15] =	ssyncset.done $0x0  }
0x61: {  	[sflag:s15] =	ssyncadd.s32 $0xFFFFC000  }
0x62: {  	_ =	swait.ge [sflag:s15], $0x4000  }
0x63: {  	[sflag:s15] =	ssyncset.done $0x0  }
0x64: {  	[sflag:s15] =	ssyncadd.s32 $0xFFFFC000  }
0x65: {  	_ =	swait.ge [sflag:s15], $0x4000  }
0x66: {  	[sflag:s15] =	ssyncset.done $0x0  }
0x67: {  	[sflag:s15] =	ssyncadd.s32 $0xFFFFC000  }
.Ltmp0:
0x68: {  	_ =	swait.ge [sflag:s15], $0x4000;
	(pc) =	sbr.rel @p1 .LBB2_2-.Ltmp0, $4  }
0x69: {  	[sflag:s15] =	ssyncset.done $0x0  }
0x6a: {  	[sflag:s15] =	ssyncadd.s32 $0xFFFFC000  }
0x6b: {  	_ =	swait.ge [sflag:s15], $0x4000  }
0x6c: {  	s21 =	smov.u32 s20;
	[sflag:s15] =	ssyncset.done $0x0  }
0x6d: {  	s19 =	sshra.s32 s19, $0x2;
	[sflag:s15] =	ssyncadd.s32 $0xFFFFC000  }
0x6e: {  	[spmem:s2] =	stream.indirect.scatter.add.f32 [tilespmem:s11], [sflag:$0x1], $0x80, s19, s14, $0xb8;
	[tilespmem:$0x1A800] =	vst v63  }
0x6f: {  	s20 =	sadd.s32 $0x80, s19  }
0x70: {  	[spmem:s2] =	stream.indirect.scatter.add.f32 [tilespmem:s11], [sflag:$0x1], $0x80, s20, s14, $0xb8;
	[tilespmem:$0x1A800] =	vst v63  }
0x71: {  	s26 =	sadd.s32 $0x100, s19  }
0x72: {  	[spmem:s2] =	stream.indirect.scatter.add.f32 [tilespmem:s11], [sflag:$0x1], $0x80, s26, s14, $0xb8;
	[tilespmem:$0x1A800] =	vst v63  }
0x73: {  	s28 =	sadd.s32 $0x180, s19  }
0x74: {  	[spmem:s2] =	stream.indirect.scatter.add.f32 [tilespmem:s11], [sflag:$0x1], $0x80, s28, s14, $0xb8;
	[tilespmem:$0x1A800] =	vst v63  }
0x75: {  	s29 =	sadd.s32 $0x200, s19  }
0x76: {  	[spmem:s2] =	stream.indirect.scatter.add.f32 [tilespmem:s11], [sflag:$0x1], $0x80, s29, s14, $0xb8;
	[tilespmem:$0x1A800] =	vst v63  }
0x77: {  	s30 =	sadd.s32 $0x280, s19  }
0x78: {  	[spmem:s2] =	stream.indirect.scatter.add.f32 [tilespmem:s11], [sflag:$0x1], $0x80, s30, s14, $0xb8;
	[tilespmem:$0x1A800] =	vst v63  }
0x79: {  	s31 =	sadd.s32 $0x300, s19  }
0x7a: {  	[spmem:s2] =	stream.indirect.scatter.add.f32 [tilespmem:s11], [sflag:$0x1], $0x80, s31, s14, $0xb8;
	[tilespmem:$0x1A800] =	vst v63  }
0x7b: {  	s19 =	sadd.s32 $0x380, s19  }
0x7c: {  	[spmem:s2] =	stream.indirect.scatter.add.f32 [tilespmem:s11], [sflag:$0x1], $0x80, s19, s14, $0xb8;
	[tilespmem:$0x1A800] =	vst v63  }
0x7d: {  	_ =	swait.ge [sflag:s15], $0x4000  }
0x7e: {  	[sflag:s15] =	ssyncset.done $0x0  }
0x7f: {  	[sflag:s15] =	ssyncadd.s32 $0xFFFFC000  }
0x80: {  	_ =	swait.ge [sflag:s15], $0x4000  }
0x81: {  	[sflag:s15] =	ssyncset.done $0x0  }
0x82: {  	[sflag:s15] =	ssyncadd.s32 $0xFFFFC000  }
0x83: {  	_ =	swait.ge [sflag:s15], $0x4000  }
0x84: {  	[sflag:s15] =	ssyncset.done $0x0  }
0x85: {  	[sflag:s15] =	ssyncadd.s32 $0xFFFFC000  }
0x86: {  	_ =	swait.ge [sflag:s15], $0x4000  }
0x87: {  	[sflag:s15] =	ssyncset.done $0x0  }
0x88: {  	[sflag:s15] =	ssyncadd.s32 $0xFFFFC000  }
0x89: {  	_ =	swait.ge [sflag:s15], $0x4000  }
0x8a: {  	[sflag:s15] =	ssyncset.done $0x0  }
0x8b: {  	[sflag:s15] =	ssyncadd.s32 $0xFFFFC000  }
0x8c: {  	_ =	swait.ge [sflag:s15], $0x4000  }
0x8d: {  	[sflag:s15] =	ssyncset.done $0x0  }
0x8e: {  	[sflag:s15] =	ssyncadd.s32 $0xFFFFC000  }
0x8f: {  	_ =	swait.ge [sflag:s15], $0x4000  }
0x90: {  	[sflag:s15] =	ssyncset.done $0x0  }
0x91: {  	[sflag:s15] =	ssyncadd.s32 $0xFFFFC000  }
0x92: {  	_ =	swait.ge [sflag:s15], $0x4000  }
0x93: {  	[sflag:s15] =	ssyncset.done $0x0  }
0x94: {  	[sflag:s15] =	ssyncadd.s32 $0xFFFFC000  }
0x95: {  	[bflag:$0x0] =	sbarrier.arrive $0xFFFF  }
0x96: {  	[hbm:s7], [sflag:s12] =	dma.local [spmem:s16], $0x2700  }
0x97: {  	s18 =	sadd.s32 $0x1, s18;
	_ =	swait.ge [sflag:s10], $0x2700  }
0x98: {  	p1 =	sne.s32 s18, s9;
	[sflag:s10] =	ssyncset.done $0x0  }
.Ltmp1:
0x99: {  	s19 =	simm.s32 @!p0 $0x2;
	[sflag:s10] =	ssyncadd.s32 $0xFFFFD900;
	(pc) =	sbr.rel @p1 .LBB2_1-.Ltmp1, $4  }
0x9a: {  	[hbm:s8], [sflag:s12] =	dma.local @!p0 [spmem:s17], $0x100  }
0x9b: {  	_ =	swait.ge @!p0 [sflag:s19], $0x100  }
0x9c: {  	[sflag:s19] =	ssyncset.done @!p0 $0x0  }
0x9d: {  	[sflag:s19] =	ssyncadd.s32 @!p0 $0xFFFFFF00  }
0x9e: {  	_ =	sfence.sel $0x180000  }
0x9f: {  	[bflag:$0x0] =	sbarrier.arrive $0xFFFF  }
0xa0: {  	p0 =	sne.s32 s0, $0x0;
	_ =	strace $0x90000047  }
0xa1: {  	s0 =	sadd.s32 @!p0 $0x100000, s1;
	[bflag:$0x2] =	sbarrier.arrive $0xFFFF  }
0xa2: {  	[sflag:s0] =	ssyncadd.tile.s32 @!p0 $0x1;
	_ =	shalt  }
.Lfunc_end2:
_tile_overlayer_lowered:
.L_overlay_start_2:
0xa3: {  	(tag) =	ssettag $0x2  }
0xa4: {  	s0 =	rddreg [dreg:$0x0];
	s2 =	stileid.u32  }
0xa5: {  	s1 =	rddreg [dreg:$0x1];
	p0 =	sne.s32 s2, $0x0  }
0xa6: {  	s3 =	rddreg [dreg:$0x2];
	[bflag:$0x3] =	sbarrier.arrive $0xFFFF;
	s2 =	simm.s32 @!p0 $0x1C02  }
0xa7: {  	[timem:s3], [sflag:s2] =	dma.local @!p0 [hbm:s0], s1  }
0xa8: {  	s0 =	simm.s32 @!p0 $0x2  }
0xa9: {  	_ =	swait.ge @!p0 [sflag:s0], s1  }
0xaa: {  	s1 =	ssub.s32 @!p0 $0x0, s1;
	[sflag:s0] =	ssyncset.done @!p0 $0x0  }
0xab: {  	[sflag:s0] =	ssyncadd.s32 @!p0 s1  }
0xac: {  	[bflag:$0x3] =	sbarrier.arrive $0xFFFF  }
0xad: {  	_ =	shalt  }

// kernel: kernel.13.cloned.1.call-start
scs
__scs_entry_jumppad:
0x0: {  	(pc) =	sbr.rel $0x88, $3  }
0x1: {  	(tag) =	ssettag $0x0;
	lr =	simm.s32 $0x1  }
0x2: {  	[smem:$0x3F95] =	sst lr;
	_ =	strace $0xD0000000  }
0x3: {  	_ = 	snop  }
0x4: {  	_ = 	snop  }
0x5: {  	_ = 	snop  }
0x6: {  	_ = 	snop  }
0x7: {  	_ = 	snop  }
__scs_overlays_trampoline_lowered:
0x8: {  	[smem:$0x3FA4] =	sst s0  }
0x9: {  	[smem:$0x3FA5] =	sst s1  }
0xa: {  	[smem:$0x3FA6] =	sst s2  }
0xb: {  	[smem:$0x3FA7] =	sst s3  }
0xc: {  	[smem:$0x3FA8] =	sst s4  }
0xd: {  	[smem:$0x3FA9] =	sst s5  }
0xe: {  	[smem:$0x3FAA] =	sst s6  }
0xf: {  	[smem:$0x3FAB] =	sst s7  }
0x10: {  	[smem:$0x3FAC] =	sst s8  }
0x11: {  	[smem:$0x3FAD] =	sst s9;
	s0 =	simm.s32 @!p0 $0x0  }
0x12: {  	s1 =	sld [smem:$0x3F93];
	s0 =	simm.s32 @p0 $0x1  }
0x13: {  	[smem:$0x3FAE] =	sst s0;
	s0 =	simm.s32 @!p1 $0x0  }
0x14: {  	s2 =	sld [smem:$0x3F92];
	s0 =	simm.s32 @p1 $0x1  }
0x15: {  	[smem:$0x3FAF] =	sst s0;
	s0 =	simm.s32 @!p2 $0x0  }
0x16: {  	s3 =	sld [smem:$0x3FDB];
	s0 =	simm.s32 @p2 $0x1  }
0x17: {  	s4 =	simm.s32 $0x1BF5;
	[smem:$0x3FB1] =	sst s0  }
0x18: {  	s0 =	sld [smem:$0x3F94];
	_ =	swait.ge [sflag:s4], $0x0  }
0x19: {  	s7 =	sld [smem:$0x3F95]  }
0x1a: {  	s8 =	sadd.s32 $0xFFFFE003, lr  }
0x1b: {  	s9 =	sadd.s32 $0xFFFFFEF7, lr;
	s5 =	simm.s32 $0xFFFFFFFF;
	p2 =	slt.u32 s8, $0xFFFFF086  }
0x1c: {  	p1 =	slt.u32 s9, $0xF7A;
	s5 =	simm.s32 @!p2 $0x0  }
0x1d: {  	s5 =	simm.s32 @p1 $0x1;
	p0 =	seq.s32 s7, s2  }
0x1e: {  	s7 =	smul.u32 @!p0 $0xF7A, s2;
	p2 =	seq.s32 @!p0 s5, $0x0  }
0x1f: {  	s9 =	smul.u32 $0xF7A, s1;
	s8 =	simm.s32 @!p0 $0x1BF5;
	p2 =	por !p2, p0  }
0x20: {  	[sflag:s8] =	ssyncset.s32 @!p0 $0xFFFFF086;
	s6 =	sadd.s32 @!p0 s3, s7;
	s7 =	simm.s32 @!p0 $0x108  }
0x21: {  	s3 =	sadd.s32 s3, s9;
	s6 =	sadd.s32 @!p0 $0x88, s6;
	s7 =	simm.s32 @p2 $0x1082  }
0x22: {  	[simem:s7], [sflag:s8] =	dma.local @!p0 [hbm:s6], $0xF7A  }
0x23: {  	s9 =	sor.u32 $0xD0000000, s2;
	s6 =	simm.s32 $0x108;
	_ =	swait.ge @!p0 [sflag:s8], $0x0  }
0x24: {  	s3 =	sadd.s32 $0x88, s3;
	s6 =	simm.s32 @!p1 $0x1082;
	[sflag:s4] =	ssyncset.s32 $0xFFFFF086  }
0x25: {  	[simem:s6], [sflag:s4] =	dma.local [hbm:s3], $0xF7A  }
0x26: {  	[smem:$0x3F95] =	sst s1;
	(tag) =	ssettag s2;
	_ =	strace s9  }
0x27: {  	s1 =	sld [smem:$0x3FA5]  }
0x28: {  	s2 =	sld [smem:$0x3FA6]  }
0x29: {  	s4 =	sld [smem:$0x3FA8]  }
0x2a: {  	p0 =	seq.s32 s5, $0x0;
	s5 =	sld [smem:$0x3FA9]  }
0x2b: {  	s6 =	sld [smem:$0x3FAA]  }
0x2c: {  	s7 =	sld [smem:$0x3FAB]  }
0x2d: {  	s3 =	simm.s32 $0x108;
	s8 =	sld [smem:$0x3FAC]  }
0x2e: {  	s3 =	simm.s32 @!p0 $0x1082;
	s9 =	sld [smem:$0x3FAD]  }
0x2f: {  	lr =	sadd.s32 s0, s3;
	s0 =	sld [smem:$0x3FA4]  }
0x30: {  	s3 =	sld [smem:$0x3FA7]  }
0x31: {  	[smem:$0x3FB0] =	sst s10  }
0x32: {  	s10 =	sld [smem:$0x3FAE];
	_ =	sdelay $0x3  }
0x33: {  	p0 =	seq.s32 s10, $0x1;
	s10 =	sld [smem:$0x3FB0];
	_ =	sdelay $0x3  }
0x34: {  	[smem:$0x3FB0] =	sst s10  }
0x35: {  	s10 =	sld [smem:$0x3FAF];
	_ =	sdelay $0x3  }
0x36: {  	p1 =	seq.s32 s10, $0x1;
	s10 =	sld [smem:$0x3FB0];
	_ =	sdelay $0x3  }
0x37: {  	[smem:$0x3FB0] =	sst s10  }
0x38: {  	s10 =	sld [smem:$0x3FB1]  }
0x39: {  	_ = 	snop;
	(pc) =	sbr.ind lr, $3  }
0x3a: {  	_ = 	snop  }
0x3b: {  	_ = 	snop  }
0x3c: {  	p2 =	seq.s32 s10, $0x1;
	s10 =	sld [smem:$0x3FB0]  }
0x3d: {  	_ =	shalt  }
0x3e: {  	_ =	shalt  }
0x3f: {  	_ =	shalt  }
0x40: {  	_ =	shalt  }
0x41: {  	_ =	shalt  }
0x42: {  	_ =	shalt  }
0x43: {  	_ =	shalt  }
0x44: {  	_ =	shalt  }
0x45: {  	_ =	shalt  }
0x46: {  	_ =	shalt  }
0x47: {  	_ =	shalt  }
0x48: {  	_ =	shalt  }
0x49: {  	_ =	shalt  }
0x4a: {  	_ =	shalt  }
0x4b: {  	_ =	shalt  }
0x4c: {  	_ =	shalt  }
0x4d: {  	_ =	shalt  }
0x4e: {  	_ =	shalt  }
0x4f: {  	_ =	shalt  }
0x50: {  	_ =	shalt  }
0x51: {  	_ =	shalt  }
0x52: {  	_ =	shalt  }
0x53: {  	_ =	shalt  }
0x54: {  	_ =	shalt  }
0x55: {  	_ =	shalt  }
0x56: {  	_ =	shalt  }
0x57: {  	_ =	shalt  }
0x58: {  	_ =	shalt  }
0x59: {  	_ =	shalt  }
0x5a: {  	_ =	shalt  }
0x5b: {  	_ =	shalt  }
0x5c: {  	_ =	shalt  }
0x5d: {  	_ =	shalt  }
0x5e: {  	_ =	shalt  }
0x5f: {  	_ =	shalt  }
0x60: {  	_ =	shalt  }
0x61: {  	_ =	shalt  }
0x62: {  	_ =	shalt  }
0x63: {  	_ =	shalt  }
0x64: {  	_ =	shalt  }
0x65: {  	_ =	shalt  }
0x66: {  	_ =	shalt  }
0x67: {  	_ =	shalt  }
0x68: {  	_ =	shalt  }
0x69: {  	_ =	shalt  }
0x6a: {  	_ =	shalt  }
0x6b: {  	_ =	shalt  }
0x6c: {  	_ =	shalt  }
0x6d: {  	_ =	shalt  }
0x6e: {  	_ =	shalt  }
0x6f: {  	_ =	shalt  }
0x70: {  	_ =	shalt  }
0x71: {  	_ =	shalt  }
0x72: {  	_ =	shalt  }
0x73: {  	_ =	shalt  }
0x74: {  	_ =	shalt  }
0x75: {  	_ =	shalt  }
0x76: {  	_ =	shalt  }
0x77: {  	_ =	shalt  }
0x78: {  	_ =	shalt  }
0x79: {  	_ =	shalt  }
0x7a: {  	_ =	shalt  }
0x7b: {  	_ =	shalt  }
0x7c: {  	_ =	shalt  }
0x7d: {  	_ =	shalt  }
0x7e: {  	_ =	shalt  }
0x7f: {  	_ =	shalt  }
0x80: {  	_ =	shalt  }
0x81: {  	_ =	shalt  }
0x82: {  	_ =	shalt  }
0x83: {  	_ =	shalt  }
0x84: {  	_ =	shalt  }
0x85: {  	_ =	shalt  }
0x86: {  	_ =	shalt  }
0x87: {  	_ =	shalt  }
.Lfunc_end0:
.L_simem_size_0:
called_computation.1_lowered:
.L_overlay_start_0:
0x88: {  	s2 =	sld [smem:$0x3FD9]  }
0x89: {  	s3 =	sld [smem:$0x3FFE];
	_ =	sdelay $0x1  }
0x8a: {  	s1 =	srdreg.scid  }
0x8b: {  	s0 =	sand.u32 $0x1, s1  }
0x8c: {  	s17 =	sshll.u32 s0, $0xA;
	s2 =	sadd.s32 s3, s2  }
0x8d: {  	s2 =	sadd.s32 s2, s17  }
0x8e: {  	[smem:$0x3FBC] =	sst s2  }
0x8f: {  	_ = 	snop  }
0x90: {  	s2 =	sld [smem:$0x3FD0];
	(tm) =	ssettm $0x1  }
0x91: {  	s18 =	sld [smem:$0x3FFB];
	_ =	sdelay $0x3  }
0x92: {  	_ =	strace s18  }
0x93: {  	s3 =	sld [smem:$0x3FFC];
	_ =	sdelay $0x3  }
0x94: {  	_ =	strace s3  }
0x95: {  	s3 =	sld [smem:$0x3FFD];
	_ =	sdelay $0x3  }
0x96: {  	_ =	strace s3  }
0x97: {  	_ =	strace $0x8FFFFFFF  }
0x98: {  	s19 =	sld [smem:$0x3FDB];
	_ =	sdelay $0x1  }
0x99: {  	s4 =	simm.s32 $_scs_section_size  }
0x9a: {  	s5 =	simm.s32 $_size__tile_overlayer_lowered;
	s6 =	simm.s32 $_tile_overlayer_lowered  }
0x9b: {  	s22 =	simm.s32 $0x1BFF;
	s21 =	sshll.u32 s6, $0x1;
	s3 =	sadd.s32 s4, s19  }
0x9c: {  	s7 =	simm.s32 $0x0;
	s20 =	sshll.u32 s5, $0x1;
	s5 =	sadd.s32 s21, s3  }
0x9d: {  	[timem:s7], [sflag:s22] =	dma.local [hbm:s5], s20  }
0x9e: {  	_ =	swait.ge [sflag:s22], s20  }
0x9f: {  	s4 =	ssub.s32 $0x0, s20;
	[sflag:s22] =	ssyncset.done $0x0  }
0xa0: {  	[sflag:s22] =	ssyncadd.s32 s4;
	_ =	sdelay $0x1  }
0xa1: {  	s23 =	simm.s32 $0x1B8B  }
0xa2: {  	_ =	swait.ge [sflag:s23], $0x1  }
0xa3: {  	[sflag:s23] =	ssyncset.done $0x0  }
0xa4: {  	s25 =	simm.s32 $0x1B8E;
	s24 =	sld [smem:$0x3FFE];
	[sflag:s23] =	ssyncadd.s32 $0xFFFFFFFF  }
0xa5: {  	s26 =	simm.s32 $execute0_lowered;
	[smem:$0x3FD2] =	sst s25  }
0xa6: {  	s5 =	sshll.u32 s26, $0x1;
	_ =	strace $0x80000049;
	[dreg:$0x1] =	wrdreg $0xFFFFFFFF  }
0xa7: {  	s28 =	simm.s32 $_size_execute0_lowered;
	s3 =	sadd.s32 s3, s5;
	[dreg:$0x0] =	wrdreg $0x0  }
0xa8: {  	s5 =	sshll.u32 s28, $0x1;
	[dreg:$0x2] =	wrdreg s3  }
0xa9: {  	[dreg:$0x3] =	wrdreg s5  }
0xaa: {  	[dreg:$0x4] =	wrdreg $0xC0  }
0xab: {  	_ =	task [dreg:s7], $0x5FFFF  }
0xac: {  	[dreg:$0x1] =	wrdreg $0xFFFFFFFF  }
0xad: {  	[dreg:$0x0] =	wrdreg $0x60  }
0xae: {  	[dreg:$0x2] =	wrdreg s24  }
0xaf: {  	[dreg:$0x3] =	wrdreg s2  }
0xb0: {  	[dreg:$0x4] =	wrdreg $0xA0000  }
0xb1: {  	[dreg:$0x5] =	wrdreg $0x9  }
0xb2: {  	_ =	task.clear_ibuf [dreg:s7], $0x6FFFF;
	_ =	strace $0x90000049  }
0xb3: {  	s29 =	simm.s32 $0x9;
	_ =	strace $0x8000004B  }
0xb4: {  	_ =	swait.ge [sflag:s29], $0x1  }
0xb5: {  	[sflag:s29] =	ssyncadd.s32 $0xFFFFFFFF  }
0xb6: {  	_ =	strace $0x9000004B  }
0xb7: {  	_ =	sfence  }
0xb8: {  	s30 =	sld [smem:$0x0];
	_ =	sdelay $0x2  }
0xb9: {  	s31 =	sshll.u32 s1, $0xD;
	s1 =	sshrl.u32 s1, $0x2  }
0xba: {  	s3 =	sand.u32 $0x4000, s31;
	s1 =	sadd.s32 s1, s30  }
0xbb: {  	s0 =	sor.u32 s3, s0;
	s1 =	sshll.u32 s1, $0x11  }
0xbc: {  	s0 =	sor.u32 s1, s0  }
0xbd: {  	s0 =	sadd.s32 $0x8F2B, s0  }
0xbe: {  	[sflag:s0] =	ssyncadd.remote.s32 $0x1  }
0xbf: {  	_ =	sfence.sel $0xFFFF  }
0xc0: {  	[dreg:$0x0] =	wrdreg $0xFFFFFFFF;
	(pc) =	sbr.abs _section_cstart, $3  }
0xc1: {  	[dreg:$0x1] =	wrdreg $0xFFFFFFFF  }
0xc2: {  	_ =	task.clear_ibuf [dreg:s7], $0x2FFFF;
	_ =	strace $0x9FFFFFFF  }
0xc3: {  	(tm) =	ssettm $0x7FFFFFFF  }
tec
execute0_lowered:
.L_overlay_start_1:
0x0: {  	(tag) =	ssettag $0x1  }
0x1: {  	s0 =	rddreg [dreg:$0x0]  }
0x2: {  	s1 =	rddreg [dreg:$0x1]  }
0x3: {  	s2 =	rddreg [dreg:$0x2];
	s4 =	simm.s32 $0x0;
	s3 =	srdreg.scid  }
0x4: {  	s23 =	stileid.u32;
	s15 =	simm.s32 $0x6;
	s16 =	simm.s32 $0x1000  }
0x5: {  	s17 =	simm.s32 $0x40;
	s18 =	simm.s32 $0x2000;
	s19 =	simm.s32 $0x4000  }
0x6: {  	s20 =	simm.s32 $0x6000;
	s21 =	simm.s32 $0x8000;
	s22 =	simm.s32 $0x1  }
0x7: {  	s28 =	simm.s32 $0x4;
	s29 =	simm.s32 $0x5;
	[smem:$0x7FF] =	sst s4  }
0x8: {  	s5 =	sadd.s32 $0x5E600, s0;
	s3 =	sand.u32 $0x1, s3;
	s7 =	smul.u32 $0x50000, s23  }
0x9: {  	s6 =	sadd.s32 $0xFC00, s0;
	s8 =	sadd.s32 $0xD400, s0;
	s30 =	smul.u32 $0x13800, s23  }
0xa: {  	s0 =	sadd.s32 $0x86600, s0;
	s26 =	sshll.u32 s23, $0x6;
	s12 =	smul.u32 $0x4E000, s23  }
0xb: {  	p0 =	sne.s32 s23, $0xF;
	_ =	strace $0x8000004A;
	s10 =	smul.u32 $0xA0000, s3  }
0xc: {  	s9 =	ssub.s32 $0x2, s3;
	[dreg:$0x4] =	wrdreg s8;
	s8 =	smul.u32 $0xA000, s23  }
0xd: {  	s3 =	smul.u32 $0x138800, s3;
	s23 =	simm.s32 $0x2;
	s11 =	sshrl.u32 s9, $0x1  }
0xe: {  	s7 =	sshrl.u32 s7, $0x2;
	s12 =	sshrl.u32 s12, $0x2;
	s13 =	ssub.s32 s9, s11  }
0xf: {  	s7 =	sadd.s32 s7, s2;
	s9 =	sor.u32 $0x1C06, s26;
	s10 =	sadd.s32 s10, s8  }
0x10: {  	s11 =	sadd.s32 s30, s3;
	s3 =	sshrl.u32 s3, $0x3;
	s31 =	sadd.s32 s12, s2  }
0x11: {  	s26 =	simm.s32 $0x3;
	s11 =	sshrl.u32 s11, $0x3;
	s3 =	sadd.s32 s0, s3  }
0x12: {  	s13 =	smax.u32 s13, $0x1;
	s14 =	sshrl.u32 s7, $0x3;
	s3 =	sadd.s32 $0x27000, s3  }
0x13: {  	s0 =	sadd.s32 s0, s11;
	[dreg:$0x6] =	wrdreg s3;
	s3 =	sadd.s32 $0x138000, s2  }
0x14: {  	s24 =	sshrl.u32 s31, $0x3;
	[dreg:$0x5] =	wrdreg s0;
	s25 =	sshrl.u32 @!p0 s3, $0x3  }
.LBB2_1:
0x15: {  	s0 =	rddreg [dreg:$0x4]  }
0x16: {  	[spmem:s14], [sflag:s9] =	dma.local [hbm:s0], $0x2800  }
0x17: {  	_ =	swait.ge [sflag:s15], $0x2800  }
0x18: {  	[sflag:s15] =	ssyncset.done $0x0  }
0x19: {  	[sflag:s15] =	ssyncadd.s32 $0xFFFFD800  }
0x1a: {  	s30 =	simm.s32 $0x0;
	[bflag:$0x0] =	sbarrier.arrive $0xFFFF  }
.LBB2_2:
0x1b: {  	s0 =	sshll.u32 s30, $0xC  }
0x1c: {  	s3 =	sadd.s32 s10, s0  }
0x1d: {  	s3 =	sshrl.u32 s3, $0x3  }
0x1e: {  	s7 =	simm.s32 $0x0;
	s3 =	sadd.s32 s5, s3  }
0x1f: {  	[tilespmem:s7], [sflag:$0x6] =	stream.linear.gather [hbm4b:s3+s7], $0x1000, $0x38;
	[tilespmem:$0x1E000] =	vst v63  }
0x20: {  	s0 =	sadd.s32 s8, s0;
	_ =	swait.ge [sflag:s15], $0x1000  }
0x21: {  	s0 =	sshrl.u32 s0, $0x3;
	[sflag:s15] =	ssyncset.done $0x0  }
0x22: {  	s0 =	sadd.s32 s1, s0;
	[sflag:s15] =	ssyncadd.s32 $0xFFFFF000  }
0x23: {  	[tilespmem:s16], [sflag:$0x6] =	stream.linear.gather [hbm4b:s0+s7], $0x1000, $0x38;
	[tilespmem:$0x1E000] =	vst v63  }
0x24: {  	s12 =	sor.u32 s30, s7;
	_ =	swait.ge [sflag:s15], $0x1000  }
0x25: {  	p1 =	seq.s32 s12, $0x0;
	[sflag:s15] =	ssyncset.done $0x0  }
0x26: {  	s0 =	simm.s32 @!p1 $0x2;
	[sflag:s15] =	ssyncadd.s32 $0xFFFFF000  }
0x27: {  	_ =	swait.ge @!p1 [sflag:s0], $0x2000  }
0x28: {  	[sflag:s0] =	ssyncset.done @!p1 $0x0  }
0x29: {  	[sflag:s0] =	ssyncadd.s32 @!p1 $0xFFFFE000;
	s0 =	simm.s32 @!p1 $0x3  }
0x2a: {  	_ =	swait.ge @!p1 [sflag:s0], $0x2000  }
0x2b: {  	[sflag:s0] =	ssyncset.done @!p1 $0x0  }
0x2c: {  	[sflag:s0] =	ssyncadd.s32 @!p1 $0xFFFFE000;
	s0 =	simm.s32 @!p1 $0x4  }
0x2d: {  	_ =	swait.ge @!p1 [sflag:s0], $0x2000  }
0x2e: {  	[sflag:s0] =	ssyncset.done @!p1 $0x0  }
0x2f: {  	[sflag:s0] =	ssyncadd.s32 @!p1 $0xFFFFE000;
	s0 =	simm.s32 @!p1 $0x5  }
0x30: {  	_ =	swait.ge @!p1 [sflag:s0], $0x2000  }
0x31: {  	[sflag:s0] =	ssyncset.done @!p1 $0x0  }
0x32: {  	s3 =	simm.s32 $0x0;
	[sflag:s0] =	ssyncadd.s32 @!p1 $0xFFFFE000  }
0x33: {  	[tilespmem:s18], [sflag:$0x1] =	stream.indirect.gather [hbm4b:s6+s17], $0x80, s3, s17, $0xb8;
	[tilespmem:$0x1E000] =	vst v63  }
0x34: {  	s7 =	simm.s32 $0x80  }
0x35: {  	[tilespmem:s19], [sflag:$0x1] =	stream.indirect.gather [hbm4b:s6+s17], $0x80, s7, s17, $0xb8;
	[tilespmem:$0x1E000] =	vst v63  }
0x36: {  	s11 =	simm.s32 $0x100  }
0x37: {  	[tilespmem:s20], [sflag:$0x1] =	stream.indirect.gather [hbm4b:s6+s17], $0x80, s11, s17, $0xb8;
	[tilespmem:$0x1E000] =	vst v63  }
0x38: {  	s12 =	simm.s32 $0x180  }
0x39: {  	[tilespmem:s21], [sflag:$0x1] =	stream.indirect.gather [hbm4b:s6+s17], $0x80, s12, s17, $0xb8;
	[tilespmem:$0x1E000] =	vst v63  }
0x3a: {  	_ =	swait.ge [sflag:s22], $0x2000  }
0x3b: {  	[sflag:s22] =	ssyncset.done $0x0  }
0x3c: {  	s3 =	simm.s32 $0x1000;
	[sflag:s22] =	ssyncadd.s32 $0xFFFFE000  }
0x3d: {  	[spmem:s2] =	stream.indirect.scatter.add.f32 [tilespmem:s18], [sflag:$0x2], $0x80, s3, s17, $0xb8;
	[tilespmem:$0x1E000] =	vst v63  }
0x3e: {  	_ =	swait.ge [sflag:s22], $0x2000  }
0x3f: {  	[sflag:s22] =	ssyncset.done $0x0  }
0x40: {  	s7 =	simm.s32 $0x1080;
	[sflag:s22] =	ssyncadd.s32 $0xFFFFE000  }
0x41: {  	[spmem:s2] =	stream.indirect.scatter.add.f32 [tilespmem:s19], [sflag:$0x3], $0x80, s7, s17, $0xb8;
	[tilespmem:$0x1E000] =	vst v63  }
0x42: {  	_ =	swait.ge [sflag:s22], $0x2000  }
0x43: {  	s0 =	simm.s32 $0x1;
	[sflag:s22] =	ssyncset.done $0x0  }
0x44: {  	s11 =	simm.s32 $0x1100;
	s12 =	sor.u32 s30, s0;
	[sflag:s22] =	ssyncadd.s32 $0xFFFFE000  }
0x45: {  	[spmem:s2] =	stream.indirect.scatter.add.f32 [tilespmem:s20], [sflag:$0x4], $0x80, s11, s17, $0xb8;
	[tilespmem:$0x1E000] =	vst v63  }
0x46: {  	s31 =	simm.s32 $0x800;
	p2 =	seq.s32 s12, $0x0;
	_ =	swait.ge [sflag:s22], $0x2000  }
0x47: {  	s3 =	simm.s32 $0x1000;
	s7 =	simm.s32 $0x1180;
	[sflag:s22] =	ssyncset.done $0x0  }
.LBB2_3:
0x48: {  	s11 =	simm.s32 @!p2 $0x2  }
0x49: {  	[sflag:s22] =	ssyncadd.s32 $0xFFFFE000;
	s12 =	smov.u32 s3;
	s3 =	sadd.s32 $0x800, s3  }
0x4a: {  	[spmem:s2] =	stream.indirect.scatter.add.f32 [tilespmem:s21], [sflag:$0x5], $0x80, s7, s17, $0xb8;
	[tilespmem:$0x1E000] =	vst v63  }
0x4b: {  	p1 =	sne.s32 s3, $0x4000;
	_ =	swait.ge @!p2 [sflag:s11], $0x2000  }
0x4c: {  	[sflag:s11] =	ssyncset.done @!p2 $0x0  }
0x4d: {  	s7 =	simm.s32 @!p2 $0x3;
	[sflag:s11] =	ssyncadd.s32 @!p2 $0xFFFFE000  }
0x4e: {  	_ =	swait.ge @!p2 [sflag:s7], $0x2000  }
0x4f: {  	[sflag:s7] =	ssyncset.done @!p2 $0x0  }
0x50: {  	[sflag:s7] =	ssyncadd.s32 @!p2 $0xFFFFE000;
	s7 =	simm.s32 @!p2 $0x4  }
0x51: {  	_ =	swait.ge @!p2 [sflag:s7], $0x2000  }
0x52: {  	[sflag:s7] =	ssyncset.done @!p2 $0x0  }
0x53: {  	[sflag:s7] =	ssyncadd.s32 @!p2 $0xFFFFE000;
	s7 =	simm.s32 @!p2 $0x5  }
0x54: {  	_ =	swait.ge @!p2 [sflag:s7], $0x2000  }
0x55: {  	[sflag:s7] =	ssyncset.done @!p2 $0x0  }
0x56: {  	[sflag:s7] =	ssyncadd.s32 @!p2 $0xFFFFE000;
	s7 =	sshra.s32 s31, $0x2;
	s31 =	smov.u32 s12  }
0x57: {  	[tilespmem:s18], [sflag:$0x1] =	stream.indirect.gather [hbm4b:s6+s17], $0x80, s7, s17, $0xb8;
	[tilespmem:$0x1E000] =	vst v63  }
0x58: {  	s11 =	sadd.s32 $0x80, s7  }
0x59: {  	[tilespmem:s19], [sflag:$0x1] =	stream.indirect.gather [hbm4b:s6+s17], $0x80, s11, s17, $0xb8;
	[tilespmem:$0x1E000] =	vst v63  }
0x5a: {  	s11 =	sadd.s32 $0x100, s7  }
0x5b: {  	[tilespmem:s20], [sflag:$0x1] =	stream.indirect.gather [hbm4b:s6+s17], $0x80, s11, s17, $0xb8;
	[tilespmem:$0x1E000] =	vst v63  }
0x5c: {  	s11 =	sadd.s32 $0x180, s7  }
0x5d: {  	[tilespmem:s21], [sflag:$0x1] =	stream.indirect.gather [hbm4b:s6+s17], $0x80, s11, s17, $0xb8;
	[tilespmem:$0x1E000] =	vst v63  }
0x5e: {  	_ =	swait.ge [sflag:s22], $0x2000  }
0x5f: {  	[sflag:s22] =	ssyncset.done $0x0  }
0x60: {  	s11 =	sadd.s32 $0x1000, s7;
	[sflag:s22] =	ssyncadd.s32 $0xFFFFE000  }
0x61: {  	[spmem:s2] =	stream.indirect.scatter.add.f32 [tilespmem:s18], [sflag:$0x2], $0x80, s11, s17, $0xb8;
	[tilespmem:$0x1E000] =	vst v63  }
0x62: {  	_ =	swait.ge [sflag:s22], $0x2000  }
0x63: {  	[sflag:s22] =	ssyncset.done $0x0  }
0x64: {  	s11 =	sadd.s32 $0x1080, s7;
	[sflag:s22] =	ssyncadd.s32 $0xFFFFE000  }
0x65: {  	[spmem:s2] =	stream.indirect.scatter.add.f32 [tilespmem:s19], [sflag:$0x3], $0x80, s11, s17, $0xb8;
	[tilespmem:$0x1E000] =	vst v63  }
0x66: {  	_ =	swait.ge [sflag:s22], $0x2000  }
.Ltmp0:
0x67: {  	[sflag:s22] =	ssyncset.done $0x0;
	(pc) =	sbr.rel @p1 .LBB2_3-.Ltmp0, $4  }
0x68: {  	s0 =	sadd.s32 $0x1, s0;
	s11 =	sadd.s32 $0x1100, s7;
	[sflag:s22] =	ssyncadd.s32 $0xFFFFE000  }
0x69: {  	[spmem:s2] =	stream.indirect.scatter.add.f32 [tilespmem:s20], [sflag:$0x4], $0x80, s11, s17, $0xb8;
	[tilespmem:$0x1E000] =	vst v63  }
0x6a: {  	s11 =	sor.u32 s30, s0;
	_ =	swait.ge [sflag:s22], $0x2000  }
0x6b: {  	s7 =	sadd.s32 $0x1180, s7;
	p2 =	seq.s32 s11, $0x0;
	[sflag:s22] =	ssyncset.done $0x0  }
0x6c: {  	s0 =	simm.s32 @!p2 $0x2;
	[sflag:s22] =	ssyncadd.s32 $0xFFFFE000  }
0x6d: {  	[spmem:s2] =	stream.indirect.scatter.add.f32 [tilespmem:s21], [sflag:$0x5], $0x80, s7, s17, $0xb8;
	[tilespmem:$0x1E000] =	vst v63  }
0x6e: {  	_ =	swait.ge @!p2 [sflag:s0], $0x2000  }
0x6f: {  	[sflag:s0] =	ssyncset.done @!p2 $0x0  }
0x70: {  	[sflag:s0] =	ssyncadd.s32 @!p2 $0xFFFFE000;
	s0 =	simm.s32 @!p2 $0x3  }
0x71: {  	_ =	swait.ge @!p2 [sflag:s0], $0x2000  }
0x72: {  	[sflag:s0] =	ssyncset.done @!p2 $0x0  }
0x73: {  	[sflag:s0] =	ssyncadd.s32 @!p2 $0xFFFFE000;
	s0 =	simm.s32 @!p2 $0x4  }
0x74: {  	_ =	swait.ge @!p2 [sflag:s0], $0x2000  }
0x75: {  	[sflag:s0] =	ssyncset.done @!p2 $0x0  }
0x76: {  	[sflag:s0] =	ssyncadd.s32 @!p2 $0xFFFFE000;
	s0 =	simm.s32 @!p2 $0x5  }
0x77: {  	_ =	swait.ge @!p2 [sflag:s0], $0x2000  }
0x78: {  	[sflag:s0] =	ssyncset.done @!p2 $0x0  }
0x79: {  	[sflag:s0] =	ssyncadd.s32 @!p2 $0xFFFFE000;
	s0 =	sshra.s32 s31, $0x2  }
0x7a: {  	[tilespmem:s18], [sflag:$0x1] =	stream.indirect.gather [hbm4b:s6+s17], $0x80, s0, s17, $0xb8;
	[tilespmem:$0x1E000] =	vst v63  }
0x7b: {  	s3 =	sadd.s32 $0x80, s0  }
0x7c: {  	[tilespmem:s19], [sflag:$0x1] =	stream.indirect.gather [hbm4b:s6+s17], $0x80, s3, s17, $0xb8;
	[tilespmem:$0x1E000] =	vst v63  }
0x7d: {  	s31 =	sadd.s32 $0x100, s0  }
0x7e: {  	[tilespmem:s20], [sflag:$0x1] =	stream.indirect.gather [hbm4b:s6+s17], $0x80, s31, s17, $0xb8;
	[tilespmem:$0x1E000] =	vst v63  }
0x7f: {  	s7 =	sadd.s32 $0x180, s0  }
0x80: {  	[tilespmem:s21], [sflag:$0x1] =	stream.indirect.gather [hbm4b:s6+s17], $0x80, s7, s17, $0xb8;
	[tilespmem:$0x1E000] =	vst v63  }
0x81: {  	_ =	swait.ge [sflag:s22], $0x2000  }
0x82: {  	[sflag:s22] =	ssyncset.done $0x0  }
0x83: {  	s11 =	sadd.s32 $0x1000, s0;
	[sflag:s22] =	ssyncadd.s32 $0xFFFFE000  }
0x84: {  	[spmem:s2] =	stream.indirect.scatter.add.f32 [tilespmem:s18], [sflag:$0x2], $0x80, s11, s17, $0xb8;
	[tilespmem:$0x1E000] =	vst v63  }
0x85: {  	_ =	swait.ge [sflag:s22], $0x2000  }
0x86: {  	[sflag:s22] =	ssyncset.done $0x0  }
0x87: {  	s12 =	sadd.s32 $0x1080, s0;
	[sflag:s22] =	ssyncadd.s32 $0xFFFFE000  }
0x88: {  	[spmem:s2] =	stream.indirect.scatter.add.f32 [tilespmem:s19], [sflag:$0x3], $0x80, s12, s17, $0xb8;
	[tilespmem:$0x1E000] =	vst v63  }
0x89: {  	_ =	swait.ge [sflag:s22], $0x2000  }
0x8a: {  	s30 =	sadd.s32 $0x1, s30;
	[sflag:s22] =	ssyncset.done $0x0  }
0x8b: {  	p1 =	sne.s32 s30, $0xA;
	s31 =	sadd.s32 $0x1100, s0;
	[sflag:s22] =	ssyncadd.s32 $0xFFFFE000  }
0x8c: {  	[spmem:s2] =	stream.indirect.scatter.add.f32 [tilespmem:s20], [sflag:$0x4], $0x80, s31, s17, $0xb8;
	[tilespmem:$0x1E000] =	vst v63  }
.Ltmp1:
0x8d: {  	_ = 	snop;
	(pc) =	sbr.rel @p1 .LBB2_2-.Ltmp1, $4  }
0x8e: {  	_ =	swait.ge [sflag:s22], $0x2000  }
0x8f: {  	[sflag:s22] =	ssyncset.done $0x0  }
0x90: {  	s0 =	sadd.s32 $0x1180, s0;
	[sflag:s22] =	ssyncadd.s32 $0xFFFFE000  }
0x91: {  	[spmem:s2] =	stream.indirect.scatter.add.f32 [tilespmem:s21], [sflag:$0x5], $0x80, s0, s17, $0xb8;
	[tilespmem:$0x1E000] =	vst v63  }
0x92: {  	_ =	swait.ge [sflag:s23], $0x2000  }
0x93: {  	[sflag:s23] =	ssyncset.done $0x0  }
0x94: {  	[sflag:s23] =	ssyncadd.s32 $0xFFFFE000  }
0x95: {  	_ =	swait.ge [sflag:s26], $0x2000  }
0x96: {  	[sflag:s26] =	ssyncset.done $0x0  }
0x97: {  	[sflag:s26] =	ssyncadd.s32 $0xFFFFE000  }
0x98: {  	_ =	swait.ge [sflag:s28], $0x2000  }
0x99: {  	[sflag:s28] =	ssyncset.done $0x0  }
0x9a: {  	[sflag:s28] =	ssyncadd.s32 $0xFFFFE000  }
0x9b: {  	_ =	swait.ge [sflag:s29], $0x2000  }
0x9c: {  	[sflag:s29] =	ssyncset.done $0x0  }
0x9d: {  	[sflag:s29] =	ssyncadd.s32 $0xFFFFE000  }
0x9e: {  	[bflag:$0x0] =	sbarrier.arrive $0xFFFF  }
0x9f: {  	s0 =	rddreg [dreg:$0x5]  }
0xa0: {  	[hbm:s0], [sflag:s9] =	dma.local [spmem:s24], $0x2700  }
0xa1: {  	_ =	swait.ge [sflag:s15], $0x2700  }
0xa2: {  	s4 =	sadd.s32 $0x1, s4;
	[sflag:s15] =	ssyncset.done $0x0  }
0xa3: {  	p1 =	sne.s32 s4, s13;
	s0 =	rddreg [dreg:$0x6];
	[sflag:s15] =	ssyncadd.s32 $0xFFFFD900  }
0xa4: {  	[hbm:s0], [sflag:s9] =	dma.local @!p0 [spmem:s25], $0x100  }
.Ltmp2:
0xa5: {  	_ = 	snop;
	(pc) =	sbr.rel @p1 .LBB2_1-.Ltmp2, $4  }
0xa6: {  	s0 =	simm.s32 @!p0 $0x6  }
0xa7: {  	_ =	swait.ge @!p0 [sflag:s0], $0x100  }
0xa8: {  	[sflag:s0] =	ssyncset.done @!p0 $0x0  }
0xa9: {  	[sflag:s0] =	ssyncadd.s32 @!p0 $0xFFFFFF00  }
0xaa: {  	_ =	sfence.sel $0x180000  }
0xab: {  	[bflag:$0x0] =	sbarrier.arrive $0xFFFF  }
0xac: {  	_ =	strace $0x9000004A  }
0xad: {  	s0 =	stileid.u32;
	[bflag:$0x2] =	sbarrier.arrive $0xFFFF  }
0xae: {  	p0 =	sne.s32 s0, $0x0;
	s0 =	rddreg [dreg:$0x3]  }
0xaf: {  	s0 =	sadd.s32 @!p0 $0x100000, s0  }
0xb0: {  	[sflag:s0] =	ssyncadd.tile.s32 @!p0 $0x1;
	_ =	shalt  }
.Lfunc_end2:
_tile_overlayer_lowered:
.L_overlay_start_2:
0xb1: {  	(tag) =	ssettag $0x2  }
0xb2: {  	s0 =	rddreg [dreg:$0x0];
	s2 =	stileid.u32  }
0xb3: {  	s1 =	rddreg [dreg:$0x1];
	p0 =	sne.s32 s2, $0x0  }
0xb4: {  	s3 =	rddreg [dreg:$0x2];
	[bflag:$0x3] =	sbarrier.arrive $0xFFFF;
	s2 =	simm.s32 @!p0 $0x1C06  }
0xb5: {  	[timem:s3], [sflag:s2] =	dma.local @!p0 [hbm:s0], s1  }
0xb6: {  	s0 =	simm.s32 @!p0 $0x6  }
0xb7: {  	_ =	swait.ge @!p0 [sflag:s0], s1  }
0xb8: {  	s1 =	ssub.s32 @!p0 $0x0, s1;
	[sflag:s0] =	ssyncset.done @!p0 $0x0  }
0xb9: {  	[sflag:s0] =	ssyncadd.s32 @!p0 s1  }
0xba: {  	[bflag:$0x3] =	sbarrier.arrive $0xFFFF  }
0xbb: {  	_ =	shalt  }

// kernel: kernel.16.cloned.1.call-start
scs
__scs_entry_jumppad:
0x0: {  	(pc) =	sbr.rel $0x88, $3  }
0x1: {  	(tag) =	ssettag $0x0;
	lr =	simm.s32 $0x1  }
0x2: {  	[smem:$0x3F95] =	sst lr;
	_ =	strace $0xD0000000  }
0x3: {  	_ = 	snop  }
0x4: {  	_ = 	snop  }
0x5: {  	_ = 	snop  }
0x6: {  	_ = 	snop  }
0x7: {  	_ = 	snop  }
__scs_overlays_trampoline_lowered:
0x8: {  	[smem:$0x3FA4] =	sst s0  }
0x9: {  	[smem:$0x3FA5] =	sst s1  }
0xa: {  	[smem:$0x3FA6] =	sst s2  }
0xb: {  	[smem:$0x3FA7] =	sst s3  }
0xc: {  	[smem:$0x3FA8] =	sst s4  }
0xd: {  	[smem:$0x3FA9] =	sst s5  }
0xe: {  	[smem:$0x3FAA] =	sst s6  }
0xf: {  	[smem:$0x3FAB] =	sst s7  }
0x10: {  	[smem:$0x3FAC] =	sst s8  }
0x11: {  	[smem:$0x3FAD] =	sst s9;
	s0 =	simm.s32 @!p0 $0x0  }
0x12: {  	s1 =	sld [smem:$0x3F93];
	s0 =	simm.s32 @p0 $0x1  }
0x13: {  	[smem:$0x3FAE] =	sst s0;
	s0 =	simm.s32 @!p1 $0x0  }
0x14: {  	s2 =	sld [smem:$0x3F92];
	s0 =	simm.s32 @p1 $0x1  }
0x15: {  	[smem:$0x3FAF] =	sst s0;
	s0 =	simm.s32 @!p2 $0x0  }
0x16: {  	s3 =	sld [smem:$0x3FDB];
	s0 =	simm.s32 @p2 $0x1  }
0x17: {  	s4 =	simm.s32 $0x1BF5;
	[smem:$0x3FB1] =	sst s0  }
0x18: {  	s0 =	sld [smem:$0x3F94];
	_ =	swait.ge [sflag:s4], $0x0  }
0x19: {  	s7 =	sld [smem:$0x3F95]  }
0x1a: {  	s8 =	sadd.s32 $0xFFFFE003, lr  }
0x1b: {  	s9 =	sadd.s32 $0xFFFFFEF7, lr;
	s5 =	simm.s32 $0xFFFFFFFF;
	p2 =	slt.u32 s8, $0xFFFFF086  }
0x1c: {  	p1 =	slt.u32 s9, $0xF7A;
	s5 =	simm.s32 @!p2 $0x0  }
0x1d: {  	s5 =	simm.s32 @p1 $0x1;
	p0 =	seq.s32 s7, s2  }
0x1e: {  	s7 =	smul.u32 @!p0 $0xF7A, s2;
	p2 =	seq.s32 @!p0 s5, $0x0  }
0x1f: {  	s9 =	smul.u32 $0xF7A, s1;
	s8 =	simm.s32 @!p0 $0x1BF5;
	p2 =	por !p2, p0  }
0x20: {  	[sflag:s8] =	ssyncset.s32 @!p0 $0xFFFFF086;
	s6 =	sadd.s32 @!p0 s3, s7;
	s7 =	simm.s32 @!p0 $0x108  }
0x21: {  	s3 =	sadd.s32 s3, s9;
	s6 =	sadd.s32 @!p0 $0x88, s6;
	s7 =	simm.s32 @p2 $0x1082  }
0x22: {  	[simem:s7], [sflag:s8] =	dma.local @!p0 [hbm:s6], $0xF7A  }
0x23: {  	s9 =	sor.u32 $0xD0000000, s2;
	s6 =	simm.s32 $0x108;
	_ =	swait.ge @!p0 [sflag:s8], $0x0  }
0x24: {  	s3 =	sadd.s32 $0x88, s3;
	s6 =	simm.s32 @!p1 $0x1082;
	[sflag:s4] =	ssyncset.s32 $0xFFFFF086  }
0x25: {  	[simem:s6], [sflag:s4] =	dma.local [hbm:s3], $0xF7A  }
0x26: {  	[smem:$0x3F95] =	sst s1;
	(tag) =	ssettag s2;
	_ =	strace s9  }
0x27: {  	s1 =	sld [smem:$0x3FA5]  }
0x28: {  	s2 =	sld [smem:$0x3FA6]  }
0x29: {  	s4 =	sld [smem:$0x3FA8]  }
0x2a: {  	p0 =	seq.s32 s5, $0x0;
	s5 =	sld [smem:$0x3FA9]  }
0x2b: {  	s6 =	sld [smem:$0x3FAA]  }
0x2c: {  	s7 =	sld [smem:$0x3FAB]  }
0x2d: {  	s3 =	simm.s32 $0x108;
	s8 =	sld [smem:$0x3FAC]  }
0x2e: {  	s3 =	simm.s32 @!p0 $0x1082;
	s9 =	sld [smem:$0x3FAD]  }
0x2f: {  	lr =	sadd.s32 s0, s3;
	s0 =	sld [smem:$0x3FA4]  }
0x30: {  	s3 =	sld [smem:$0x3FA7]  }
0x31: {  	[smem:$0x3FB0] =	sst s10  }
0x32: {  	s10 =	sld [smem:$0x3FAE];
	_ =	sdelay $0x3  }
0x33: {  	p0 =	seq.s32 s10, $0x1;
	s10 =	sld [smem:$0x3FB0];
	_ =	sdelay $0x3  }
0x34: {  	[smem:$0x3FB0] =	sst s10  }
0x35: {  	s10 =	sld [smem:$0x3FAF];
	_ =	sdelay $0x3  }
0x36: {  	p1 =	seq.s32 s10, $0x1;
	s10 =	sld [smem:$0x3FB0];
	_ =	sdelay $0x3  }
0x37: {  	[smem:$0x3FB0] =	sst s10  }
0x38: {  	s10 =	sld [smem:$0x3FB1]  }
0x39: {  	_ = 	snop;
	(pc) =	sbr.ind lr, $3  }
0x3a: {  	_ = 	snop  }
0x3b: {  	_ = 	snop  }
0x3c: {  	p2 =	seq.s32 s10, $0x1;
	s10 =	sld [smem:$0x3FB0]  }
0x3d: {  	_ =	shalt  }
0x3e: {  	_ =	shalt  }
0x3f: {  	_ =	shalt  }
0x40: {  	_ =	shalt  }
0x41: {  	_ =	shalt  }
0x42: {  	_ =	shalt  }
0x43: {  	_ =	shalt  }
0x44: {  	_ =	shalt  }
0x45: {  	_ =	shalt  }
0x46: {  	_ =	shalt  }
0x47: {  	_ =	shalt  }
0x48: {  	_ =	shalt  }
0x49: {  	_ =	shalt  }
0x4a: {  	_ =	shalt  }
0x4b: {  	_ =	shalt  }
0x4c: {  	_ =	shalt  }
0x4d: {  	_ =	shalt  }
0x4e: {  	_ =	shalt  }
0x4f: {  	_ =	shalt  }
0x50: {  	_ =	shalt  }
0x51: {  	_ =	shalt  }
0x52: {  	_ =	shalt  }
0x53: {  	_ =	shalt  }
0x54: {  	_ =	shalt  }
0x55: {  	_ =	shalt  }
0x56: {  	_ =	shalt  }
0x57: {  	_ =	shalt  }
0x58: {  	_ =	shalt  }
0x59: {  	_ =	shalt  }
0x5a: {  	_ =	shalt  }
0x5b: {  	_ =	shalt  }
0x5c: {  	_ =	shalt  }
0x5d: {  	_ =	shalt  }
0x5e: {  	_ =	shalt  }
0x5f: {  	_ =	shalt  }
0x60: {  	_ =	shalt  }
0x61: {  	_ =	shalt  }
0x62: {  	_ =	shalt  }
0x63: {  	_ =	shalt  }
0x64: {  	_ =	shalt  }
0x65: {  	_ =	shalt  }
0x66: {  	_ =	shalt  }
0x67: {  	_ =	shalt  }
0x68: {  	_ =	shalt  }
0x69: {  	_ =	shalt  }
0x6a: {  	_ =	shalt  }
0x6b: {  	_ =	shalt  }
0x6c: {  	_ =	shalt  }
0x6d: {  	_ =	shalt  }
0x6e: {  	_ =	shalt  }
0x6f: {  	_ =	shalt  }
0x70: {  	_ =	shalt  }
0x71: {  	_ =	shalt  }
0x72: {  	_ =	shalt  }
0x73: {  	_ =	shalt  }
0x74: {  	_ =	shalt  }
0x75: {  	_ =	shalt  }
0x76: {  	_ =	shalt  }
0x77: {  	_ =	shalt  }
0x78: {  	_ =	shalt  }
0x79: {  	_ =	shalt  }
0x7a: {  	_ =	shalt  }
0x7b: {  	_ =	shalt  }
0x7c: {  	_ =	shalt  }
0x7d: {  	_ =	shalt  }
0x7e: {  	_ =	shalt  }
0x7f: {  	_ =	shalt  }
0x80: {  	_ =	shalt  }
0x81: {  	_ =	shalt  }
0x82: {  	_ =	shalt  }
0x83: {  	_ =	shalt  }
0x84: {  	_ =	shalt  }
0x85: {  	_ =	shalt  }
0x86: {  	_ =	shalt  }
0x87: {  	_ =	shalt  }
.Lfunc_end0:
.L_simem_size_0:
called_computation.2_lowered:
.L_overlay_start_0:
0x88: {  	s2 =	sld [smem:$0x3FD9]  }
0x89: {  	s3 =	sld [smem:$0x3FFE];
	_ =	sdelay $0x1  }
0x8a: {  	s1 =	srdreg.scid  }
0x8b: {  	s0 =	sand.u32 $0x1, s1  }
0x8c: {  	s17 =	sshll.u32 s0, $0xA;
	s2 =	sadd.s32 s3, s2  }
0x8d: {  	s2 =	sadd.s32 s2, s17  }
0x8e: {  	[smem:$0x3FBC] =	sst s2  }
0x8f: {  	_ = 	snop  }
0x90: {  	s2 =	sld [smem:$0x3FD0];
	(tm) =	ssettm $0x1  }
0x91: {  	s18 =	sld [smem:$0x3FFB];
	_ =	sdelay $0x3  }
0x92: {  	_ =	strace s18  }
0x93: {  	s3 =	sld [smem:$0x3FFC];
	_ =	sdelay $0x3  }
0x94: {  	_ =	strace s3  }
0x95: {  	s3 =	sld [smem:$0x3FFD];
	_ =	sdelay $0x3  }
0x96: {  	_ =	strace s3  }
0x97: {  	_ =	strace $0x8FFFFFFF  }
0x98: {  	s19 =	sld [smem:$0x3FDB];
	_ =	sdelay $0x1  }
0x99: {  	s4 =	simm.s32 $_scs_section_size  }
0x9a: {  	s5 =	simm.s32 $_size__tile_overlayer_lowered;
	s6 =	simm.s32 $_tile_overlayer_lowered  }
0x9b: {  	s22 =	simm.s32 $0x1BFF;
	s21 =	sshll.u32 s6, $0x1;
	s3 =	sadd.s32 s4, s19  }
0x9c: {  	s7 =	simm.s32 $0x0;
	s20 =	sshll.u32 s5, $0x1;
	s5 =	sadd.s32 s21, s3  }
0x9d: {  	[timem:s7], [sflag:s22] =	dma.local [hbm:s5], s20  }
0x9e: {  	_ =	swait.ge [sflag:s22], s20  }
0x9f: {  	s4 =	ssub.s32 $0x0, s20;
	[sflag:s22] =	ssyncset.done $0x0  }
0xa0: {  	[sflag:s22] =	ssyncadd.s32 s4;
	_ =	sdelay $0x1  }
0xa1: {  	s23 =	simm.s32 $0x1B8B  }
0xa2: {  	_ =	swait.ge [sflag:s23], $0x1  }
0xa3: {  	[sflag:s23] =	ssyncset.done $0x0  }
0xa4: {  	s25 =	simm.s32 $0x1B8E;
	s24 =	sld [smem:$0x3FFE];
	[sflag:s23] =	ssyncadd.s32 $0xFFFFFFFF  }
0xa5: {  	s26 =	simm.s32 $execute0_lowered;
	[smem:$0x3FD2] =	sst s25  }
0xa6: {  	s5 =	sshll.u32 s26, $0x1;
	_ =	strace $0x8000004C;
	[dreg:$0x1] =	wrdreg $0xFFFFFFFF  }
0xa7: {  	s28 =	simm.s32 $_size_execute0_lowered;
	s3 =	sadd.s32 s3, s5;
	[dreg:$0x0] =	wrdreg $0x0  }
0xa8: {  	s5 =	sshll.u32 s28, $0x1;
	[dreg:$0x2] =	wrdreg s3  }
0xa9: {  	[dreg:$0x3] =	wrdreg s5  }
0xaa: {  	[dreg:$0x4] =	wrdreg $0xC0  }
0xab: {  	_ =	task [dreg:s7], $0x5FFFF  }
0xac: {  	[dreg:$0x1] =	wrdreg $0xFFFFFFFF  }
0xad: {  	[dreg:$0x0] =	wrdreg $0x60  }
0xae: {  	[dreg:$0x2] =	wrdreg s24  }
0xaf: {  	[dreg:$0x3] =	wrdreg s2  }
0xb0: {  	[dreg:$0x4] =	wrdreg $0xA0000  }
0xb1: {  	[dreg:$0x5] =	wrdreg $0x9  }
0xb2: {  	_ =	task.clear_ibuf [dreg:s7], $0x6FFFF;
	_ =	strace $0x9000004C  }
0xb3: {  	s29 =	simm.s32 $0x9;
	_ =	strace $0x8000004E  }
0xb4: {  	_ =	swait.ge [sflag:s29], $0x1  }
0xb5: {  	[sflag:s29] =	ssyncadd.s32 $0xFFFFFFFF  }
0xb6: {  	_ =	strace $0x9000004E  }
0xb7: {  	_ =	sfence  }
0xb8: {  	s30 =	sld [smem:$0x0];
	_ =	sdelay $0x2  }
0xb9: {  	s31 =	sshll.u32 s1, $0xD;
	s1 =	sshrl.u32 s1, $0x2  }
0xba: {  	s3 =	sand.u32 $0x4000, s31;
	s1 =	sadd.s32 s1, s30  }
0xbb: {  	s0 =	sor.u32 s3, s0;
	s1 =	sshll.u32 s1, $0x11  }
0xbc: {  	s0 =	sor.u32 s1, s0  }
0xbd: {  	s0 =	sadd.s32 $0x8F2B, s0  }
0xbe: {  	[sflag:s0] =	ssyncadd.remote.s32 $0x1  }
0xbf: {  	_ =	sfence.sel $0xFFFF  }
0xc0: {  	[dreg:$0x0] =	wrdreg $0xFFFFFFFF;
	(pc) =	sbr.abs _section_cstart, $3  }
0xc1: {  	[dreg:$0x1] =	wrdreg $0xFFFFFFFF  }
0xc2: {  	_ =	task.clear_ibuf [dreg:s7], $0x2FFFF;
	_ =	strace $0x9FFFFFFF  }
0xc3: {  	(tm) =	ssettm $0x7FFFFFFF  }
tec
execute0_lowered:
.L_overlay_start_1:
0x0: {  	(tag) =	ssettag $0x1  }
0x1: {  	s0 =	rddreg [dreg:$0x0]  }
0x2: {  	s1 =	rddreg [dreg:$0x1]  }
0x3: {  	s2 =	rddreg [dreg:$0x2];
	s4 =	simm.s32 $0x0;
	s3 =	srdreg.scid  }
0x4: {  	s23 =	stileid.u32;
	s15 =	simm.s32 $0x6;
	s16 =	simm.s32 $0x1000  }
0x5: {  	s17 =	simm.s32 $0x40;
	s18 =	simm.s32 $0x2000;
	s19 =	simm.s32 $0x4000  }
0x6: {  	s20 =	simm.s32 $0x6000;
	s21 =	simm.s32 $0x8000;
	s22 =	simm.s32 $0x1  }
0x7: {  	s28 =	simm.s32 $0x4;
	s29 =	simm.s32 $0x5;
	[smem:$0x7FF] =	sst s4  }
0x8: {  	s5 =	sadd.s32 $0x5E600, s0;
	s3 =	sand.u32 $0x1, s3;
	s7 =	smul.u32 $0x50000, s23  }
0x9: {  	s6 =	sadd.s32 $0xFC00, s0;
	s8 =	sadd.s32 $0xD400, s0;
	s30 =	smul.u32 $0x13800, s23  }
0xa: {  	s0 =	sadd.s32 $0x86600, s0;
	s26 =	sshll.u32 s23, $0x6;
	s12 =	smul.u32 $0x4E000, s23  }
0xb: {  	p0 =	sne.s32 s23, $0xF;
	_ =	strace $0x8000004D;
	s10 =	smul.u32 $0xA0000, s3  }
0xc: {  	s9 =	ssub.s32 $0x2, s3;
	[dreg:$0x4] =	wrdreg s8;
	s8 =	smul.u32 $0xA000, s23  }
0xd: {  	s3 =	smul.u32 $0x138800, s3;
	s23 =	simm.s32 $0x2;
	s11 =	sshrl.u32 s9, $0x1  }
0xe: {  	s7 =	sshrl.u32 s7, $0x2;
	s12 =	sshrl.u32 s12, $0x2;
	s13 =	ssub.s32 s9, s11  }
0xf: {  	s7 =	sadd.s32 s7, s2;
	s9 =	sor.u32 $0x1C06, s26;
	s10 =	sadd.s32 s10, s8  }
0x10: {  	s11 =	sadd.s32 s30, s3;
	s3 =	sshrl.u32 s3, $0x3;
	s31 =	sadd.s32 s12, s2  }
0x11: {  	s26 =	simm.s32 $0x3;
	s11 =	sshrl.u32 s11, $0x3;
	s3 =	sadd.s32 s0, s3  }
0x12: {  	s13 =	smax.u32 s13, $0x1;
	s14 =	sshrl.u32 s7, $0x3;
	s3 =	sadd.s32 $0x27000, s3  }
0x13: {  	s0 =	sadd.s32 s0, s11;
	[dreg:$0x6] =	wrdreg s3;
	s3 =	sadd.s32 $0x138000, s2  }
0x14: {  	s24 =	sshrl.u32 s31, $0x3;
	[dreg:$0x5] =	wrdreg s0;
	s25 =	sshrl.u32 @!p0 s3, $0x3  }
.LBB2_1:
0x15: {  	s0 =	rddreg [dreg:$0x4]  }
0x16: {  	[spmem:s14], [sflag:s9] =	dma.local [hbm:s0], $0x2800  }
0x17: {  	_ =	swait.ge [sflag:s15], $0x2800  }
0x18: {  	[sflag:s15] =	ssyncset.done $0x0  }
0x19: {  	[sflag:s15] =	ssyncadd.s32 $0xFFFFD800  }
0x1a: {  	s30 =	simm.s32 $0x0;
	[bflag:$0x0] =	sbarrier.arrive $0xFFFF  }
.LBB2_2:
0x1b: {  	s0 =	sshll.u32 s30, $0xC  }
0x1c: {  	s3 =	sadd.s32 s10, s0  }
0x1d: {  	s3 =	sshrl.u32 s3, $0x3  }
0x1e: {  	s7 =	simm.s32 $0x0;
	s3 =	sadd.s32 s5, s3  }
0x1f: {  	[tilespmem:s7], [sflag:$0x6] =	stream.linear.gather [hbm4b:s3+s7], $0x1000, $0x38;
	[tilespmem:$0x1E000] =	vst v63  }
0x20: {  	s0 =	sadd.s32 s8, s0;
	_ =	swait.ge [sflag:s15], $0x1000  }
0x21: {  	s0 =	sshrl.u32 s0, $0x3;
	[sflag:s15] =	ssyncset.done $0x0  }
0x22: {  	s0 =	sadd.s32 s1, s0;
	[sflag:s15] =	ssyncadd.s32 $0xFFFFF000  }
0x23: {  	[tilespmem:s16], [sflag:$0x6] =	stream.linear.gather [hbm4b:s0+s7], $0x1000, $0x38;
	[tilespmem:$0x1E000] =	vst v63  }
0x24: {  	s12 =	sor.u32 s30, s7;
	_ =	swait.ge [sflag:s15], $0x1000  }
0x25: {  	p1 =	seq.s32 s12, $0x0;
	[sflag:s15] =	ssyncset.done $0x0  }
0x26: {  	s0 =	simm.s32 @!p1 $0x2;
	[sflag:s15] =	ssyncadd.s32 $0xFFFFF000  }
0x27: {  	_ =	swait.ge @!p1 [sflag:s0], $0x2000  }
0x28: {  	[sflag:s0] =	ssyncset.done @!p1 $0x0  }
0x29: {  	[sflag:s0] =	ssyncadd.s32 @!p1 $0xFFFFE000;
	s0 =	simm.s32 @!p1 $0x3  }
0x2a: {  	_ =	swait.ge @!p1 [sflag:s0], $0x2000  }
0x2b: {  	[sflag:s0] =	ssyncset.done @!p1 $0x0  }
0x2c: {  	[sflag:s0] =	ssyncadd.s32 @!p1 $0xFFFFE000;
	s0 =	simm.s32 @!p1 $0x4  }
0x2d: {  	_ =	swait.ge @!p1 [sflag:s0], $0x2000  }
0x2e: {  	[sflag:s0] =	ssyncset.done @!p1 $0x0  }
0x2f: {  	[sflag:s0] =	ssyncadd.s32 @!p1 $0xFFFFE000;
	s0 =	simm.s32 @!p1 $0x5  }
0x30: {  	_ =	swait.ge @!p1 [sflag:s0], $0x2000  }
0x31: {  	[sflag:s0] =	ssyncset.done @!p1 $0x0  }
0x32: {  	s3 =	simm.s32 $0x0;
	[sflag:s0] =	ssyncadd.s32 @!p1 $0xFFFFE000  }
0x33: {  	[tilespmem:s18], [sflag:$0x1] =	stream.indirect.gather [hbm4b:s6+s17], $0x80, s3, s17, $0xb8;
	[tilespmem:$0x1E000] =	vst v63  }
0x34: {  	s7 =	simm.s32 $0x80  }
0x35: {  	[tilespmem:s19], [sflag:$0x1] =	stream.indirect.gather [hbm4b:s6+s17], $0x80, s7, s17, $0xb8;
	[tilespmem:$0x1E000] =	vst v63  }
0x36: {  	s11 =	simm.s32 $0x100  }
0x37: {  	[tilespmem:s20], [sflag:$0x1] =	stream.indirect.gather [hbm4b:s6+s17], $0x80, s11, s17, $0xb8;
	[tilespmem:$0x1E000] =	vst v63  }
0x38: {  	s12 =	simm.s32 $0x180  }
0x39: {  	[tilespmem:s21], [sflag:$0x1] =	stream.indirect.gather [hbm4b:s6+s17], $0x80, s12, s17, $0xb8;
	[tilespmem:$0x1E000] =	vst v63  }
0x3a: {  	_ =	swait.ge [sflag:s22], $0x2000  }
0x3b: {  	[sflag:s22] =	ssyncset.done $0x0  }
0x3c: {  	s3 =	simm.s32 $0x1000;
	[sflag:s22] =	ssyncadd.s32 $0xFFFFE000  }
0x3d: {  	[spmem:s2] =	stream.indirect.scatter.add.f32 [tilespmem:s18], [sflag:$0x2], $0x80, s3, s17, $0xb8;
	[tilespmem:$0x1E000] =	vst v63  }
0x3e: {  	_ =	swait.ge [sflag:s22], $0x2000  }
0x3f: {  	[sflag:s22] =	ssyncset.done $0x0  }
0x40: {  	s7 =	simm.s32 $0x1080;
	[sflag:s22] =	ssyncadd.s32 $0xFFFFE000  }
0x41: {  	[spmem:s2] =	stream.indirect.scatter.add.f32 [tilespmem:s19], [sflag:$0x3], $0x80, s7, s17, $0xb8;
	[tilespmem:$0x1E000] =	vst v63  }
0x42: {  	_ =	swait.ge [sflag:s22], $0x2000  }
0x43: {  	s0 =	simm.s32 $0x1;
	[sflag:s22] =	ssyncset.done $0x0  }
0x44: {  	s11 =	simm.s32 $0x1100;
	s12 =	sor.u32 s30, s0;
	[sflag:s22] =	ssyncadd.s32 $0xFFFFE000  }
0x45: {  	[spmem:s2] =	stream.indirect.scatter.add.f32 [tilespmem:s20], [sflag:$0x4], $0x80, s11, s17, $0xb8;
	[tilespmem:$0x1E000] =	vst v63  }
0x46: {  	s31 =	simm.s32 $0x800;
	p2 =	seq.s32 s12, $0x0;
	_ =	swait.ge [sflag:s22], $0x2000  }
0x47: {  	s3 =	simm.s32 $0x1000;
	s7 =	simm.s32 $0x1180;
	[sflag:s22] =	ssyncset.done $0x0  }
.LBB2_3:
0x48: {  	s11 =	simm.s32 @!p2 $0x2  }
0x49: {  	[sflag:s22] =	ssyncadd.s32 $0xFFFFE000;
	s12 =	smov.u32 s3;
	s3 =	sadd.s32 $0x800, s3  }
0x4a: {  	[spmem:s2] =	stream.indirect.scatter.add.f32 [tilespmem:s21], [sflag:$0x5], $0x80, s7, s17, $0xb8;
	[tilespmem:$0x1E000] =	vst v63  }
0x4b: {  	p1 =	sne.s32 s3, $0x4000;
	_ =	swait.ge @!p2 [sflag:s11], $0x2000  }
0x4c: {  	[sflag:s11] =	ssyncset.done @!p2 $0x0  }
0x4d: {  	s7 =	simm.s32 @!p2 $0x3;
	[sflag:s11] =	ssyncadd.s32 @!p2 $0xFFFFE000  }
0x4e: {  	_ =	swait.ge @!p2 [sflag:s7], $0x2000  }
0x4f: {  	[sflag:s7] =	ssyncset.done @!p2 $0x0  }
0x50: {  	[sflag:s7] =	ssyncadd.s32 @!p2 $0xFFFFE000;
	s7 =	simm.s32 @!p2 $0x4  }
0x51: {  	_ =	swait.ge @!p2 [sflag:s7], $0x2000  }
0x52: {  	[sflag:s7] =	ssyncset.done @!p2 $0x0  }
0x53: {  	[sflag:s7] =	ssyncadd.s32 @!p2 $0xFFFFE000;
	s7 =	simm.s32 @!p2 $0x5  }
0x54: {  	_ =	swait.ge @!p2 [sflag:s7], $0x2000  }
0x55: {  	[sflag:s7] =	ssyncset.done @!p2 $0x0  }
0x56: {  	[sflag:s7] =	ssyncadd.s32 @!p2 $0xFFFFE000;
	s7 =	sshra.s32 s31, $0x2;
	s31 =	smov.u32 s12  }
0x57: {  	[tilespmem:s18], [sflag:$0x1] =	stream.indirect.gather [hbm4b:s6+s17], $0x80, s7, s17, $0xb8;
	[tilespmem:$0x1E000] =	vst v63  }
0x58: {  	s11 =	sadd.s32 $0x80, s7  }
0x59: {  	[tilespmem:s19], [sflag:$0x1] =	stream.indirect.gather [hbm4b:s6+s17], $0x80, s11, s17, $0xb8;
	[tilespmem:$0x1E000] =	vst v63  }
0x5a: {  	s11 =	sadd.s32 $0x100, s7  }
0x5b: {  	[tilespmem:s20], [sflag:$0x1] =	stream.indirect.gather [hbm4b:s6+s17], $0x80, s11, s17, $0xb8;
	[tilespmem:$0x1E000] =	vst v63  }
0x5c: {  	s11 =	sadd.s32 $0x180, s7  }
0x5d: {  	[tilespmem:s21], [sflag:$0x1] =	stream.indirect.gather [hbm4b:s6+s17], $0x80, s11, s17, $0xb8;
	[tilespmem:$0x1E000] =	vst v63  }
0x5e: {  	_ =	swait.ge [sflag:s22], $0x2000  }
0x5f: {  	[sflag:s22] =	ssyncset.done $0x0  }
0x60: {  	s11 =	sadd.s32 $0x1000, s7;
	[sflag:s22] =	ssyncadd.s32 $0xFFFFE000  }
0x61: {  	[spmem:s2] =	stream.indirect.scatter.add.f32 [tilespmem:s18], [sflag:$0x2], $0x80, s11, s17, $0xb8;
	[tilespmem:$0x1E000] =	vst v63  }
0x62: {  	_ =	swait.ge [sflag:s22], $0x2000  }
0x63: {  	[sflag:s22] =	ssyncset.done $0x0  }
0x64: {  	s11 =	sadd.s32 $0x1080, s7;
	[sflag:s22] =	ssyncadd.s32 $0xFFFFE000  }
0x65: {  	[spmem:s2] =	stream.indirect.scatter.add.f32 [tilespmem:s19], [sflag:$0x3], $0x80, s11, s17, $0xb8;
	[tilespmem:$0x1E000] =	vst v63  }
0x66: {  	_ =	swait.ge [sflag:s22], $0x2000  }
.Ltmp0:
0x67: {  	[sflag:s22] =	ssyncset.done $0x0;
	(pc) =	sbr.rel @p1 .LBB2_3-.Ltmp0, $4  }
0x68: {  	s0 =	sadd.s32 $0x1, s0;
	s11 =	sadd.s32 $0x1100, s7;
	[sflag:s22] =	ssyncadd.s32 $0xFFFFE000  }
0x69: {  	[spmem:s2] =	stream.indirect.scatter.add.f32 [tilespmem:s20], [sflag:$0x4], $0x80, s11, s17, $0xb8;
	[tilespmem:$0x1E000] =	vst v63  }
0x6a: {  	s11 =	sor.u32 s30, s0;
	_ =	swait.ge [sflag:s22], $0x2000  }
0x6b: {  	s7 =	sadd.s32 $0x1180, s7;
	p2 =	seq.s32 s11, $0x0;
	[sflag:s22] =	ssyncset.done $0x0  }
0x6c: {  	s0 =	simm.s32 @!p2 $0x2;
	[sflag:s22] =	ssyncadd.s32 $0xFFFFE000  }
0x6d: {  	[spmem:s2] =	stream.indirect.scatter.add.f32 [tilespmem:s21], [sflag:$0x5], $0x80, s7, s17, $0xb8;
	[tilespmem:$0x1E000] =	vst v63  }
0x6e: {  	_ =	swait.ge @!p2 [sflag:s0], $0x2000  }
0x6f: {  	[sflag:s0] =	ssyncset.done @!p2 $0x0  }
0x70: {  	[sflag:s0] =	ssyncadd.s32 @!p2 $0xFFFFE000;
	s0 =	simm.s32 @!p2 $0x3  }
0x71: {  	_ =	swait.ge @!p2 [sflag:s0], $0x2000  }
0x72: {  	[sflag:s0] =	ssyncset.done @!p2 $0x0  }
0x73: {  	[sflag:s0] =	ssyncadd.s32 @!p2 $0xFFFFE000;
	s0 =	simm.s32 @!p2 $0x4  }
0x74: {  	_ =	swait.ge @!p2 [sflag:s0], $0x2000  }
0x75: {  	[sflag:s0] =	ssyncset.done @!p2 $0x0  }
0x76: {  	[sflag:s0] =	ssyncadd.s32 @!p2 $0xFFFFE000;
	s0 =	simm.s32 @!p2 $0x5  }
0x77: {  	_ =	swait.ge @!p2 [sflag:s0], $0x2000  }
0x78: {  	[sflag:s0] =	ssyncset.done @!p2 $0x0  }
0x79: {  	[sflag:s0] =	ssyncadd.s32 @!p2 $0xFFFFE000;
	s0 =	sshra.s32 s31, $0x2  }
0x7a: {  	[tilespmem:s18], [sflag:$0x1] =	stream.indirect.gather [hbm4b:s6+s17], $0x80, s0, s17, $0xb8;
	[tilespmem:$0x1E000] =	vst v63  }
0x7b: {  	s3 =	sadd.s32 $0x80, s0  }
0x7c: {  	[tilespmem:s19], [sflag:$0x1] =	stream.indirect.gather [hbm4b:s6+s17], $0x80, s3, s17, $0xb8;
	[tilespmem:$0x1E000] =	vst v63  }
0x7d: {  	s31 =	sadd.s32 $0x100, s0  }
0x7e: {  	[tilespmem:s20], [sflag:$0x1] =	stream.indirect.gather [hbm4b:s6+s17], $0x80, s31, s17, $0xb8;
	[tilespmem:$0x1E000] =	vst v63  }
0x7f: {  	s7 =	sadd.s32 $0x180, s0  }
0x80: {  	[tilespmem:s21], [sflag:$0x1] =	stream.indirect.gather [hbm4b:s6+s17], $0x80, s7, s17, $0xb8;
	[tilespmem:$0x1E000] =	vst v63  }
0x81: {  	_ =	swait.ge [sflag:s22], $0x2000  }
0x82: {  	[sflag:s22] =	ssyncset.done $0x0  }
0x83: {  	s11 =	sadd.s32 $0x1000, s0;
	[sflag:s22] =	ssyncadd.s32 $0xFFFFE000  }
0x84: {  	[spmem:s2] =	stream.indirect.scatter.add.f32 [tilespmem:s18], [sflag:$0x2], $0x80, s11, s17, $0xb8;
	[tilespmem:$0x1E000] =	vst v63  }
0x85: {  	_ =	swait.ge [sflag:s22], $0x2000  }
0x86: {  	[sflag:s22] =	ssyncset.done $0x0  }
0x87: {  	s12 =	sadd.s32 $0x1080, s0;
	[sflag:s22] =	ssyncadd.s32 $0xFFFFE000  }
0x88: {  	[spmem:s2] =	stream.indirect.scatter.add.f32 [tilespmem:s19], [sflag:$0x3], $0x80, s12, s17, $0xb8;
	[tilespmem:$0x1E000] =	vst v63  }
0x89: {  	_ =	swait.ge [sflag:s22], $0x2000  }
0x8a: {  	s30 =	sadd.s32 $0x1, s30;
	[sflag:s22] =	ssyncset.done $0x0  }
0x8b: {  	p1 =	sne.s32 s30, $0xA;
	s31 =	sadd.s32 $0x1100, s0;
	[sflag:s22] =	ssyncadd.s32 $0xFFFFE000  }
0x8c: {  	[spmem:s2] =	stream.indirect.scatter.add.f32 [tilespmem:s20], [sflag:$0x4], $0x80, s31, s17, $0xb8;
	[tilespmem:$0x1E000] =	vst v63  }
.Ltmp1:
0x8d: {  	_ = 	snop;
	(pc) =	sbr.rel @p1 .LBB2_2-.Ltmp1, $4  }
0x8e: {  	_ =	swait.ge [sflag:s22], $0x2000  }
0x8f: {  	[sflag:s22] =	ssyncset.done $0x0  }
0x90: {  	s0 =	sadd.s32 $0x1180, s0;
	[sflag:s22] =	ssyncadd.s32 $0xFFFFE000  }
0x91: {  	[spmem:s2] =	stream.indirect.scatter.add.f32 [tilespmem:s21], [sflag:$0x5], $0x80, s0, s17, $0xb8;
	[tilespmem:$0x1E000] =	vst v63  }
0x92: {  	_ =	swait.ge [sflag:s23], $0x2000  }
0x93: {  	[sflag:s23] =	ssyncset.done $0x0  }
0x94: {  	[sflag:s23] =	ssyncadd.s32 $0xFFFFE000  }
0x95: {  	_ =	swait.ge [sflag:s26], $0x2000  }
0x96: {  	[sflag:s26] =	ssyncset.done $0x0  }
0x97: {  	[sflag:s26] =	ssyncadd.s32 $0xFFFFE000  }
0x98: {  	_ =	swait.ge [sflag:s28], $0x2000  }
0x99: {  	[sflag:s28] =	ssyncset.done $0x0  }
0x9a: {  	[sflag:s28] =	ssyncadd.s32 $0xFFFFE000  }
0x9b: {  	_ =	swait.ge [sflag:s29], $0x2000  }
0x9c: {  	[sflag:s29] =	ssyncset.done $0x0  }
0x9d: {  	[sflag:s29] =	ssyncadd.s32 $0xFFFFE000  }
0x9e: {  	[bflag:$0x0] =	sbarrier.arrive $0xFFFF  }
0x9f: {  	s0 =	rddreg [dreg:$0x5]  }
0xa0: {  	[hbm:s0], [sflag:s9] =	dma.local [spmem:s24], $0x2700  }
0xa1: {  	_ =	swait.ge [sflag:s15], $0x2700  }
0xa2: {  	s4 =	sadd.s32 $0x1, s4;
	[sflag:s15] =	ssyncset.done $0x0  }
0xa3: {  	p1 =	sne.s32 s4, s13;
	s0 =	rddreg [dreg:$0x6];
	[sflag:s15] =	ssyncadd.s32 $0xFFFFD900  }
0xa4: {  	[hbm:s0], [sflag:s9] =	dma.local @!p0 [spmem:s25], $0x100  }
.Ltmp2:
0xa5: {  	_ = 	snop;
	(pc) =	sbr.rel @p1 .LBB2_1-.Ltmp2, $4  }
0xa6: {  	s0 =	simm.s32 @!p0 $0x6  }
0xa7: {  	_ =	swait.ge @!p0 [sflag:s0], $0x100  }
0xa8: {  	[sflag:s0] =	ssyncset.done @!p0 $0x0  }
0xa9: {  	[sflag:s0] =	ssyncadd.s32 @!p0 $0xFFFFFF00  }
0xaa: {  	_ =	sfence.sel $0x180000  }
0xab: {  	[bflag:$0x0] =	sbarrier.arrive $0xFFFF  }
0xac: {  	_ =	strace $0x9000004D  }
0xad: {  	s0 =	stileid.u32;
	[bflag:$0x2] =	sbarrier.arrive $0xFFFF  }
0xae: {  	p0 =	sne.s32 s0, $0x0;
	s0 =	rddreg [dreg:$0x3]  }
0xaf: {  	s0 =	sadd.s32 @!p0 $0x100000, s0  }
0xb0: {  	[sflag:s0] =	ssyncadd.tile.s32 @!p0 $0x1;
	_ =	shalt  }
.Lfunc_end2:
_tile_overlayer_lowered:
.L_overlay_start_2:
0xb1: {  	(tag) =	ssettag $0x2  }
0xb2: {  	s0 =	rddreg [dreg:$0x0];
	s2 =	stileid.u32  }
0xb3: {  	s1 =	rddreg [dreg:$0x1];
	p0 =	sne.s32 s2, $0x0  }
0xb4: {  	s3 =	rddreg [dreg:$0x2];
	[bflag:$0x3] =	sbarrier.arrive $0xFFFF;
	s2 =	simm.s32 @!p0 $0x1C06  }
0xb5: {  	[timem:s3], [sflag:s2] =	dma.local @!p0 [hbm:s0], s1  }
0xb6: {  	s0 =	simm.s32 @!p0 $0x6  }
0xb7: {  	_ =	swait.ge @!p0 [sflag:s0], s1  }
0xb8: {  	s1 =	ssub.s32 @!p0 $0x0, s1;
	[sflag:s0] =	ssyncset.done @!p0 $0x0  }
0xb9: {  	[sflag:s0] =	ssyncadd.s32 @!p0 s1  }
0xba: {  	[bflag:$0x3] =	sbarrier.arrive $0xFFFF  }
0xbb: {  	_ =	shalt  }

// kernel: kernel.19.cloned.1.call-start
scs
__scs_entry_jumppad:
0x0: {  	(pc) =	sbr.rel $0x88, $3  }
0x1: {  	(tag) =	ssettag $0x0;
	lr =	simm.s32 $0x1  }
0x2: {  	[smem:$0x3F95] =	sst lr;
	_ =	strace $0xD0000000  }
0x3: {  	_ = 	snop  }
0x4: {  	_ = 	snop  }
0x5: {  	_ = 	snop  }
0x6: {  	_ = 	snop  }
0x7: {  	_ = 	snop  }
__scs_overlays_trampoline_lowered:
0x8: {  	[smem:$0x3FA4] =	sst s0  }
0x9: {  	[smem:$0x3FA5] =	sst s1  }
0xa: {  	[smem:$0x3FA6] =	sst s2  }
0xb: {  	[smem:$0x3FA7] =	sst s3  }
0xc: {  	[smem:$0x3FA8] =	sst s4  }
0xd: {  	[smem:$0x3FA9] =	sst s5  }
0xe: {  	[smem:$0x3FAA] =	sst s6  }
0xf: {  	[smem:$0x3FAB] =	sst s7  }
0x10: {  	[smem:$0x3FAC] =	sst s8  }
0x11: {  	[smem:$0x3FAD] =	sst s9;
	s0 =	simm.s32 @!p0 $0x0  }
0x12: {  	s1 =	sld [smem:$0x3F93];
	s0 =	simm.s32 @p0 $0x1  }
0x13: {  	[smem:$0x3FAE] =	sst s0;
	s0 =	simm.s32 @!p1 $0x0  }
0x14: {  	s2 =	sld [smem:$0x3F92];
	s0 =	simm.s32 @p1 $0x1  }
0x15: {  	[smem:$0x3FAF] =	sst s0;
	s0 =	simm.s32 @!p2 $0x0  }
0x16: {  	s3 =	sld [smem:$0x3FDB];
	s0 =	simm.s32 @p2 $0x1  }
0x17: {  	s4 =	simm.s32 $0x1BF5;
	[smem:$0x3FB1] =	sst s0  }
0x18: {  	s0 =	sld [smem:$0x3F94];
	_ =	swait.ge [sflag:s4], $0x0  }
0x19: {  	s7 =	sld [smem:$0x3F95]  }
0x1a: {  	s8 =	sadd.s32 $0xFFFFE003, lr  }
0x1b: {  	s9 =	sadd.s32 $0xFFFFFEF7, lr;
	s5 =	simm.s32 $0xFFFFFFFF;
	p2 =	slt.u32 s8, $0xFFFFF086  }
0x1c: {  	p1 =	slt.u32 s9, $0xF7A;
	s5 =	simm.s32 @!p2 $0x0  }
0x1d: {  	s5 =	simm.s32 @p1 $0x1;
	p0 =	seq.s32 s7, s2  }
0x1e: {  	s7 =	smul.u32 @!p0 $0xF7A, s2;
	p2 =	seq.s32 @!p0 s5, $0x0  }
0x1f: {  	s9 =	smul.u32 $0xF7A, s1;
	s8 =	simm.s32 @!p0 $0x1BF5;
	p2 =	por !p2, p0  }
0x20: {  	[sflag:s8] =	ssyncset.s32 @!p0 $0xFFFFF086;
	s6 =	sadd.s32 @!p0 s3, s7;
	s7 =	simm.s32 @!p0 $0x108  }
0x21: {  	s3 =	sadd.s32 s3, s9;
	s6 =	sadd.s32 @!p0 $0x88, s6;
	s7 =	simm.s32 @p2 $0x1082  }
0x22: {  	[simem:s7], [sflag:s8] =	dma.local @!p0 [hbm:s6], $0xF7A  }
0x23: {  	s9 =	sor.u32 $0xD0000000, s2;
	s6 =	simm.s32 $0x108;
	_ =	swait.ge @!p0 [sflag:s8], $0x0  }
0x24: {  	s3 =	sadd.s32 $0x88, s3;
	s6 =	simm.s32 @!p1 $0x1082;
	[sflag:s4] =	ssyncset.s32 $0xFFFFF086  }
0x25: {  	[simem:s6], [sflag:s4] =	dma.local [hbm:s3], $0xF7A  }
0x26: {  	[smem:$0x3F95] =	sst s1;
	(tag) =	ssettag s2;
	_ =	strace s9  }
0x27: {  	s1 =	sld [smem:$0x3FA5]  }
0x28: {  	s2 =	sld [smem:$0x3FA6]  }
0x29: {  	s4 =	sld [smem:$0x3FA8]  }
0x2a: {  	p0 =	seq.s32 s5, $0x0;
	s5 =	sld [smem:$0x3FA9]  }
0x2b: {  	s6 =	sld [smem:$0x3FAA]  }
0x2c: {  	s7 =	sld [smem:$0x3FAB]  }
0x2d: {  	s3 =	simm.s32 $0x108;
	s8 =	sld [smem:$0x3FAC]  }
0x2e: {  	s3 =	simm.s32 @!p0 $0x1082;
	s9 =	sld [smem:$0x3FAD]  }
0x2f: {  	lr =	sadd.s32 s0, s3;
	s0 =	sld [smem:$0x3FA4]  }
0x30: {  	s3 =	sld [smem:$0x3FA7]  }
0x31: {  	[smem:$0x3FB0] =	sst s10  }
0x32: {  	s10 =	sld [smem:$0x3FAE];
	_ =	sdelay $0x3  }
0x33: {  	p0 =	seq.s32 s10, $0x1;
	s10 =	sld [smem:$0x3FB0];
	_ =	sdelay $0x3  }
0x34: {  	[smem:$0x3FB0] =	sst s10  }
0x35: {  	s10 =	sld [smem:$0x3FAF];
	_ =	sdelay $0x3  }
0x36: {  	p1 =	seq.s32 s10, $0x1;
	s10 =	sld [smem:$0x3FB0];
	_ =	sdelay $0x3  }
0x37: {  	[smem:$0x3FB0] =	sst s10  }
0x38: {  	s10 =	sld [smem:$0x3FB1]  }
0x39: {  	_ = 	snop;
	(pc) =	sbr.ind lr, $3  }
0x3a: {  	_ = 	snop  }
0x3b: {  	_ = 	snop  }
0x3c: {  	p2 =	seq.s32 s10, $0x1;
	s10 =	sld [smem:$0x3FB0]  }
0x3d: {  	_ =	shalt  }
0x3e: {  	_ =	shalt  }
0x3f: {  	_ =	shalt  }
0x40: {  	_ =	shalt  }
0x41: {  	_ =	shalt  }
0x42: {  	_ =	shalt  }
0x43: {  	_ =	shalt  }
0x44: {  	_ =	shalt  }
0x45: {  	_ =	shalt  }
0x46: {  	_ =	shalt  }
0x47: {  	_ =	shalt  }
0x48: {  	_ =	shalt  }
0x49: {  	_ =	shalt  }
0x4a: {  	_ =	shalt  }
0x4b: {  	_ =	shalt  }
0x4c: {  	_ =	shalt  }
0x4d: {  	_ =	shalt  }
0x4e: {  	_ =	shalt  }
0x4f: {  	_ =	shalt  }
0x50: {  	_ =	shalt  }
0x51: {  	_ =	shalt  }
0x52: {  	_ =	shalt  }
0x53: {  	_ =	shalt  }
0x54: {  	_ =	shalt  }
0x55: {  	_ =	shalt  }
0x56: {  	_ =	shalt  }
0x57: {  	_ =	shalt  }
0x58: {  	_ =	shalt  }
0x59: {  	_ =	shalt  }
0x5a: {  	_ =	shalt  }
0x5b: {  	_ =	shalt  }
0x5c: {  	_ =	shalt  }
0x5d: {  	_ =	shalt  }
0x5e: {  	_ =	shalt  }
0x5f: {  	_ =	shalt  }
0x60: {  	_ =	shalt  }
0x61: {  	_ =	shalt  }
0x62: {  	_ =	shalt  }
0x63: {  	_ =	shalt  }
0x64: {  	_ =	shalt  }
0x65: {  	_ =	shalt  }
0x66: {  	_ =	shalt  }
0x67: {  	_ =	shalt  }
0x68: {  	_ =	shalt  }
0x69: {  	_ =	shalt  }
0x6a: {  	_ =	shalt  }
0x6b: {  	_ =	shalt  }
0x6c: {  	_ =	shalt  }
0x6d: {  	_ =	shalt  }
0x6e: {  	_ =	shalt  }
0x6f: {  	_ =	shalt  }
0x70: {  	_ =	shalt  }
0x71: {  	_ =	shalt  }
0x72: {  	_ =	shalt  }
0x73: {  	_ =	shalt  }
0x74: {  	_ =	shalt  }
0x75: {  	_ =	shalt  }
0x76: {  	_ =	shalt  }
0x77: {  	_ =	shalt  }
0x78: {  	_ =	shalt  }
0x79: {  	_ =	shalt  }
0x7a: {  	_ =	shalt  }
0x7b: {  	_ =	shalt  }
0x7c: {  	_ =	shalt  }
0x7d: {  	_ =	shalt  }
0x7e: {  	_ =	shalt  }
0x7f: {  	_ =	shalt  }
0x80: {  	_ =	shalt  }
0x81: {  	_ =	shalt  }
0x82: {  	_ =	shalt  }
0x83: {  	_ =	shalt  }
0x84: {  	_ =	shalt  }
0x85: {  	_ =	shalt  }
0x86: {  	_ =	shalt  }
0x87: {  	_ =	shalt  }
.Lfunc_end0:
.L_simem_size_0:
called_computation.3_lowered:
.L_overlay_start_0:
0x88: {  	s2 =	sld [smem:$0x3FD9]  }
0x89: {  	s3 =	sld [smem:$0x3FFE];
	_ =	sdelay $0x1  }
0x8a: {  	s1 =	srdreg.scid  }
0x8b: {  	s0 =	sand.u32 $0x1, s1  }
0x8c: {  	s17 =	sshll.u32 s0, $0xA;
	s2 =	sadd.s32 s3, s2  }
0x8d: {  	s2 =	sadd.s32 s2, s17  }
0x8e: {  	[smem:$0x3FBC] =	sst s2  }
0x8f: {  	_ = 	snop  }
0x90: {  	s2 =	sld [smem:$0x3FD0];
	(tm) =	ssettm $0x1  }
0x91: {  	s18 =	sld [smem:$0x3FFB];
	_ =	sdelay $0x3  }
0x92: {  	_ =	strace s18  }
0x93: {  	s3 =	sld [smem:$0x3FFC];
	_ =	sdelay $0x3  }
0x94: {  	_ =	strace s3  }
0x95: {  	s3 =	sld [smem:$0x3FFD];
	_ =	sdelay $0x3  }
0x96: {  	_ =	strace s3  }
0x97: {  	_ =	strace $0x8FFFFFFF  }
0x98: {  	s19 =	sld [smem:$0x3FDB];
	_ =	sdelay $0x1  }
0x99: {  	s4 =	simm.s32 $_scs_section_size  }
0x9a: {  	s5 =	simm.s32 $_size__tile_overlayer_lowered;
	s6 =	simm.s32 $_tile_overlayer_lowered  }
0x9b: {  	s22 =	simm.s32 $0x1BFF;
	s21 =	sshll.u32 s6, $0x1;
	s3 =	sadd.s32 s4, s19  }
0x9c: {  	s7 =	simm.s32 $0x0;
	s20 =	sshll.u32 s5, $0x1;
	s5 =	sadd.s32 s21, s3  }
0x9d: {  	[timem:s7], [sflag:s22] =	dma.local [hbm:s5], s20  }
0x9e: {  	_ =	swait.ge [sflag:s22], s20  }
0x9f: {  	s4 =	ssub.s32 $0x0, s20;
	[sflag:s22] =	ssyncset.done $0x0  }
0xa0: {  	[sflag:s22] =	ssyncadd.s32 s4;
	_ =	sdelay $0x1  }
0xa1: {  	s23 =	simm.s32 $0x1B8B  }
0xa2: {  	_ =	swait.ge [sflag:s23], $0x1  }
0xa3: {  	[sflag:s23] =	ssyncset.done $0x0  }
0xa4: {  	s25 =	simm.s32 $0x1B8E;
	s24 =	sld [smem:$0x3FFE];
	[sflag:s23] =	ssyncadd.s32 $0xFFFFFFFF  }
0xa5: {  	s26 =	simm.s32 $execute0_lowered;
	[smem:$0x3FD2] =	sst s25  }
0xa6: {  	s5 =	sshll.u32 s26, $0x1;
	_ =	strace $0x8000004F;
	[dreg:$0x1] =	wrdreg $0xFFFFFFFF  }
0xa7: {  	s28 =	simm.s32 $_size_execute0_lowered;
	s3 =	sadd.s32 s3, s5;
	[dreg:$0x0] =	wrdreg $0x0  }
0xa8: {  	s5 =	sshll.u32 s28, $0x1;
	[dreg:$0x2] =	wrdreg s3  }
0xa9: {  	[dreg:$0x3] =	wrdreg s5  }
0xaa: {  	[dreg:$0x4] =	wrdreg $0xC0  }
0xab: {  	_ =	task [dreg:s7], $0x5FFFF  }
0xac: {  	[dreg:$0x1] =	wrdreg $0xFFFFFFFF  }
0xad: {  	[dreg:$0x0] =	wrdreg $0x60  }
0xae: {  	[dreg:$0x2] =	wrdreg s24  }
0xaf: {  	[dreg:$0x3] =	wrdreg s2  }
0xb0: {  	[dreg:$0x4] =	wrdreg $0xA0000  }
0xb1: {  	[dreg:$0x5] =	wrdreg $0x9  }
0xb2: {  	_ =	task.clear_ibuf [dreg:s7], $0x6FFFF;
	_ =	strace $0x9000004F  }
0xb3: {  	s29 =	simm.s32 $0x9;
	_ =	strace $0x80000051  }
0xb4: {  	_ =	swait.ge [sflag:s29], $0x1  }
0xb5: {  	[sflag:s29] =	ssyncadd.s32 $0xFFFFFFFF  }
0xb6: {  	_ =	strace $0x90000051  }
0xb7: {  	_ =	sfence  }
0xb8: {  	s30 =	sld [smem:$0x0];
	_ =	sdelay $0x2  }
0xb9: {  	s31 =	sshll.u32 s1, $0xD;
	s1 =	sshrl.u32 s1, $0x2  }
0xba: {  	s3 =	sand.u32 $0x4000, s31;
	s1 =	sadd.s32 s1, s30  }
0xbb: {  	s0 =	sor.u32 s3, s0;
	s1 =	sshll.u32 s1, $0x11  }
0xbc: {  	s0 =	sor.u32 s1, s0  }
0xbd: {  	s0 =	sadd.s32 $0x8F2B, s0  }
0xbe: {  	[sflag:s0] =	ssyncadd.remote.s32 $0x1  }
0xbf: {  	_ =	sfence.sel $0xFFFF  }
0xc0: {  	[dreg:$0x0] =	wrdreg $0xFFFFFFFF;
	(pc) =	sbr.abs _section_cstart, $3  }
0xc1: {  	[dreg:$0x1] =	wrdreg $0xFFFFFFFF  }
0xc2: {  	_ =	task.clear_ibuf [dreg:s7], $0x2FFFF;
	_ =	strace $0x9FFFFFFF  }
0xc3: {  	(tm) =	ssettm $0x7FFFFFFF  }
tec
execute0_lowered:
.L_overlay_start_1:
0x0: {  	(tag) =	ssettag $0x1  }
0x1: {  	s0 =	rddreg [dreg:$0x0]  }
0x2: {  	s1 =	rddreg [dreg:$0x1]  }
0x3: {  	s2 =	rddreg [dreg:$0x2];
	s4 =	simm.s32 $0x0;
	s3 =	srdreg.scid  }
0x4: {  	s23 =	stileid.u32;
	s15 =	simm.s32 $0x6;
	s16 =	simm.s32 $0x1000  }
0x5: {  	s17 =	simm.s32 $0x40;
	s18 =	simm.s32 $0x2000;
	s19 =	simm.s32 $0x4000  }
0x6: {  	s20 =	simm.s32 $0x6000;
	s21 =	simm.s32 $0x8000;
	s22 =	simm.s32 $0x1  }
0x7: {  	s28 =	simm.s32 $0x4;
	s29 =	simm.s32 $0x5;
	[smem:$0x7FF] =	sst s4  }
0x8: {  	s5 =	sadd.s32 $0x5E600, s0;
	s3 =	sand.u32 $0x1, s3;
	s7 =	smul.u32 $0x50000, s23  }
0x9: {  	s6 =	sadd.s32 $0xFC00, s0;
	s8 =	sadd.s32 $0xD400, s0;
	s30 =	smul.u32 $0x13800, s23  }
0xa: {  	s0 =	sadd.s32 $0x86600, s0;
	s26 =	sshll.u32 s23, $0x6;
	s12 =	smul.u32 $0x4E000, s23  }
0xb: {  	p0 =	sne.s32 s23, $0xF;
	_ =	strace $0x80000050;
	s10 =	smul.u32 $0xA0000, s3  }
0xc: {  	s9 =	ssub.s32 $0x2, s3;
	[dreg:$0x4] =	wrdreg s8;
	s8 =	smul.u32 $0xA000, s23  }
0xd: {  	s3 =	smul.u32 $0x138800, s3;
	s23 =	simm.s32 $0x2;
	s11 =	sshrl.u32 s9, $0x1  }
0xe: {  	s7 =	sshrl.u32 s7, $0x2;
	s12 =	sshrl.u32 s12, $0x2;
	s13 =	ssub.s32 s9, s11  }
0xf: {  	s7 =	sadd.s32 s7, s2;
	s9 =	sor.u32 $0x1C06, s26;
	s10 =	sadd.s32 s10, s8  }
0x10: {  	s11 =	sadd.s32 s30, s3;
	s3 =	sshrl.u32 s3, $0x3;
	s31 =	sadd.s32 s12, s2  }
0x11: {  	s26 =	simm.s32 $0x3;
	s11 =	sshrl.u32 s11, $0x3;
	s3 =	sadd.s32 s0, s3  }
0x12: {  	s13 =	smax.u32 s13, $0x1;
	s14 =	sshrl.u32 s7, $0x3;
	s3 =	sadd.s32 $0x27000, s3  }
0x13: {  	s0 =	sadd.s32 s0, s11;
	[dreg:$0x6] =	wrdreg s3;
	s3 =	sadd.s32 $0x138000, s2  }
0x14: {  	s24 =	sshrl.u32 s31, $0x3;
	[dreg:$0x5] =	wrdreg s0;
	s25 =	sshrl.u32 @!p0 s3, $0x3  }
.LBB2_1:
0x15: {  	s0 =	rddreg [dreg:$0x4]  }
0x16: {  	[spmem:s14], [sflag:s9] =	dma.local [hbm:s0], $0x2800  }
0x17: {  	_ =	swait.ge [sflag:s15], $0x2800  }
0x18: {  	[sflag:s15] =	ssyncset.done $0x0  }
0x19: {  	[sflag:s15] =	ssyncadd.s32 $0xFFFFD800  }
0x1a: {  	s30 =	simm.s32 $0x0;
	[bflag:$0x0] =	sbarrier.arrive $0xFFFF  }
.LBB2_2:
0x1b: {  	s0 =	sshll.u32 s30, $0xC  }
0x1c: {  	s3 =	sadd.s32 s10, s0  }
0x1d: {  	s3 =	sshrl.u32 s3, $0x3  }
0x1e: {  	s7 =	simm.s32 $0x0;
	s3 =	sadd.s32 s5, s3  }
0x1f: {  	[tilespmem:s7], [sflag:$0x6] =	stream.linear.gather [hbm4b:s3+s7], $0x1000, $0x38;
	[tilespmem:$0x1E000] =	vst v63  }
0x20: {  	s0 =	sadd.s32 s8, s0;
	_ =	swait.ge [sflag:s15], $0x1000  }
0x21: {  	s0 =	sshrl.u32 s0, $0x3;
	[sflag:s15] =	ssyncset.done $0x0  }
0x22: {  	s0 =	sadd.s32 s1, s0;
	[sflag:s15] =	ssyncadd.s32 $0xFFFFF000  }
0x23: {  	[tilespmem:s16], [sflag:$0x6] =	stream.linear.gather [hbm4b:s0+s7], $0x1000, $0x38;
	[tilespmem:$0x1E000] =	vst v63  }
0x24: {  	s12 =	sor.u32 s30, s7;
	_ =	swait.ge [sflag:s15], $0x1000  }
0x25: {  	p1 =	seq.s32 s12, $0x0;
	[sflag:s15] =	ssyncset.done $0x0  }
0x26: {  	s0 =	simm.s32 @!p1 $0x2;
	[sflag:s15] =	ssyncadd.s32 $0xFFFFF000  }
0x27: {  	_ =	swait.ge @!p1 [sflag:s0], $0x2000  }
0x28: {  	[sflag:s0] =	ssyncset.done @!p1 $0x0  }
0x29: {  	[sflag:s0] =	ssyncadd.s32 @!p1 $0xFFFFE000;
	s0 =	simm.s32 @!p1 $0x3  }
0x2a: {  	_ =	swait.ge @!p1 [sflag:s0], $0x2000  }
0x2b: {  	[sflag:s0] =	ssyncset.done @!p1 $0x0  }
0x2c: {  	[sflag:s0] =	ssyncadd.s32 @!p1 $0xFFFFE000;
	s0 =	simm.s32 @!p1 $0x4  }
0x2d: {  	_ =	swait.ge @!p1 [sflag:s0], $0x2000  }
0x2e: {  	[sflag:s0] =	ssyncset.done @!p1 $0x0  }
0x2f: {  	[sflag:s0] =	ssyncadd.s32 @!p1 $0xFFFFE000;
	s0 =	simm.s32 @!p1 $0x5  }
0x30: {  	_ =	swait.ge @!p1 [sflag:s0], $0x2000  }
0x31: {  	[sflag:s0] =	ssyncset.done @!p1 $0x0  }
0x32: {  	s3 =	simm.s32 $0x0;
	[sflag:s0] =	ssyncadd.s32 @!p1 $0xFFFFE000  }
0x33: {  	[tilespmem:s18], [sflag:$0x1] =	stream.indirect.gather [hbm4b:s6+s17], $0x80, s3, s17, $0xb8;
	[tilespmem:$0x1E000] =	vst v63  }
0x34: {  	s7 =	simm.s32 $0x80  }
0x35: {  	[tilespmem:s19], [sflag:$0x1] =	stream.indirect.gather [hbm4b:s6+s17], $0x80, s7, s17, $0xb8;
	[tilespmem:$0x1E000] =	vst v63  }
0x36: {  	s11 =	simm.s32 $0x100  }
0x37: {  	[tilespmem:s20], [sflag:$0x1] =	stream.indirect.gather [hbm4b:s6+s17], $0x80, s11, s17, $0xb8;
	[tilespmem:$0x1E000] =	vst v63  }
0x38: {  	s12 =	simm.s32 $0x180  }
0x39: {  	[tilespmem:s21], [sflag:$0x1] =	stream.indirect.gather [hbm4b:s6+s17], $0x80, s12, s17, $0xb8;
	[tilespmem:$0x1E000] =	vst v63  }
0x3a: {  	_ =	swait.ge [sflag:s22], $0x2000  }
0x3b: {  	[sflag:s22] =	ssyncset.done $0x0  }
0x3c: {  	s3 =	simm.s32 $0x1000;
	[sflag:s22] =	ssyncadd.s32 $0xFFFFE000  }
0x3d: {  	[spmem:s2] =	stream.indirect.scatter.add.f32 [tilespmem:s18], [sflag:$0x2], $0x80, s3, s17, $0xb8;
	[tilespmem:$0x1E000] =	vst v63  }
0x3e: {  	_ =	swait.ge [sflag:s22], $0x2000  }
0x3f: {  	[sflag:s22] =	ssyncset.done $0x0  }
0x40: {  	s7 =	simm.s32 $0x1080;
	[sflag:s22] =	ssyncadd.s32 $0xFFFFE000  }
0x41: {  	[spmem:s2] =	stream.indirect.scatter.add.f32 [tilespmem:s19], [sflag:$0x3], $0x80, s7, s17, $0xb8;
	[tilespmem:$0x1E000] =	vst v63  }
0x42: {  	_ =	swait.ge [sflag:s22], $0x2000  }
0x43: {  	s0 =	simm.s32 $0x1;
	[sflag:s22] =	ssyncset.done $0x0  }
0x44: {  	s11 =	simm.s32 $0x1100;
	s12 =	sor.u32 s30, s0;
	[sflag:s22] =	ssyncadd.s32 $0xFFFFE000  }
0x45: {  	[spmem:s2] =	stream.indirect.scatter.add.f32 [tilespmem:s20], [sflag:$0x4], $0x80, s11, s17, $0xb8;
	[tilespmem:$0x1E000] =	vst v63  }
0x46: {  	s31 =	simm.s32 $0x800;
	p2 =	seq.s32 s12, $0x0;
	_ =	swait.ge [sflag:s22], $0x2000  }
0x47: {  	s3 =	simm.s32 $0x1000;
	s7 =	simm.s32 $0x1180;
	[sflag:s22] =	ssyncset.done $0x0  }
.LBB2_3:
0x48: {  	s11 =	simm.s32 @!p2 $0x2  }
0x49: {  	[sflag:s22] =	ssyncadd.s32 $0xFFFFE000;
	s12 =	smov.u32 s3;
	s3 =	sadd.s32 $0x800, s3  }
0x4a: {  	[spmem:s2] =	stream.indirect.scatter.add.f32 [tilespmem:s21], [sflag:$0x5], $0x80, s7, s17, $0xb8;
	[tilespmem:$0x1E000] =	vst v63  }
0x4b: {  	p1 =	sne.s32 s3, $0x4000;
	_ =	swait.ge @!p2 [sflag:s11], $0x2000  }
0x4c: {  	[sflag:s11] =	ssyncset.done @!p2 $0x0  }
0x4d: {  	s7 =	simm.s32 @!p2 $0x3;
	[sflag:s11] =	ssyncadd.s32 @!p2 $0xFFFFE000  }
0x4e: {  	_ =	swait.ge @!p2 [sflag:s7], $0x2000  }
0x4f: {  	[sflag:s7] =	ssyncset.done @!p2 $0x0  }
0x50: {  	[sflag:s7] =	ssyncadd.s32 @!p2 $0xFFFFE000;
	s7 =	simm.s32 @!p2 $0x4  }
0x51: {  	_ =	swait.ge @!p2 [sflag:s7], $0x2000  }
0x52: {  	[sflag:s7] =	ssyncset.done @!p2 $0x0  }
0x53: {  	[sflag:s7] =	ssyncadd.s32 @!p2 $0xFFFFE000;
	s7 =	simm.s32 @!p2 $0x5  }
0x54: {  	_ =	swait.ge @!p2 [sflag:s7], $0x2000  }
0x55: {  	[sflag:s7] =	ssyncset.done @!p2 $0x0  }
0x56: {  	[sflag:s7] =	ssyncadd.s32 @!p2 $0xFFFFE000;
	s7 =	sshra.s32 s31, $0x2;
	s31 =	smov.u32 s12  }
0x57: {  	[tilespmem:s18], [sflag:$0x1] =	stream.indirect.gather [hbm4b:s6+s17], $0x80, s7, s17, $0xb8;
	[tilespmem:$0x1E000] =	vst v63  }
0x58: {  	s11 =	sadd.s32 $0x80, s7  }
0x59: {  	[tilespmem:s19], [sflag:$0x1] =	stream.indirect.gather [hbm4b:s6+s17], $0x80, s11, s17, $0xb8;
	[tilespmem:$0x1E000] =	vst v63  }
0x5a: {  	s11 =	sadd.s32 $0x100, s7  }
0x5b: {  	[tilespmem:s20], [sflag:$0x1] =	stream.indirect.gather [hbm4b:s6+s17], $0x80, s11, s17, $0xb8;
	[tilespmem:$0x1E000] =	vst v63  }
0x5c: {  	s11 =	sadd.s32 $0x180, s7  }
0x5d: {  	[tilespmem:s21], [sflag:$0x1] =	stream.indirect.gather [hbm4b:s6+s17], $0x80, s11, s17, $0xb8;
	[tilespmem:$0x1E000] =	vst v63  }
0x5e: {  	_ =	swait.ge [sflag:s22], $0x2000  }
0x5f: {  	[sflag:s22] =	ssyncset.done $0x0  }
0x60: {  	s11 =	sadd.s32 $0x1000, s7;
	[sflag:s22] =	ssyncadd.s32 $0xFFFFE000  }
0x61: {  	[spmem:s2] =	stream.indirect.scatter.add.f32 [tilespmem:s18], [sflag:$0x2], $0x80, s11, s17, $0xb8;
	[tilespmem:$0x1E000] =	vst v63  }
0x62: {  	_ =	swait.ge [sflag:s22], $0x2000  }
0x63: {  	[sflag:s22] =	ssyncset.done $0x0  }
0x64: {  	s11 =	sadd.s32 $0x1080, s7;
	[sflag:s22] =	ssyncadd.s32 $0xFFFFE000  }
0x65: {  	[spmem:s2] =	stream.indirect.scatter.add.f32 [tilespmem:s19], [sflag:$0x3], $0x80, s11, s17, $0xb8;
	[tilespmem:$0x1E000] =	vst v63  }
0x66: {  	_ =	swait.ge [sflag:s22], $0x2000  }
.Ltmp0:
0x67: {  	[sflag:s22] =	ssyncset.done $0x0;
	(pc) =	sbr.rel @p1 .LBB2_3-.Ltmp0, $4  }
0x68: {  	s0 =	sadd.s32 $0x1, s0;
	s11 =	sadd.s32 $0x1100, s7;
	[sflag:s22] =	ssyncadd.s32 $0xFFFFE000  }
0x69: {  	[spmem:s2] =	stream.indirect.scatter.add.f32 [tilespmem:s20], [sflag:$0x4], $0x80, s11, s17, $0xb8;
	[tilespmem:$0x1E000] =	vst v63  }
0x6a: {  	s11 =	sor.u32 s30, s0;
	_ =	swait.ge [sflag:s22], $0x2000  }
0x6b: {  	s7 =	sadd.s32 $0x1180, s7;
	p2 =	seq.s32 s11, $0x0;
	[sflag:s22] =	ssyncset.done $0x0  }
0x6c: {  	s0 =	simm.s32 @!p2 $0x2;
	[sflag:s22] =	ssyncadd.s32 $0xFFFFE000  }
0x6d: {  	[spmem:s2] =	stream.indirect.scatter.add.f32 [tilespmem:s21], [sflag:$0x5], $0x80, s7, s17, $0xb8;
	[tilespmem:$0x1E000] =	vst v63  }
0x6e: {  	_ =	swait.ge @!p2 [sflag:s0], $0x2000  }
0x6f: {  	[sflag:s0] =	ssyncset.done @!p2 $0x0  }
0x70: {  	[sflag:s0] =	ssyncadd.s32 @!p2 $0xFFFFE000;
	s0 =	simm.s32 @!p2 $0x3  }
0x71: {  	_ =	swait.ge @!p2 [sflag:s0], $0x2000  }
0x72: {  	[sflag:s0] =	ssyncset.done @!p2 $0x0  }
0x73: {  	[sflag:s0] =	ssyncadd.s32 @!p2 $0xFFFFE000;
	s0 =	simm.s32 @!p2 $0x4  }
0x74: {  	_ =	swait.ge @!p2 [sflag:s0], $0x2000  }
0x75: {  	[sflag:s0] =	ssyncset.done @!p2 $0x0  }
0x76: {  	[sflag:s0] =	ssyncadd.s32 @!p2 $0xFFFFE000;
	s0 =	simm.s32 @!p2 $0x5  }
0x77: {  	_ =	swait.ge @!p2 [sflag:s0], $0x2000  }
0x78: {  	[sflag:s0] =	ssyncset.done @!p2 $0x0  }
0x79: {  	[sflag:s0] =	ssyncadd.s32 @!p2 $0xFFFFE000;
	s0 =	sshra.s32 s31, $0x2  }
0x7a: {  	[tilespmem:s18], [sflag:$0x1] =	stream.indirect.gather [hbm4b:s6+s17], $0x80, s0, s17, $0xb8;
	[tilespmem:$0x1E000] =	vst v63  }
0x7b: {  	s3 =	sadd.s32 $0x80, s0  }
0x7c: {  	[tilespmem:s19], [sflag:$0x1] =	stream.indirect.gather [hbm4b:s6+s17], $0x80, s3, s17, $0xb8;
	[tilespmem:$0x1E000] =	vst v63  }
0x7d: {  	s31 =	sadd.s32 $0x100, s0  }
0x7e: {  	[tilespmem:s20], [sflag:$0x1] =	stream.indirect.gather [hbm4b:s6+s17], $0x80, s31, s17, $0xb8;
	[tilespmem:$0x1E000] =	vst v63  }
0x7f: {  	s7 =	sadd.s32 $0x180, s0  }
0x80: {  	[tilespmem:s21], [sflag:$0x1] =	stream.indirect.gather [hbm4b:s6+s17], $0x80, s7, s17, $0xb8;
	[tilespmem:$0x1E000] =	vst v63  }
0x81: {  	_ =	swait.ge [sflag:s22], $0x2000  }
0x82: {  	[sflag:s22] =	ssyncset.done $0x0  }
0x83: {  	s11 =	sadd.s32 $0x1000, s0;
	[sflag:s22] =	ssyncadd.s32 $0xFFFFE000  }
0x84: {  	[spmem:s2] =	stream.indirect.scatter.add.f32 [tilespmem:s18], [sflag:$0x2], $0x80, s11, s17, $0xb8;
	[tilespmem:$0x1E000] =	vst v63  }
0x85: {  	_ =	swait.ge [sflag:s22], $0x2000  }
0x86: {  	[sflag:s22] =	ssyncset.done $0x0  }
0x87: {  	s12 =	sadd.s32 $0x1080, s0;
	[sflag:s22] =	ssyncadd.s32 $0xFFFFE000  }
0x88: {  	[spmem:s2] =	stream.indirect.scatter.add.f32 [tilespmem:s19], [sflag:$0x3], $0x80, s12, s17, $0xb8;
	[tilespmem:$0x1E000] =	vst v63  }
0x89: {  	_ =	swait.ge [sflag:s22], $0x2000  }
0x8a: {  	s30 =	sadd.s32 $0x1, s30;
	[sflag:s22] =	ssyncset.done $0x0  }
0x8b: {  	p1 =	sne.s32 s30, $0xA;
	s31 =	sadd.s32 $0x1100, s0;
	[sflag:s22] =	ssyncadd.s32 $0xFFFFE000  }
0x8c: {  	[spmem:s2] =	stream.indirect.scatter.add.f32 [tilespmem:s20], [sflag:$0x4], $0x80, s31, s17, $0xb8;
	[tilespmem:$0x1E000] =	vst v63  }
.Ltmp1:
0x8d: {  	_ = 	snop;
	(pc) =	sbr.rel @p1 .LBB2_2-.Ltmp1, $4  }
0x8e: {  	_ =	swait.ge [sflag:s22], $0x2000  }
0x8f: {  	[sflag:s22] =	ssyncset.done $0x0  }
0x90: {  	s0 =	sadd.s32 $0x1180, s0;
	[sflag:s22] =	ssyncadd.s32 $0xFFFFE000  }
0x91: {  	[spmem:s2] =	stream.indirect.scatter.add.f32 [tilespmem:s21], [sflag:$0x5], $0x80, s0, s17, $0xb8;
	[tilespmem:$0x1E000] =	vst v63  }
0x92: {  	_ =	swait.ge [sflag:s23], $0x2000  }
0x93: {  	[sflag:s23] =	ssyncset.done $0x0  }
0x94: {  	[sflag:s23] =	ssyncadd.s32 $0xFFFFE000  }
0x95: {  	_ =	swait.ge [sflag:s26], $0x2000  }
0x96: {  	[sflag:s26] =	ssyncset.done $0x0  }
0x97: {  	[sflag:s26] =	ssyncadd.s32 $0xFFFFE000  }
0x98: {  	_ =	swait.ge [sflag:s28], $0x2000  }
0x99: {  	[sflag:s28] =	ssyncset.done $0x0  }
0x9a: {  	[sflag:s28] =	ssyncadd.s32 $0xFFFFE000  }
0x9b: {  	_ =	swait.ge [sflag:s29], $0x2000  }
0x9c: {  	[sflag:s29] =	ssyncset.done $0x0  }
0x9d: {  	[sflag:s29] =	ssyncadd.s32 $0xFFFFE000  }
0x9e: {  	[bflag:$0x0] =	sbarrier.arrive $0xFFFF  }
0x9f: {  	s0 =	rddreg [dreg:$0x5]  }
0xa0: {  	[hbm:s0], [sflag:s9] =	dma.local [spmem:s24], $0x2700  }
0xa1: {  	_ =	swait.ge [sflag:s15], $0x2700  }
0xa2: {  	s4 =	sadd.s32 $0x1, s4;
	[sflag:s15] =	ssyncset.done $0x0  }
0xa3: {  	p1 =	sne.s32 s4, s13;
	s0 =	rddreg [dreg:$0x6];
	[sflag:s15] =	ssyncadd.s32 $0xFFFFD900  }
0xa4: {  	[hbm:s0], [sflag:s9] =	dma.local @!p0 [spmem:s25], $0x100  }
.Ltmp2:
0xa5: {  	_ = 	snop;
	(pc) =	sbr.rel @p1 .LBB2_1-.Ltmp2, $4  }
0xa6: {  	s0 =	simm.s32 @!p0 $0x6  }
0xa7: {  	_ =	swait.ge @!p0 [sflag:s0], $0x100  }
0xa8: {  	[sflag:s0] =	ssyncset.done @!p0 $0x0  }
0xa9: {  	[sflag:s0] =	ssyncadd.s32 @!p0 $0xFFFFFF00  }
0xaa: {  	_ =	sfence.sel $0x180000  }
0xab: {  	[bflag:$0x0] =	sbarrier.arrive $0xFFFF  }
0xac: {  	_ =	strace $0x90000050  }
0xad: {  	s0 =	stileid.u32;
	[bflag:$0x2] =	sbarrier.arrive $0xFFFF  }
0xae: {  	p0 =	sne.s32 s0, $0x0;
	s0 =	rddreg [dreg:$0x3]  }
0xaf: {  	s0 =	sadd.s32 @!p0 $0x100000, s0  }
0xb0: {  	[sflag:s0] =	ssyncadd.tile.s32 @!p0 $0x1;
	_ =	shalt  }
.Lfunc_end2:
_tile_overlayer_lowered:
.L_overlay_start_2:
0xb1: {  	(tag) =	ssettag $0x2  }
0xb2: {  	s0 =	rddreg [dreg:$0x0];
	s2 =	stileid.u32  }
0xb3: {  	s1 =	rddreg [dreg:$0x1];
	p0 =	sne.s32 s2, $0x0  }
0xb4: {  	s3 =	rddreg [dreg:$0x2];
	[bflag:$0x3] =	sbarrier.arrive $0xFFFF;
	s2 =	simm.s32 @!p0 $0x1C06  }
0xb5: {  	[timem:s3], [sflag:s2] =	dma.local @!p0 [hbm:s0], s1  }
0xb6: {  	s0 =	simm.s32 @!p0 $0x6  }
0xb7: {  	_ =	swait.ge @!p0 [sflag:s0], s1  }
0xb8: {  	s1 =	ssub.s32 @!p0 $0x0, s1;
	[sflag:s0] =	ssyncset.done @!p0 $0x0  }
0xb9: {  	[sflag:s0] =	ssyncadd.s32 @!p0 s1  }
0xba: {  	[bflag:$0x3] =	sbarrier.arrive $0xFFFF  }
0xbb: {  	_ =	shalt  }

</sc_bundles>
